<compile_context>
chip_gen: v7x
topology: tpu7x:2x2x1
jax: 0.10.2.dev20260603
libtpu: 0.0.44.dev20260713+nightly
codegen_flags: <defaults>
</compile_context>

<pallas_src>
import functools

import jax
import jax.numpy as jnp
from jax import lax
from jax.experimental import pallas as pl
from jax.experimental.pallas import tpu as pltpu
from jax.experimental.pallas import tpu_sc as plsc

_V = 100000
_D = 128
_L = 200
_K = 64
_N = 16
_B_OBS = _L * _N
_B_CAND = _L * _K
_B_TOTAL = _B_OBS + _B_CAND + _B_OBS

_NC = 2
_NS = 16
_NW = _NC * _NS
_B_PER_W = _B_TOTAL // _NW
_CHUNK = 120
_NCHUNK = _B_PER_W // _CHUNK


def _sc_gather(table, idx):
  mesh = plsc.VectorSubcoreMesh(core_axis_name="c", subcore_axis_name="s")

  @functools.partial(
      pl.kernel,
      mesh=mesh,
      out_type=jax.ShapeDtypeStruct((_B_TOTAL, _D), jnp.float32),
      scratch_types=[
          pltpu.VMEM((_B_PER_W,), jnp.int32),
          pltpu.VMEM((_B_PER_W, _D), jnp.float32),
          pltpu.SemaphoreType.DMA,
      ],
  )
  def gather_kernel(table_hbm, idx_hbm, out_hbm, idx_v, rows_v, sem):
    wid = lax.axis_index("s") * _NC + lax.axis_index("c")
    base = wid * _B_PER_W
    pltpu.sync_copy(idx_hbm.at[pl.ds(base, _B_PER_W)], idx_v)
    copies = []
    for c in range(_NCHUNK):
      copies.append(
          pltpu.async_copy(
              table_hbm.at[idx_v.at[pl.ds(c * _CHUNK, _CHUNK)]],
              rows_v.at[pl.ds(c * _CHUNK, _CHUNK)],
              sem,
          ))
    for cp in copies:
      cp.wait()
    pltpu.sync_copy(rows_v, out_hbm.at[pl.ds(base, _B_PER_W)])

  return gather_kernel(table, idx)


def _fused_body(w_ec_ref, b_ec_ref, b_el_ref, w_tc_ref, b_tc_ref, b_tl_ref,
                rows_ref, wl_e_ref, wl_t_ref, out_ref, m_scr):
  zcol = jnp.zeros((1, 1), jnp.float32)

  def wtilde(wl, w3_ref, c):
    shl = jnp.concatenate([wl[:, 1:], zcol], axis=1)
    shr = jnp.concatenate([zcol, wl[:, :-1]], axis=1)
    return (w3_ref[0, c, 0] * shl + w3_ref[0, c, 1] * wl
            + w3_ref[0, c, 2] * shr)

  wl_e = wl_e_ref[...]
  wl_t = wl_t_ref[...]
  w_t0 = wtilde(wl_t, w_tc_ref, 0).reshape(1, 1, _D)
  w_t1 = wtilde(wl_t, w_tc_ref, 1).reshape(1, 1, _D)
  w_e0 = wtilde(wl_e, w_ec_ref, 0).reshape(1, 1, _D)
  w_e1 = wtilde(wl_e, w_ec_ref, 1).reshape(1, 1, _D)
  c_t = b_tc_ref[0] * jnp.sum(wl_t) + b_tl_ref[0]
  c_e = b_ec_ref[0] * jnp.sum(wl_e) + b_el_ref[0]

  inv_n = jnp.float32(1.0 / _N)
  obs_mean = (jnp.sum(rows_ref[0:_B_OBS].reshape(_L, _N, _D), axis=1)
              * inv_n)
  hid_mean = (jnp.sum(rows_ref[_B_OBS + _B_CAND:_B_TOTAL]
                      .reshape(_L, _N, _D), axis=1) * inv_n)

  def mproj(mat, w):
    return jnp.sum(mat * w.reshape(1, _D), axis=1, keepdims=True)

  obs_e0 = mproj(obs_mean, w_e0)
  obs_e1 = mproj(obs_mean, w_e1)
  hid_t0 = mproj(hid_mean, w_t0)
  hid_t1 = mproj(hid_mean, w_t1)
  hid_e0 = mproj(hid_mean, w_e0)

  cand = rows_ref[_B_OBS:_B_OBS + _B_CAND].reshape(_L, _K, _D)

  a_mat = jnp.sum(cand * w_t0, axis=2)
  b_mat = jnp.sum(cand * w_t1, axis=2)
  e_mat = jnp.sum(cand * w_e1, axis=2)

  em = jax.nn.sigmoid(c_e + obs_e0 + e_mat)

  s_logit = c_t + a_mat[:-1][:, :, None] + b_mat[1:][:, None, :]
  m_scr[...] = jnp.exp(jax.nn.sigmoid(s_logit) + em[1:][:, None, :])

  z0 = jnp.exp(em[0:1, :])
  logs = []
  srcs = [m_scr[t] for t in range(_L - 1)]
  level = 0
  while len(srcs) > 1:
    level += 1
    rescale = level in (3, 6)
    dsts = []
    for k in range(len(srcs) // 2):
      p = jnp.dot(srcs[2 * k], srcs[2 * k + 1],
                  preferred_element_type=jnp.float32)
      if rescale:
        mx = jnp.max(p, axis=(0, 1), keepdims=True)
        logs.append(jnp.log(mx))
        p = p * (1.0 / mx)
      dsts.append(p)
    if len(srcs) % 2:
      carry = srcs[-1]
      if rescale:
        mx = jnp.max(carry, axis=(0, 1), keepdims=True)
        logs.append(jnp.log(mx))
        carry = carry * (1.0 / mx)
      dsts.append(carry)
    srcs = dsts
  z = jnp.dot(z0, srcs[0], preferred_element_type=jnp.float32)
  logz = logs[0]
  for lg in logs[1:]:
    logz = logz + lg
  fwd = logz + jnp.log(jnp.sum(z, axis=1, keepdims=True))

  e_terms = jax.nn.sigmoid(c_e + hid_e0 + obs_e1)
  t_terms = jax.nn.sigmoid(c_t + hid_t0[1:] + hid_t1[:-1])
  gold = (jnp.sum(e_terms, axis=0, keepdims=True)
          + jnp.sum(t_terms, axis=0, keepdims=True))

  out_ref[...] = fwd - gold


def _fused_score(w_ec, b_ec, b_el, w_tc, b_tc, b_tl, rows, wl_e, wl_t):
  return pl.pallas_call(
      _fused_body,
      out_shape=jax.ShapeDtypeStruct((1, 1), jnp.float32),
      in_specs=[
          pl.BlockSpec(memory_space=pltpu.SMEM),
          pl.BlockSpec(memory_space=pltpu.SMEM),
          pl.BlockSpec(memory_space=pltpu.SMEM),
          pl.BlockSpec(memory_space=pltpu.SMEM),
          pl.BlockSpec(memory_space=pltpu.SMEM),
          pl.BlockSpec(memory_space=pltpu.SMEM),
          pl.BlockSpec(memory_space=pltpu.VMEM),
          pl.BlockSpec(memory_space=pltpu.VMEM),
          pl.BlockSpec(memory_space=pltpu.VMEM),
      ],
      scratch_shapes=[pltpu.VMEM((_L - 1, _K, _K), jnp.float32)],
  )(w_ec, b_ec, b_el, w_tc, b_tc, b_tl, rows, wl_e, wl_t)


def kernel(W_embed, w_ec, b_ec, w_el, b_el, w_tc, b_tc, w_tl, b_tl,
           observed, candidates, hidden_states):
  idx = jnp.concatenate([
      observed.reshape(-1),
      candidates.reshape(-1),
      hidden_states.reshape(-1),
  ]).astype(jnp.int32)
  rows = _sc_gather(W_embed, idx)
  out = _fused_score(w_ec, b_ec, b_el, w_tc, b_tc, b_tl, rows, w_el, w_tl)
  return out.reshape((1,))

# --- scband reference (transcript-rebuilt; emitter-appended) ---
"""Pipeline reference for scband-bi-lstm-crf-18098992185950 (READ-ONLY COPY).

The authoritative reference and input builder live on the scoring server;
editing this copy changes nothing except your own understanding.
"""

import jax, jax.numpy as jnp
import numpy as np

V = 100000
D = 128
L = 200
K = 64
N = 16


def _conv1d2(x, w, b):
    # x: [B, 2, D], w: [1, 2, 3], b: [1]  (Conv1d in=2, out=1, k=3, pad=1)
    Dd = x.shape[-1]
    xp = jnp.pad(x, ((0, 0), (0, 0), (1, 1)))
    out = jnp.zeros((x.shape[0], Dd), dtype=x.dtype) + b[0]
    for c in range(2):
        for k in range(3):
            out = out + w[0, c, k] * xp[:, c, k:k + Dd]
    return out


def _E(feat, cands, w_ec, b_ec, w_el, b_el):
    # emit score of each candidate vs frame feature; batched version of BiLSTM_CRF.E
    x = jnp.stack([jnp.broadcast_to(feat, cands.shape), cands], axis=1)  # [K,2,D]
    v = _conv1d2(x, w_ec, b_ec)  # [K,D]
    return jax.nn.sigmoid(v @ w_el[0] + b_el[0])  # [K]


def _T(prev, cur, w_tc, b_tc, w_tl, b_tl):
    # transition score for all (prev, cur) candidate pairs; batched BiLSTM_CRF.T
    Kp, Dd = prev.shape
    Kc = cur.shape[0]
    a = jnp.broadcast_to(prev[:, None, :], (Kp, Kc, Dd))
    bb = jnp.broadcast_to(cur[None, :, :], (Kp, Kc, Dd))
    x = jnp.stack([a, bb], axis=2).reshape(Kp * Kc, 2, Dd)
    v = _conv1d2(x, w_tc, b_tc)
    return jax.nn.sigmoid(v @ w_tl[0] + b_tl[0]).reshape(Kp, Kc)


def setup_inputs(seed: int = 0) -> dict:
    key = jax.random.key(seed)
    ks = jax.random.split(key, 10)
    observed = jax.random.randint(ks[0], (L, N), 0, V)
    candidates = jax.random.randint(ks[1], (L, K), 0, V)
    hidden_states = jax.random.randint(ks[2], (L, N), 0, V)
    W_embed = jax.random.normal(ks[3], (V, D), dtype=jnp.float32) * 0.02
    w_ec = jax.random.normal(ks[4], (1, 2, 3), dtype=jnp.float32) * 0.4
    b_ec = jnp.zeros((1,), dtype=jnp.float32)
    w_el = jax.random.normal(ks[5], (1, D), dtype=jnp.float32) * 0.08
    b_el = jnp.zeros((1,), dtype=jnp.float32)
    w_tc = jax.random.normal(ks[6], (1, 2, 3), dtype=jnp.float32) * 0.4
    b_tc = jnp.zeros((1,), dtype=jnp.float32)
    w_tl = jax.random.normal(ks[7], (1, D), dtype=jnp.float32) * 0.08
    b_tl = jnp.zeros((1,), dtype=jnp.float32)
    return {"W_embed": W_embed, "w_ec": w_ec, "b_ec": b_ec, "w_el": w_el, "b_el": b_el,
            "w_tc": w_tc, "b_tc": b_tc, "w_tl": w_tl, "b_tl": b_tl,
            "observed": observed, "candidates": candidates, "hidden_states": hidden_states}


def reference(W_embed, w_ec, b_ec, w_el, b_el, w_tc, b_tc, w_tl, b_tl,
              observed, candidates, hidden_states):
    # _get_embeded_features: mean of embedding gathers per position (GCN output is
    # computed but unused in the original torch code, so it is dead code here)
    feats = jnp.mean(jnp.take(W_embed, observed, axis=0), axis=1)  # [L, D]
    cand_vecs = jnp.take(W_embed, candidates, axis=0)  # [L, K, D]

    # _forward_alg: CRF-style forward recursion over candidate lattice
    alpha = _E(feats[0], cand_vecs[0], w_ec, b_ec, w_el, b_el)  # [K]

    def step(alpha, xs):
        prev_v, cur_v, feat = xs
        Tm = _T(prev_v, cur_v, w_tc, b_tc, w_tl, b_tl)  # [K, K]
        Em = _E(feat, cur_v, w_ec, b_ec, w_el, b_el)  # [K]
        smat = alpha[:, None] + Tm + Em[None, :]
        vmax = smat.max(axis=0, keepdims=True)
        new = (jnp.log(jnp.sum(jnp.exp(smat - vmax), axis=0, keepdims=True)) + vmax)[0]
        return new, None

    alpha, _ = jax.lax.scan(step, alpha, (cand_vecs[:-1], cand_vecs[1:], feats[1:]))
    vmax = alpha.max()
    forward_score = jnp.log(jnp.sum(jnp.exp(alpha - vmax))) + vmax

    # _score_sentence: gold path score
    merged = jnp.mean(jnp.take(W_embed, hidden_states, axis=0), axis=1)  # [L, D]
    xE = jnp.stack([merged, feats], axis=1)  # E(merged_i, frame_i)
    e_terms = jax.nn.sigmoid(_conv1d2(xE, w_ec, b_ec) @ w_el[0] + b_el[0])
    xT = jnp.stack([merged[1:], merged[:-1]], axis=1)  # T(merged_i, merged_{i-1})
    t_terms = jax.nn.sigmoid(_conv1d2(xT, w_tc, b_tc) @ w_tl[0] + b_tl[0])
    gold_score = jnp.sum(e_terms) + jnp.sum(t_terms)

    # neg_log_likelihood = forward_score - gold_score
    return jnp.reshape(forward_score - gold_score, (1,))

if __name__ == "__main__":
    import jax
    _d = setup_inputs()
    print(jax.jit(kernel)(*tuple(_d.values())))

</pallas_src>

<mosaic_0001>
#map = affine_map<(d0, d1) -> (0, 0)>
#map1 = affine_map<(d0, d1) -> (0)>
module attributes {stable_mosaic.version = 14 : i64} {
  func.func @gather_kernel(%arg0: i32, %arg1: i32, %arg2: memref<100000x128xf32, #tpu.memory_space<hbm>>, %arg3: memref<19200xi32, #tpu.memory_space<hbm>>, %arg4: memref<19200x128xf32, #tpu.memory_space<hbm>>, %arg5: memref<600xi32, #tpu.memory_space<vmem>>, %arg6: memref<600x128xf32, #tpu.memory_space<vmem>>, %arg7: memref<!tpu.dma_semaphore, #tpu.memory_space<semaphore_mem>>) attributes {dimension_semantics = [#tpu.dimension_semantics<core_parallel>, #tpu.dimension_semantics<subcore_parallel>], iteration_bounds = array<i64: 2, 16>, scalar_prefetch = 0 : i64, scratch_operands = 3 : i64, tpu.core_type = #tpu.core_type<sc_vector_subcore>, window_params = [{transform_indices = #map}, {transform_indices = #map1}, {transform_indices = #map}]} {
    %mul3A = arith.constant 2 : i32
    %mul3A_0 = arith.muli %arg1, %mul3A : i32
    %add3A = arith.addi %mul3A_0, %arg0 : i32
    %mul3A_1 = arith.constant 600 : i32
    %mul3A_2 = arith.muli %add3A, %mul3A_1 : i32
    "tpu.region"() ({
      %run_scoped3A = tpu.sem_alloc : memref<!tpu.dma_semaphore, #tpu.memory_space<semaphore_mem>>
      %dma_start3A_81 = tpu.memref_slice %arg3[%mul3A_2] : memref<19200xi32, #tpu.memory_space<hbm>> -> memref<600xi32, #tpu.memory_space<hbm>>
      %dma_start3A_82 = tpu.memref_slice %arg3[%mul3A_2] : memref<19200xi32, #tpu.memory_space<hbm>> -> memref<600xi32, #tpu.memory_space<hbm>>
      tpu.enqueue_dma source(%dma_start3A_82 : memref<600xi32, #tpu.memory_space<hbm>>) target(%arg5 : memref<600xi32, #tpu.memory_space<vmem>>) target_semaphore(%run_scoped3A : memref<!tpu.dma_semaphore, #tpu.memory_space<semaphore_mem>>)
      %dma_wait3A_83 = tpu.memref_slice %arg3[%mul3A_2] : memref<19200xi32, #tpu.memory_space<hbm>> -> memref<600xi32, #tpu.memory_space<hbm>>
      %dma_wait3A_84 = tpu.memref_slice %arg3[%mul3A_2] : memref<19200xi32, #tpu.memory_space<hbm>> -> memref<600xi32, #tpu.memory_space<hbm>>
      tpu.wait_dma2 semaphore(%run_scoped3A : memref<!tpu.dma_semaphore, #tpu.memory_space<semaphore_mem>>) src(%dma_wait3A_84 : memref<600xi32, #tpu.memory_space<hbm>>) dst(%arg5 : memref<600xi32, #tpu.memory_space<vmem>>)
      tpu.yield
    }) : () -> ()
    %dma_start3A = arith.constant 0 : i32
    %dma_start3A_3 = arith.constant 0 : i32
    %dma_start3A_4 = tpu.memref_slice %arg6[%dma_start3A, %dma_start3A_3] : memref<600x128xf32, #tpu.memory_space<vmem>> -> memref<120x128xf32, #tpu.memory_space<vmem>>
    %dma_start3A_5 = arith.constant 0 : i32
    %dma_start3A_6 = tpu.memref_slice %arg5[%dma_start3A_5] : memref<600xi32, #tpu.memory_space<vmem>> -> memref<120xi32, #tpu.memory_space<vmem>>
    %dma_start3A_7 = arith.constant 0 : i32
    %dma_start3A_8 = arith.constant 0 : i32
    %dma_start3A_9 = tpu.memref_slice %arg2[%dma_start3A_7, %dma_start3A_8] : memref<100000x128xf32, #tpu.memory_space<hbm>> -> memref<100000x128xf32, #tpu.memory_space<hbm>>
    tpu.enqueue_indirect_dma source(%dma_start3A_9 : memref<100000x128xf32, #tpu.memory_space<hbm>>) target(%dma_start3A_4 : memref<120x128xf32, #tpu.memory_space<vmem>>) offsets(%dma_start3A_6 : memref<120xi32, #tpu.memory_space<vmem>>) semaphore(%arg7 : memref<!tpu.dma_semaphore, #tpu.memory_space<semaphore_mem>>)
    %dma_start3A_10 = arith.constant 120 : i32
    %dma_start3A_11 = arith.constant 0 : i32
    %dma_start3A_12 = tpu.memref_slice %arg6[%dma_start3A_10, %dma_start3A_11] : memref<600x128xf32, #tpu.memory_space<vmem>> -> memref<120x128xf32, #tpu.memory_space<vmem>>
    %dma_start3A_13 = arith.constant 120 : i32
    %dma_start3A_14 = tpu.memref_slice %arg5[%dma_start3A_13] : memref<600xi32, #tpu.memory_space<vmem>> -> memref<120xi32, #tpu.memory_space<vmem>>
    %dma_start3A_15 = arith.constant 0 : i32
    %dma_start3A_16 = arith.constant 0 : i32
    %dma_start3A_17 = tpu.memref_slice %arg2[%dma_start3A_15, %dma_start3A_16] : memref<100000x128xf32, #tpu.memory_space<hbm>> -> memref<100000x128xf32, #tpu.memory_space<hbm>>
    tpu.enqueue_indirect_dma source(%dma_start3A_17 : memref<100000x128xf32, #tpu.memory_space<hbm>>) target(%dma_start3A_12 : memref<120x128xf32, #tpu.memory_space<vmem>>) offsets(%dma_start3A_14 : memref<120xi32, #tpu.memory_space<vmem>>) semaphore(%arg7 : memref<!tpu.dma_semaphore, #tpu.memory_space<semaphore_mem>>)
    %dma_start3A_18 = arith.constant 240 : i32
    %dma_start3A_19 = arith.constant 0 : i32
    %dma_start3A_20 = tpu.memref_slice %arg6[%dma_start3A_18, %dma_start3A_19] : memref<600x128xf32, #tpu.memory_space<vmem>> -> memref<120x128xf32, #tpu.memory_space<vmem>>
    %dma_start3A_21 = arith.constant 240 : i32
    %dma_start3A_22 = tpu.memref_slice %arg5[%dma_start3A_21] : memref<600xi32, #tpu.memory_space<vmem>> -> memref<120xi32, #tpu.memory_space<vmem>>
    %dma_start3A_23 = arith.constant 0 : i32
    %dma_start3A_24 = arith.constant 0 : i32
    %dma_start3A_25 = tpu.memref_slice %arg2[%dma_start3A_23, %dma_start3A_24] : memref<100000x128xf32, #tpu.memory_space<hbm>> -> memref<100000x128xf32, #tpu.memory_space<hbm>>
    tpu.enqueue_indirect_dma source(%dma_start3A_25 : memref<100000x128xf32, #tpu.memory_space<hbm>>) target(%dma_start3A_20 : memref<120x128xf32, #tpu.memory_space<vmem>>) offsets(%dma_start3A_22 : memref<120xi32, #tpu.memory_space<vmem>>) semaphore(%arg7 : memref<!tpu.dma_semaphore, #tpu.memory_space<semaphore_mem>>)
    %dma_start3A_26 = arith.constant 360 : i32
    %dma_start3A_27 = arith.constant 0 : i32
    %dma_start3A_28 = tpu.memref_slice %arg6[%dma_start3A_26, %dma_start3A_27] : memref<600x128xf32, #tpu.memory_space<vmem>> -> memref<120x128xf32, #tpu.memory_space<vmem>>
    %dma_start3A_29 = arith.constant 360 : i32
    %dma_start3A_30 = tpu.memref_slice %arg5[%dma_start3A_29] : memref<600xi32, #tpu.memory_space<vmem>> -> memref<120xi32, #tpu.memory_space<vmem>>
    %dma_start3A_31 = arith.constant 0 : i32
    %dma_start3A_32 = arith.constant 0 : i32
    %dma_start3A_33 = tpu.memref_slice %arg2[%dma_start3A_31, %dma_start3A_32] : memref<100000x128xf32, #tpu.memory_space<hbm>> -> memref<100000x128xf32, #tpu.memory_space<hbm>>
    tpu.enqueue_indirect_dma source(%dma_start3A_33 : memref<100000x128xf32, #tpu.memory_space<hbm>>) target(%dma_start3A_28 : memref<120x128xf32, #tpu.memory_space<vmem>>) offsets(%dma_start3A_30 : memref<120xi32, #tpu.memory_space<vmem>>) semaphore(%arg7 : memref<!tpu.dma_semaphore, #tpu.memory_space<semaphore_mem>>)
    %dma_start3A_34 = arith.constant 480 : i32
    %dma_start3A_35 = arith.constant 0 : i32
    %dma_start3A_36 = tpu.memref_slice %arg6[%dma_start3A_34, %dma_start3A_35] : memref<600x128xf32, #tpu.memory_space<vmem>> -> memref<120x128xf32, #tpu.memory_space<vmem>>
    %dma_start3A_37 = arith.constant 480 : i32
    %dma_start3A_38 = tpu.memref_slice %arg5[%dma_start3A_37] : memref<600xi32, #tpu.memory_space<vmem>> -> memref<120xi32, #tpu.memory_space<vmem>>
    %dma_start3A_39 = arith.constant 0 : i32
    %dma_start3A_40 = arith.constant 0 : i32
    %dma_start3A_41 = tpu.memref_slice %arg2[%dma_start3A_39, %dma_start3A_40] : memref<100000x128xf32, #tpu.memory_space<hbm>> -> memref<100000x128xf32, #tpu.memory_space<hbm>>
    tpu.enqueue_indirect_dma source(%dma_start3A_41 : memref<100000x128xf32, #tpu.memory_space<hbm>>) target(%dma_start3A_36 : memref<120x128xf32, #tpu.memory_space<vmem>>) offsets(%dma_start3A_38 : memref<120xi32, #tpu.memory_space<vmem>>) semaphore(%arg7 : memref<!tpu.dma_semaphore, #tpu.memory_space<semaphore_mem>>)
    %dma_wait3A = arith.constant 0 : i32
    %dma_wait3A_42 = arith.constant 0 : i32
    %dma_wait3A_43 = tpu.memref_slice %arg6[%dma_wait3A, %dma_wait3A_42] : memref<600x128xf32, #tpu.memory_space<vmem>> -> memref<120x128xf32, #tpu.memory_space<vmem>>
    %dma_wait3A_44 = arith.constant 0 : i32
    %dma_wait3A_45 = tpu.memref_slice %arg5[%dma_wait3A_44] : memref<600xi32, #tpu.memory_space<vmem>> -> memref<120xi32, #tpu.memory_space<vmem>>
    %dma_wait3A_46 = arith.constant 0 : i32
    %dma_wait3A_47 = arith.constant 0 : i32
    %dma_wait3A_48 = tpu.memref_slice %arg2[%dma_wait3A_46, %dma_wait3A_47] : memref<100000x128xf32, #tpu.memory_space<hbm>> -> memref<100000x128xf32, #tpu.memory_space<hbm>>
    tpu.wait_indirect_dma semaphore(%arg7 : memref<!tpu.dma_semaphore, #tpu.memory_space<semaphore_mem>>) src(%dma_wait3A_48 : memref<100000x128xf32, #tpu.memory_space<hbm>>) dst(%dma_wait3A_43 : memref<120x128xf32, #tpu.memory_space<vmem>>)
    %dma_wait3A_49 = arith.constant 120 : i32
    %dma_wait3A_50 = arith.constant 0 : i32
    %dma_wait3A_51 = tpu.memref_slice %arg6[%dma_wait3A_49, %dma_wait3A_50] : memref<600x128xf32, #tpu.memory_space<vmem>> -> memref<120x128xf32, #tpu.memory_space<vmem>>
    %dma_wait3A_52 = arith.constant 120 : i32
    %dma_wait3A_53 = tpu.memref_slice %arg5[%dma_wait3A_52] : memref<600xi32, #tpu.memory_space<vmem>> -> memref<120xi32, #tpu.memory_space<vmem>>
    %dma_wait3A_54 = arith.constant 0 : i32
    %dma_wait3A_55 = arith.constant 0 : i32
    %dma_wait3A_56 = tpu.memref_slice %arg2[%dma_wait3A_54, %dma_wait3A_55] : memref<100000x128xf32, #tpu.memory_space<hbm>> -> memref<100000x128xf32, #tpu.memory_space<hbm>>
    tpu.wait_indirect_dma semaphore(%arg7 : memref<!tpu.dma_semaphore, #tpu.memory_space<semaphore_mem>>) src(%dma_wait3A_56 : memref<100000x128xf32, #tpu.memory_space<hbm>>) dst(%dma_wait3A_51 : memref<120x128xf32, #tpu.memory_space<vmem>>)
    %dma_wait3A_57 = arith.constant 240 : i32
    %dma_wait3A_58 = arith.constant 0 : i32
    %dma_wait3A_59 = tpu.memref_slice %arg6[%dma_wait3A_57, %dma_wait3A_58] : memref<600x128xf32, #tpu.memory_space<vmem>> -> memref<120x128xf32, #tpu.memory_space<vmem>>
    %dma_wait3A_60 = arith.constant 240 : i32
    %dma_wait3A_61 = tpu.memref_slice %arg5[%dma_wait3A_60] : memref<600xi32, #tpu.memory_space<vmem>> -> memref<120xi32, #tpu.memory_space<vmem>>
    %dma_wait3A_62 = arith.constant 0 : i32
    %dma_wait3A_63 = arith.constant 0 : i32
    %dma_wait3A_64 = tpu.memref_slice %arg2[%dma_wait3A_62, %dma_wait3A_63] : memref<100000x128xf32, #tpu.memory_space<hbm>> -> memref<100000x128xf32, #tpu.memory_space<hbm>>
    tpu.wait_indirect_dma semaphore(%arg7 : memref<!tpu.dma_semaphore, #tpu.memory_space<semaphore_mem>>) src(%dma_wait3A_64 : memref<100000x128xf32, #tpu.memory_space<hbm>>) dst(%dma_wait3A_59 : memref<120x128xf32, #tpu.memory_space<vmem>>)
    %dma_wait3A_65 = arith.constant 360 : i32
    %dma_wait3A_66 = arith.constant 0 : i32
    %dma_wait3A_67 = tpu.memref_slice %arg6[%dma_wait3A_65, %dma_wait3A_66] : memref<600x128xf32, #tpu.memory_space<vmem>> -> memref<120x128xf32, #tpu.memory_space<vmem>>
    %dma_wait3A_68 = arith.constant 360 : i32
    %dma_wait3A_69 = tpu.memref_slice %arg5[%dma_wait3A_68] : memref<600xi32, #tpu.memory_space<vmem>> -> memref<120xi32, #tpu.memory_space<vmem>>
    %dma_wait3A_70 = arith.constant 0 : i32
    %dma_wait3A_71 = arith.constant 0 : i32
    %dma_wait3A_72 = tpu.memref_slice %arg2[%dma_wait3A_70, %dma_wait3A_71] : memref<100000x128xf32, #tpu.memory_space<hbm>> -> memref<100000x128xf32, #tpu.memory_space<hbm>>
    tpu.wait_indirect_dma semaphore(%arg7 : memref<!tpu.dma_semaphore, #tpu.memory_space<semaphore_mem>>) src(%dma_wait3A_72 : memref<100000x128xf32, #tpu.memory_space<hbm>>) dst(%dma_wait3A_67 : memref<120x128xf32, #tpu.memory_space<vmem>>)
    %dma_wait3A_73 = arith.constant 480 : i32
    %dma_wait3A_74 = arith.constant 0 : i32
    %dma_wait3A_75 = tpu.memref_slice %arg6[%dma_wait3A_73, %dma_wait3A_74] : memref<600x128xf32, #tpu.memory_space<vmem>> -> memref<120x128xf32, #tpu.memory_space<vmem>>
    %dma_wait3A_76 = arith.constant 480 : i32
    %dma_wait3A_77 = tpu.memref_slice %arg5[%dma_wait3A_76] : memref<600xi32, #tpu.memory_space<vmem>> -> memref<120xi32, #tpu.memory_space<vmem>>
    %dma_wait3A_78 = arith.constant 0 : i32
    %dma_wait3A_79 = arith.constant 0 : i32
    %dma_wait3A_80 = tpu.memref_slice %arg2[%dma_wait3A_78, %dma_wait3A_79] : memref<100000x128xf32, #tpu.memory_space<hbm>> -> memref<100000x128xf32, #tpu.memory_space<hbm>>
    tpu.wait_indirect_dma semaphore(%arg7 : memref<!tpu.dma_semaphore, #tpu.memory_space<semaphore_mem>>) src(%dma_wait3A_80 : memref<100000x128xf32, #tpu.memory_space<hbm>>) dst(%dma_wait3A_75 : memref<120x128xf32, #tpu.memory_space<vmem>>)
    "tpu.region"() ({
      %run_scoped3A = tpu.sem_alloc : memref<!tpu.dma_semaphore, #tpu.memory_space<semaphore_mem>>
      %dma_start3A_81 = arith.constant 0 : i32
      %dma_start3A_82 = tpu.memref_slice %arg4[%mul3A_2, %dma_start3A_81] : memref<19200x128xf32, #tpu.memory_space<hbm>> -> memref<600x128xf32, #tpu.memory_space<hbm>>
      %dma_start3A_83 = arith.constant 0 : i32
      %dma_start3A_84 = tpu.memref_slice %arg4[%mul3A_2, %dma_start3A_83] : memref<19200x128xf32, #tpu.memory_space<hbm>> -> memref<600x128xf32, #tpu.memory_space<hbm>>
      tpu.enqueue_dma source(%arg6 : memref<600x128xf32, #tpu.memory_space<vmem>>) target(%dma_start3A_84 : memref<600x128xf32, #tpu.memory_space<hbm>>) target_semaphore(%run_scoped3A : memref<!tpu.dma_semaphore, #tpu.memory_space<semaphore_mem>>)
      %dma_wait3A_85 = arith.constant 0 : i32
      %dma_wait3A_86 = tpu.memref_slice %arg4[%mul3A_2, %dma_wait3A_85] : memref<19200x128xf32, #tpu.memory_space<hbm>> -> memref<600x128xf32, #tpu.memory_space<hbm>>
      %dma_wait3A_87 = arith.constant 0 : i32
      %dma_wait3A_88 = tpu.memref_slice %arg4[%mul3A_2, %dma_wait3A_87] : memref<19200x128xf32, #tpu.memory_space<hbm>> -> memref<600x128xf32, #tpu.memory_space<hbm>>
      tpu.wait_dma2 semaphore(%run_scoped3A : memref<!tpu.dma_semaphore, #tpu.memory_space<semaphore_mem>>) src(%arg6 : memref<600x128xf32, #tpu.memory_space<vmem>>) dst(%dma_wait3A_88 : memref<600x128xf32, #tpu.memory_space<hbm>>)
      tpu.yield
    }) : () -> ()
    return
  }
}

module attributes {stable_mosaic.version = 14 : i64} {
  func.func @_fused_body(%arg0: memref<1x2x3xf32, #tpu.memory_space<smem>>, %arg1: memref<1xf32, #tpu.memory_space<smem>>, %arg2: memref<1xf32, #tpu.memory_space<smem>>, %arg3: memref<1x2x3xf32, #tpu.memory_space<smem>>, %arg4: memref<1xf32, #tpu.memory_space<smem>>, %arg5: memref<1xf32, #tpu.memory_space<smem>>, %arg6: memref<19200x128xf32, #tpu.memory_space<vmem>>, %arg7: memref<1x128xf32, #tpu.memory_space<vmem>>, %arg8: memref<1x128xf32, #tpu.memory_space<vmem>>, %arg9: memref<1x1xf32, #tpu.memory_space<vmem>>, %arg10: memref<199x64x64xf32, #tpu.memory_space<vmem>>) attributes {dimension_semantics = [], scalar_prefetch = 0 : i64, scratch_operands = 1 : i64, tpu.core_type = #tpu.core_type<tc>} {
    %broadcast_in_dim3A = arith.constant 0.000000e+00 : f32
    %broadcast_in_dim3A_0 = vector.broadcast %broadcast_in_dim3A : f32 to vector<1x1xf32>
    %get3A = arith.constant 0 : index
    %get3A_1 = arith.constant 0 : index
    %get3A_2 = vector.load %arg7[%get3A, %get3A_1] : memref<1x128xf32, #tpu.memory_space<vmem>>, vector<1x128xf32>
    %get3A_3 = arith.constant 0 : index
    %get3A_4 = arith.constant 0 : index
    %get3A_5 = vector.load %arg8[%get3A_3, %get3A_4] : memref<1x128xf32, #tpu.memory_space<vmem>>, vector<1x128xf32>
    %slice3A = vector.extract_strided_slice %get3A_5 {offsets = [0, 1], sizes = [1, 127], strides = [1, 1]} : vector<1x128xf32> to vector<1x127xf32>
    %concatenate3A = tpu.concatenate %slice3A, %broadcast_in_dim3A_0 in 1 : vector<1x127xf32>, vector<1x1xf32> -> vector<1x128xf32>
    %slice3A_6 = vector.extract_strided_slice %get3A_5 {offsets = [0, 0], sizes = [1, 127], strides = [1, 1]} : vector<1x128xf32> to vector<1x127xf32>
    %concatenate3A_7 = tpu.concatenate %broadcast_in_dim3A_0, %slice3A_6 in 1 : vector<1x1xf32>, vector<1x127xf32> -> vector<1x128xf32>
    %get3A_8 = arith.constant 0 : index
    %get3A_9 = arith.constant 0 : index
    %get3A_10 = arith.constant 0 : index
    %get3A_11 = memref.load %arg3[%get3A_8, %get3A_9, %get3A_10] : memref<1x2x3xf32, #tpu.memory_space<smem>>
    %mul3A = vector.broadcast %get3A_11 : f32 to vector<1x128xf32>
    %mul3A_12 = arith.mulf %mul3A, %concatenate3A : vector<1x128xf32>
    %get3A_13 = arith.constant 0 : index
    %get3A_14 = arith.constant 0 : index
    %get3A_15 = arith.constant 1 : index
    %get3A_16 = memref.load %arg3[%get3A_13, %get3A_14, %get3A_15] : memref<1x2x3xf32, #tpu.memory_space<smem>>
    %mul3A_17 = vector.broadcast %get3A_16 : f32 to vector<1x128xf32>
    %mul3A_18 = arith.mulf %mul3A_17, %get3A_5 : vector<1x128xf32>
    %add3A = arith.addf %mul3A_12, %mul3A_18 : vector<1x128xf32>
    %get3A_19 = arith.constant 0 : index
    %get3A_20 = arith.constant 0 : index
    %get3A_21 = arith.constant 2 : index
    %get3A_22 = memref.load %arg3[%get3A_19, %get3A_20, %get3A_21] : memref<1x2x3xf32, #tpu.memory_space<smem>>
    %mul3A_23 = vector.broadcast %get3A_22 : f32 to vector<1x128xf32>
    %mul3A_24 = arith.mulf %mul3A_23, %concatenate3A_7 : vector<1x128xf32>
    %add3A_25 = arith.addf %add3A, %mul3A_24 : vector<1x128xf32>
    %reshape3A = vector.shape_cast %add3A_25 : vector<1x128xf32> to vector<1x1x128xf32>
    %slice3A_26 = vector.extract_strided_slice %get3A_5 {offsets = [0, 1], sizes = [1, 127], strides = [1, 1]} : vector<1x128xf32> to vector<1x127xf32>
    %concatenate3A_27 = tpu.concatenate %slice3A_26, %broadcast_in_dim3A_0 in 1 : vector<1x127xf32>, vector<1x1xf32> -> vector<1x128xf32>
    %slice3A_28 = vector.extract_strided_slice %get3A_5 {offsets = [0, 0], sizes = [1, 127], strides = [1, 1]} : vector<1x128xf32> to vector<1x127xf32>
    %concatenate3A_29 = tpu.concatenate %broadcast_in_dim3A_0, %slice3A_28 in 1 : vector<1x1xf32>, vector<1x127xf32> -> vector<1x128xf32>
    %get3A_30 = arith.constant 0 : index
    %get3A_31 = arith.constant 1 : index
    %get3A_32 = arith.constant 0 : index
    %get3A_33 = memref.load %arg3[%get3A_30, %get3A_31, %get3A_32] : memref<1x2x3xf32, #tpu.memory_space<smem>>
    %mul3A_34 = vector.broadcast %get3A_33 : f32 to vector<1x128xf32>
    %mul3A_35 = arith.mulf %mul3A_34, %concatenate3A_27 : vector<1x128xf32>
    %get3A_36 = arith.constant 0 : index
    %get3A_37 = arith.constant 1 : index
    %get3A_38 = arith.constant 1 : index
    %get3A_39 = memref.load %arg3[%get3A_36, %get3A_37, %get3A_38] : memref<1x2x3xf32, #tpu.memory_space<smem>>
    %mul3A_40 = vector.broadcast %get3A_39 : f32 to vector<1x128xf32>
    %mul3A_41 = arith.mulf %mul3A_40, %get3A_5 : vector<1x128xf32>
    %add3A_42 = arith.addf %mul3A_35, %mul3A_41 : vector<1x128xf32>
    %get3A_43 = arith.constant 0 : index
    %get3A_44 = arith.constant 1 : index
    %get3A_45 = arith.constant 2 : index
    %get3A_46 = memref.load %arg3[%get3A_43, %get3A_44, %get3A_45] : memref<1x2x3xf32, #tpu.memory_space<smem>>
    %mul3A_47 = vector.broadcast %get3A_46 : f32 to vector<1x128xf32>
    %mul3A_48 = arith.mulf %mul3A_47, %concatenate3A_29 : vector<1x128xf32>
    %add3A_49 = arith.addf %add3A_42, %mul3A_48 : vector<1x128xf32>
    %reshape3A_50 = vector.shape_cast %add3A_49 : vector<1x128xf32> to vector<1x1x128xf32>
    %slice3A_51 = vector.extract_strided_slice %get3A_2 {offsets = [0, 1], sizes = [1, 127], strides = [1, 1]} : vector<1x128xf32> to vector<1x127xf32>
    %concatenate3A_52 = tpu.concatenate %slice3A_51, %broadcast_in_dim3A_0 in 1 : vector<1x127xf32>, vector<1x1xf32> -> vector<1x128xf32>
    %slice3A_53 = vector.extract_strided_slice %get3A_2 {offsets = [0, 0], sizes = [1, 127], strides = [1, 1]} : vector<1x128xf32> to vector<1x127xf32>
    %concatenate3A_54 = tpu.concatenate %broadcast_in_dim3A_0, %slice3A_53 in 1 : vector<1x1xf32>, vector<1x127xf32> -> vector<1x128xf32>
    %get3A_55 = arith.constant 0 : index
    %get3A_56 = arith.constant 0 : index
    %get3A_57 = arith.constant 0 : index
    %get3A_58 = memref.load %arg0[%get3A_55, %get3A_56, %get3A_57] : memref<1x2x3xf32, #tpu.memory_space<smem>>
    %mul3A_59 = vector.broadcast %get3A_58 : f32 to vector<1x128xf32>
    %mul3A_60 = arith.mulf %mul3A_59, %concatenate3A_52 : vector<1x128xf32>
    %get3A_61 = arith.constant 0 : index
    %get3A_62 = arith.constant 0 : index
    %get3A_63 = arith.constant 1 : index
    %get3A_64 = memref.load %arg0[%get3A_61, %get3A_62, %get3A_63] : memref<1x2x3xf32, #tpu.memory_space<smem>>
    %mul3A_65 = vector.broadcast %get3A_64 : f32 to vector<1x128xf32>
    %mul3A_66 = arith.mulf %mul3A_65, %get3A_2 : vector<1x128xf32>
    %add3A_67 = arith.addf %mul3A_60, %mul3A_66 : vector<1x128xf32>
    %get3A_68 = arith.constant 0 : index
    %get3A_69 = arith.constant 0 : index
    %get3A_70 = arith.constant 2 : index
    %get3A_71 = memref.load %arg0[%get3A_68, %get3A_69, %get3A_70] : memref<1x2x3xf32, #tpu.memory_space<smem>>
    %mul3A_72 = vector.broadcast %get3A_71 : f32 to vector<1x128xf32>
    %mul3A_73 = arith.mulf %mul3A_72, %concatenate3A_54 : vector<1x128xf32>
    %add3A_74 = arith.addf %add3A_67, %mul3A_73 : vector<1x128xf32>
    %reshape3A_75 = vector.shape_cast %add3A_74 : vector<1x128xf32> to vector<1x1x128xf32>
    %slice3A_76 = vector.extract_strided_slice %get3A_2 {offsets = [0, 1], sizes = [1, 127], strides = [1, 1]} : vector<1x128xf32> to vector<1x127xf32>
    %concatenate3A_77 = tpu.concatenate %slice3A_76, %broadcast_in_dim3A_0 in 1 : vector<1x127xf32>, vector<1x1xf32> -> vector<1x128xf32>
    %slice3A_78 = vector.extract_strided_slice %get3A_2 {offsets = [0, 0], sizes = [1, 127], strides = [1, 1]} : vector<1x128xf32> to vector<1x127xf32>
    %concatenate3A_79 = tpu.concatenate %broadcast_in_dim3A_0, %slice3A_78 in 1 : vector<1x1xf32>, vector<1x127xf32> -> vector<1x128xf32>
    %get3A_80 = arith.constant 0 : index
    %get3A_81 = arith.constant 1 : index
    %get3A_82 = arith.constant 0 : index
    %get3A_83 = memref.load %arg0[%get3A_80, %get3A_81, %get3A_82] : memref<1x2x3xf32, #tpu.memory_space<smem>>
    %mul3A_84 = vector.broadcast %get3A_83 : f32 to vector<1x128xf32>
    %mul3A_85 = arith.mulf %mul3A_84, %concatenate3A_77 : vector<1x128xf32>
    %get3A_86 = arith.constant 0 : index
    %get3A_87 = arith.constant 1 : index
    %get3A_88 = arith.constant 1 : index
    %get3A_89 = memref.load %arg0[%get3A_86, %get3A_87, %get3A_88] : memref<1x2x3xf32, #tpu.memory_space<smem>>
    %mul3A_90 = vector.broadcast %get3A_89 : f32 to vector<1x128xf32>
    %mul3A_91 = arith.mulf %mul3A_90, %get3A_2 : vector<1x128xf32>
    %add3A_92 = arith.addf %mul3A_85, %mul3A_91 : vector<1x128xf32>
    %get3A_93 = arith.constant 0 : index
    %get3A_94 = arith.constant 1 : index
    %get3A_95 = arith.constant 2 : index
    %get3A_96 = memref.load %arg0[%get3A_93, %get3A_94, %get3A_95] : memref<1x2x3xf32, #tpu.memory_space<smem>>
    %mul3A_97 = vector.broadcast %get3A_96 : f32 to vector<1x128xf32>
    %mul3A_98 = arith.mulf %mul3A_97, %concatenate3A_79 : vector<1x128xf32>
    %add3A_99 = arith.addf %add3A_92, %mul3A_98 : vector<1x128xf32>
    %reshape3A_100 = vector.shape_cast %add3A_99 : vector<1x128xf32> to vector<1x1x128xf32>
    %get3A_101 = arith.constant 0 : index
    %get3A_102 = memref.load %arg4[%get3A_101] : memref<1xf32, #tpu.memory_space<smem>>
    %reduce_sum3A = vector.shape_cast %get3A_5 : vector<1x128xf32> to vector<1x1x128xf32>
    %reduce_sum3A_103 = arith.constant dense<0.000000e+00> : vector<1xf32>
    %reduce_sum3A_104 = vector.multi_reduction <add>, %reduce_sum3A, %reduce_sum3A_103 [1, 2] : vector<1x1x128xf32> to vector<1xf32>
    %reduce_sum3A_105 = vector.shape_cast %reduce_sum3A_104 : vector<1xf32> to vector<1x1x1xf32>
    %reduce_sum3A_106 = vector.extract %reduce_sum3A_105[0, 0, 0] : f32 from vector<1x1x1xf32>
    %mul3A_107 = arith.mulf %get3A_102, %reduce_sum3A_106 : f32
    %get3A_108 = arith.constant 0 : index
    %get3A_109 = memref.load %arg5[%get3A_108] : memref<1xf32, #tpu.memory_space<smem>>
    %add3A_110 = arith.addf %mul3A_107, %get3A_109 : f32
    %get3A_111 = arith.constant 0 : index
    %get3A_112 = memref.load %arg1[%get3A_111] : memref<1xf32, #tpu.memory_space<smem>>
    %reduce_sum3A_113 = vector.shape_cast %get3A_2 : vector<1x128xf32> to vector<1x1x128xf32>
    %reduce_sum3A_114 = arith.constant dense<0.000000e+00> : vector<1xf32>
    %reduce_sum3A_115 = vector.multi_reduction <add>, %reduce_sum3A_113, %reduce_sum3A_114 [1, 2] : vector<1x1x128xf32> to vector<1xf32>
    %reduce_sum3A_116 = vector.shape_cast %reduce_sum3A_115 : vector<1xf32> to vector<1x1x1xf32>
    %reduce_sum3A_117 = vector.extract %reduce_sum3A_116[0, 0, 0] : f32 from vector<1x1x1xf32>
    %mul3A_118 = arith.mulf %get3A_112, %reduce_sum3A_117 : f32
    %get3A_119 = arith.constant 0 : index
    %get3A_120 = memref.load %arg2[%get3A_119] : memref<1xf32, #tpu.memory_space<smem>>
    %add3A_121 = arith.addf %mul3A_118, %get3A_120 : f32
    %get3A_122 = arith.constant 0 : index
    %get3A_123 = arith.constant 0 : index
    %get3A_124 = vector.load %arg6[%get3A_122, %get3A_123] : memref<19200x128xf32, #tpu.memory_space<vmem>>, vector<3200x128xf32>
    %reshape3A_125 = vector.shape_cast %get3A_124 : vector<3200x128xf32> to vector<200x16x128xf32>
    %reduce_sum3A_126 = arith.constant dense<0.000000e+00> : vector<200x128xf32>
    %reduce_sum3A_127 = vector.multi_reduction <add>, %reshape3A_125, %reduce_sum3A_126 [1] : vector<200x16x128xf32> to vector<200x128xf32>
    %mul3A_128 = arith.constant 6.250000e-02 : f32
    %mul3A_129 = vector.broadcast %mul3A_128 : f32 to vector<200x128xf32>
    %mul3A_130 = arith.mulf %reduce_sum3A_127, %mul3A_129 : vector<200x128xf32>
    %get3A_131 = arith.constant 16000 : index
    %get3A_132 = arith.constant 0 : index
    %get3A_133 = vector.load %arg6[%get3A_131, %get3A_132] : memref<19200x128xf32, #tpu.memory_space<vmem>>, vector<3200x128xf32>
    %reshape3A_134 = vector.shape_cast %get3A_133 : vector<3200x128xf32> to vector<200x16x128xf32>
    %reduce_sum3A_135 = arith.constant dense<0.000000e+00> : vector<200x128xf32>
    %reduce_sum3A_136 = vector.multi_reduction <add>, %reshape3A_134, %reduce_sum3A_135 [1] : vector<200x16x128xf32> to vector<200x128xf32>
    %mul3A_137 = arith.constant 6.250000e-02 : f32
    %mul3A_138 = vector.broadcast %mul3A_137 : f32 to vector<200x128xf32>
    %mul3A_139 = arith.mulf %reduce_sum3A_136, %mul3A_138 : vector<200x128xf32>
    %reshape3A_140 = vector.shape_cast %reshape3A_75 : vector<1x1x128xf32> to vector<1x128xf32>
    %mul3A_141 = vector.broadcast %reshape3A_140 : vector<1x128xf32> to vector<200x128xf32>
    %mul3A_142 = arith.mulf %mul3A_130, %mul3A_141 : vector<200x128xf32>
    %reduce_sum3A_143 = arith.constant dense<0.000000e+00> : vector<200xf32>
    %reduce_sum3A_144 = vector.multi_reduction <add>, %mul3A_142, %reduce_sum3A_143 [1] : vector<200x128xf32> to vector<200xf32>
    %broadcast_in_dim3A_145 = vector.shape_cast %reduce_sum3A_144 : vector<200xf32> to vector<200x1xf32>
    %reshape3A_146 = vector.shape_cast %reshape3A_100 : vector<1x1x128xf32> to vector<1x128xf32>
    %mul3A_147 = vector.broadcast %reshape3A_146 : vector<1x128xf32> to vector<200x128xf32>
    %mul3A_148 = arith.mulf %mul3A_130, %mul3A_147 : vector<200x128xf32>
    %reduce_sum3A_149 = arith.constant dense<0.000000e+00> : vector<200xf32>
    %reduce_sum3A_150 = vector.multi_reduction <add>, %mul3A_148, %reduce_sum3A_149 [1] : vector<200x128xf32> to vector<200xf32>
    %broadcast_in_dim3A_151 = vector.shape_cast %reduce_sum3A_150 : vector<200xf32> to vector<200x1xf32>
    %reshape3A_152 = vector.shape_cast %reshape3A : vector<1x1x128xf32> to vector<1x128xf32>
    %mul3A_153 = vector.broadcast %reshape3A_152 : vector<1x128xf32> to vector<200x128xf32>
    %mul3A_154 = arith.mulf %mul3A_139, %mul3A_153 : vector<200x128xf32>
    %reduce_sum3A_155 = arith.constant dense<0.000000e+00> : vector<200xf32>
    %reduce_sum3A_156 = vector.multi_reduction <add>, %mul3A_154, %reduce_sum3A_155 [1] : vector<200x128xf32> to vector<200xf32>
    %broadcast_in_dim3A_157 = vector.shape_cast %reduce_sum3A_156 : vector<200xf32> to vector<200x1xf32>
    %reshape3A_158 = vector.shape_cast %reshape3A_50 : vector<1x1x128xf32> to vector<1x128xf32>
    %mul3A_159 = vector.broadcast %reshape3A_158 : vector<1x128xf32> to vector<200x128xf32>
    %mul3A_160 = arith.mulf %mul3A_139, %mul3A_159 : vector<200x128xf32>
    %reduce_sum3A_161 = arith.constant dense<0.000000e+00> : vector<200xf32>
    %reduce_sum3A_162 = vector.multi_reduction <add>, %mul3A_160, %reduce_sum3A_161 [1] : vector<200x128xf32> to vector<200xf32>
    %broadcast_in_dim3A_163 = vector.shape_cast %reduce_sum3A_162 : vector<200xf32> to vector<200x1xf32>
    %reshape3A_164 = vector.shape_cast %reshape3A_75 : vector<1x1x128xf32> to vector<1x128xf32>
    %mul3A_165 = vector.broadcast %reshape3A_164 : vector<1x128xf32> to vector<200x128xf32>
    %mul3A_166 = arith.mulf %mul3A_139, %mul3A_165 : vector<200x128xf32>
    %reduce_sum3A_167 = arith.constant dense<0.000000e+00> : vector<200xf32>
    %reduce_sum3A_168 = vector.multi_reduction <add>, %mul3A_166, %reduce_sum3A_167 [1] : vector<200x128xf32> to vector<200xf32>
    %broadcast_in_dim3A_169 = vector.shape_cast %reduce_sum3A_168 : vector<200xf32> to vector<200x1xf32>
    %get3A_170 = arith.constant 3200 : index
    %get3A_171 = arith.constant 0 : index
    %get3A_172 = vector.load %arg6[%get3A_170, %get3A_171] : memref<19200x128xf32, #tpu.memory_space<vmem>>, vector<12800x128xf32>
    %reshape3A_173 = vector.shape_cast %get3A_172 : vector<12800x128xf32> to vector<200x64x128xf32>
    %mul3A_174 = vector.broadcast %reshape3A : vector<1x1x128xf32> to vector<200x64x128xf32>
    %mul3A_175 = arith.mulf %reshape3A_173, %mul3A_174 : vector<200x64x128xf32>
    %reduce_sum3A_176 = arith.constant dense<0.000000e+00> : vector<200x64xf32>
    %reduce_sum3A_177 = vector.multi_reduction <add>, %mul3A_175, %reduce_sum3A_176 [2] : vector<200x64x128xf32> to vector<200x64xf32>
    %mul3A_178 = vector.broadcast %reshape3A_50 : vector<1x1x128xf32> to vector<200x64x128xf32>
    %mul3A_179 = arith.mulf %reshape3A_173, %mul3A_178 : vector<200x64x128xf32>
    %reduce_sum3A_180 = arith.constant dense<0.000000e+00> : vector<200x64xf32>
    %reduce_sum3A_181 = vector.multi_reduction <add>, %mul3A_179, %reduce_sum3A_180 [2] : vector<200x64x128xf32> to vector<200x64xf32>
    %mul3A_182 = vector.broadcast %reshape3A_100 : vector<1x1x128xf32> to vector<200x64x128xf32>
    %mul3A_183 = arith.mulf %reshape3A_173, %mul3A_182 : vector<200x64x128xf32>
    %reduce_sum3A_184 = arith.constant dense<0.000000e+00> : vector<200x64xf32>
    %reduce_sum3A_185 = vector.multi_reduction <add>, %mul3A_183, %reduce_sum3A_184 [2] : vector<200x64x128xf32> to vector<200x64xf32>
    %add3A_186 = vector.broadcast %add3A_121 : f32 to vector<200x1xf32>
    %add3A_187 = arith.addf %add3A_186, %broadcast_in_dim3A_145 : vector<200x1xf32>
    %add3A_188 = vector.broadcast %add3A_187 : vector<200x1xf32> to vector<200x64xf32>
    %add3A_189 = arith.addf %add3A_188, %reduce_sum3A_185 : vector<200x64xf32>
    %logistic3A = arith.negf %add3A_189 : vector<200x64xf32>
    %logistic3A_190 = math.exp %logistic3A : vector<200x64xf32>
    %logistic3A_191 = arith.constant 1.000000e+00 : f32
    %logistic3A_192 = vector.broadcast %logistic3A_191 : f32 to vector<200x64xf32>
    %logistic3A_193 = arith.addf %logistic3A_192, %logistic3A_190 : vector<200x64xf32>
    %logistic3A_194 = arith.divf %logistic3A_192, %logistic3A_193 : vector<200x64xf32>
    %slice3A_195 = vector.extract_strided_slice %reduce_sum3A_177 {offsets = [0, 0], sizes = [199, 64], strides = [1, 1]} : vector<200x64xf32> to vector<199x64xf32>
    %broadcast_in_dim3A_196 = vector.shape_cast %slice3A_195 : vector<199x64xf32> to vector<199x64x1xf32>
    %add3A_197 = vector.broadcast %add3A_110 : f32 to vector<199x64x1xf32>
    %add3A_198 = arith.addf %add3A_197, %broadcast_in_dim3A_196 : vector<199x64x1xf32>
    %slice3A_199 = vector.extract_strided_slice %reduce_sum3A_181 {offsets = [1, 0], sizes = [199, 64], strides = [1, 1]} : vector<200x64xf32> to vector<199x64xf32>
    %broadcast_in_dim3A_200 = vector.shape_cast %slice3A_199 : vector<199x64xf32> to vector<199x1x64xf32>
    %add3A_201 = vector.broadcast %add3A_198 : vector<199x64x1xf32> to vector<199x64x64xf32>
    %add3A_202 = vector.broadcast %broadcast_in_dim3A_200 : vector<199x1x64xf32> to vector<199x64x64xf32>
    %add3A_203 = arith.addf %add3A_201, %add3A_202 : vector<199x64x64xf32>
    %logistic3A_204 = arith.negf %add3A_203 : vector<199x64x64xf32>
    %logistic3A_205 = math.exp %logistic3A_204 : vector<199x64x64xf32>
    %logistic3A_206 = arith.constant 1.000000e+00 : f32
    %logistic3A_207 = vector.broadcast %logistic3A_206 : f32 to vector<199x64x64xf32>
    %logistic3A_208 = arith.addf %logistic3A_207, %logistic3A_205 : vector<199x64x64xf32>
    %logistic3A_209 = arith.divf %logistic3A_207, %logistic3A_208 : vector<199x64x64xf32>
    %slice3A_210 = vector.extract_strided_slice %logistic3A_194 {offsets = [1, 0], sizes = [199, 64], strides = [1, 1]} : vector<200x64xf32> to vector<199x64xf32>
    %broadcast_in_dim3A_211 = vector.shape_cast %slice3A_210 : vector<199x64xf32> to vector<199x1x64xf32>
    %add3A_212 = vector.broadcast %broadcast_in_dim3A_211 : vector<199x1x64xf32> to vector<199x64x64xf32>
    %add3A_213 = arith.addf %logistic3A_209, %add3A_212 : vector<199x64x64xf32>
    %exp3A = math.exp %add3A_213 : vector<199x64x64xf32>
    %swap3A = arith.constant 0 : index
    %swap3A_214 = arith.constant 0 : index
    %swap3A_215 = arith.constant 0 : index
    %swap3A_216 = vector.load %arg10[%swap3A, %swap3A_214, %swap3A_215] : memref<199x64x64xf32, #tpu.memory_space<vmem>>, vector<199x64x64xf32>
    tpu.vector_store %arg10[%swap3A, %swap3A_214, %swap3A_215], %exp3A {strides = array<i32>} : memref<199x64x64xf32, #tpu.memory_space<vmem>>, vector<199x64x64xf32>,
    %slice3A_217 = vector.extract_strided_slice %logistic3A_194 {offsets = [0, 0], sizes = [1, 64], strides = [1, 1]} : vector<200x64xf32> to vector<1x64xf32>
    %exp3A_218 = math.exp %slice3A_217 : vector<1x64xf32>
    %get3A_219 = arith.constant 0 : index
    %get3A_220 = arith.constant 0 : index
    %get3A_221 = arith.constant 0 : index
    %get3A_222 = vector.load %arg10[%get3A_219, %get3A_220, %get3A_221] : memref<199x64x64xf32, #tpu.memory_space<vmem>>, vector<1x64x64xf32>
    %get3A_223 = vector.shape_cast %get3A_222 : vector<1x64x64xf32> to vector<64x64xf32>
    %get3A_224 = arith.constant 1 : index
    %get3A_225 = arith.constant 0 : index
    %get3A_226 = arith.constant 0 : index
    %get3A_227 = vector.load %arg10[%get3A_224, %get3A_225, %get3A_226] : memref<199x64x64xf32, #tpu.memory_space<vmem>>, vector<1x64x64xf32>
    %get3A_228 = vector.shape_cast %get3A_227 : vector<1x64x64xf32> to vector<64x64xf32>
    %get3A_229 = arith.constant 2 : index
    %get3A_230 = arith.constant 0 : index
    %get3A_231 = arith.constant 0 : index
    %get3A_232 = vector.load %arg10[%get3A_229, %get3A_230, %get3A_231] : memref<199x64x64xf32, #tpu.memory_space<vmem>>, vector<1x64x64xf32>
    %get3A_233 = vector.shape_cast %get3A_232 : vector<1x64x64xf32> to vector<64x64xf32>
    %get3A_234 = arith.constant 3 : index
    %get3A_235 = arith.constant 0 : index
    %get3A_236 = arith.constant 0 : index
    %get3A_237 = vector.load %arg10[%get3A_234, %get3A_235, %get3A_236] : memref<199x64x64xf32, #tpu.memory_space<vmem>>, vector<1x64x64xf32>
    %get3A_238 = vector.shape_cast %get3A_237 : vector<1x64x64xf32> to vector<64x64xf32>
    %get3A_239 = arith.constant 4 : index
    %get3A_240 = arith.constant 0 : index
    %get3A_241 = arith.constant 0 : index
    %get3A_242 = vector.load %arg10[%get3A_239, %get3A_240, %get3A_241] : memref<199x64x64xf32, #tpu.memory_space<vmem>>, vector<1x64x64xf32>
    %get3A_243 = vector.shape_cast %get3A_242 : vector<1x64x64xf32> to vector<64x64xf32>
    %get3A_244 = arith.constant 5 : index
    %get3A_245 = arith.constant 0 : index
    %get3A_246 = arith.constant 0 : index
    %get3A_247 = vector.load %arg10[%get3A_244, %get3A_245, %get3A_246] : memref<199x64x64xf32, #tpu.memory_space<vmem>>, vector<1x64x64xf32>
    %get3A_248 = vector.shape_cast %get3A_247 : vector<1x64x64xf32> to vector<64x64xf32>
    %get3A_249 = arith.constant 6 : index
    %get3A_250 = arith.constant 0 : index
    %get3A_251 = arith.constant 0 : index
    %get3A_252 = vector.load %arg10[%get3A_249, %get3A_250, %get3A_251] : memref<199x64x64xf32, #tpu.memory_space<vmem>>, vector<1x64x64xf32>
    %get3A_253 = vector.shape_cast %get3A_252 : vector<1x64x64xf32> to vector<64x64xf32>
    %get3A_254 = arith.constant 7 : index
    %get3A_255 = arith.constant 0 : index
    %get3A_256 = arith.constant 0 : index
    %get3A_257 = vector.load %arg10[%get3A_254, %get3A_255, %get3A_256] : memref<199x64x64xf32, #tpu.memory_space<vmem>>, vector<1x64x64xf32>
    %get3A_258 = vector.shape_cast %get3A_257 : vector<1x64x64xf32> to vector<64x64xf32>
    %get3A_259 = arith.constant 8 : index
    %get3A_260 = arith.constant 0 : index
    %get3A_261 = arith.constant 0 : index
    %get3A_262 = vector.load %arg10[%get3A_259, %get3A_260, %get3A_261] : memref<199x64x64xf32, #tpu.memory_space<vmem>>, vector<1x64x64xf32>
    %get3A_263 = vector.shape_cast %get3A_262 : vector<1x64x64xf32> to vector<64x64xf32>
    %get3A_264 = arith.constant 9 : index
    %get3A_265 = arith.constant 0 : index
    %get3A_266 = arith.constant 0 : index
    %get3A_267 = vector.load %arg10[%get3A_264, %get3A_265, %get3A_266] : memref<199x64x64xf32, #tpu.memory_space<vmem>>, vector<1x64x64xf32>
    %get3A_268 = vector.shape_cast %get3A_267 : vector<1x64x64xf32> to vector<64x64xf32>
    %get3A_269 = arith.constant 10 : index
    %get3A_270 = arith.constant 0 : index
    %get3A_271 = arith.constant 0 : index
    %get3A_272 = vector.load %arg10[%get3A_269, %get3A_270, %get3A_271] : memref<199x64x64xf32, #tpu.memory_space<vmem>>, vector<1x64x64xf32>
    %get3A_273 = vector.shape_cast %get3A_272 : vector<1x64x64xf32> to vector<64x64xf32>
    %get3A_274 = arith.constant 11 : index
    %get3A_275 = arith.constant 0 : index
    %get3A_276 = arith.constant 0 : index
    %get3A_277 = vector.load %arg10[%get3A_274, %get3A_275, %get3A_276] : memref<199x64x64xf32, #tpu.memory_space<vmem>>, vector<1x64x64xf32>
    %get3A_278 = vector.shape_cast %get3A_277 : vector<1x64x64xf32> to vector<64x64xf32>
    %get3A_279 = arith.constant 12 : index
    %get3A_280 = arith.constant 0 : index
    %get3A_281 = arith.constant 0 : index
    %get3A_282 = vector.load %arg10[%get3A_279, %get3A_280, %get3A_281] : memref<199x64x64xf32, #tpu.memory_space<vmem>>, vector<1x64x64xf32>
    %get3A_283 = vector.shape_cast %get3A_282 : vector<1x64x64xf32> to vector<64x64xf32>
    %get3A_284 = arith.constant 13 : index
    %get3A_285 = arith.constant 0 : index
    %get3A_286 = arith.constant 0 : index
    %get3A_287 = vector.load %arg10[%get3A_284, %get3A_285, %get3A_286] : memref<199x64x64xf32, #tpu.memory_space<vmem>>, vector<1x64x64xf32>
    %get3A_288 = vector.shape_cast %get3A_287 : vector<1x64x64xf32> to vector<64x64xf32>
    %get3A_289 = arith.constant 14 : index
    %get3A_290 = arith.constant 0 : index
    %get3A_291 = arith.constant 0 : index
    %get3A_292 = vector.load %arg10[%get3A_289, %get3A_290, %get3A_291] : memref<199x64x64xf32, #tpu.memory_space<vmem>>, vector<1x64x64xf32>
    %get3A_293 = vector.shape_cast %get3A_292 : vector<1x64x64xf32> to vector<64x64xf32>
    %get3A_294 = arith.constant 15 : index
    %get3A_295 = arith.constant 0 : index
    %get3A_296 = arith.constant 0 : index
    %get3A_297 = vector.load %arg10[%get3A_294, %get3A_295, %get3A_296] : memref<199x64x64xf32, #tpu.memory_space<vmem>>, vector<1x64x64xf32>
    %get3A_298 = vector.shape_cast %get3A_297 : vector<1x64x64xf32> to vector<64x64xf32>
    %get3A_299 = arith.constant 16 : index
    %get3A_300 = arith.constant 0 : index
    %get3A_301 = arith.constant 0 : index
    %get3A_302 = vector.load %arg10[%get3A_299, %get3A_300, %get3A_301] : memref<199x64x64xf32, #tpu.memory_space<vmem>>, vector<1x64x64xf32>
    %get3A_303 = vector.shape_cast %get3A_302 : vector<1x64x64xf32> to vector<64x64xf32>
    %get3A_304 = arith.constant 17 : index
    %get3A_305 = arith.constant 0 : index
    %get3A_306 = arith.constant 0 : index
    %get3A_307 = vector.load %arg10[%get3A_304, %get3A_305, %get3A_306] : memref<199x64x64xf32, #tpu.memory_space<vmem>>, vector<1x64x64xf32>
    %get3A_308 = vector.shape_cast %get3A_307 : vector<1x64x64xf32> to vector<64x64xf32>
    %get3A_309 = arith.constant 18 : index
    %get3A_310 = arith.constant 0 : index
    %get3A_311 = arith.constant 0 : index
    %get3A_312 = vector.load %arg10[%get3A_309, %get3A_310, %get3A_311] : memref<199x64x64xf32, #tpu.memory_space<vmem>>, vector<1x64x64xf32>
    %get3A_313 = vector.shape_cast %get3A_312 : vector<1x64x64xf32> to vector<64x64xf32>
    %get3A_314 = arith.constant 19 : index
    %get3A_315 = arith.constant 0 : index
    %get3A_316 = arith.constant 0 : index
    %get3A_317 = vector.load %arg10[%get3A_314, %get3A_315, %get3A_316] : memref<199x64x64xf32, #tpu.memory_space<vmem>>, vector<1x64x64xf32>
    %get3A_318 = vector.shape_cast %get3A_317 : vector<1x64x64xf32> to vector<64x64xf32>
    %get3A_319 = arith.constant 20 : index
    %get3A_320 = arith.constant 0 : index
    %get3A_321 = arith.constant 0 : index
    %get3A_322 = vector.load %arg10[%get3A_319, %get3A_320, %get3A_321] : memref<199x64x64xf32, #tpu.memory_space<vmem>>, vector<1x64x64xf32>
    %get3A_323 = vector.shape_cast %get3A_322 : vector<1x64x64xf32> to vector<64x64xf32>
    %get3A_324 = arith.constant 21 : index
    %get3A_325 = arith.constant 0 : index
    %get3A_326 = arith.constant 0 : index
    %get3A_327 = vector.load %arg10[%get3A_324, %get3A_325, %get3A_326] : memref<199x64x64xf32, #tpu.memory_space<vmem>>, vector<1x64x64xf32>
    %get3A_328 = vector.shape_cast %get3A_327 : vector<1x64x64xf32> to vector<64x64xf32>
    %get3A_329 = arith.constant 22 : index
    %get3A_330 = arith.constant 0 : index
    %get3A_331 = arith.constant 0 : index
    %get3A_332 = vector.load %arg10[%get3A_329, %get3A_330, %get3A_331] : memref<199x64x64xf32, #tpu.memory_space<vmem>>, vector<1x64x64xf32>
    %get3A_333 = vector.shape_cast %get3A_332 : vector<1x64x64xf32> to vector<64x64xf32>
    %get3A_334 = arith.constant 23 : index
    %get3A_335 = arith.constant 0 : index
    %get3A_336 = arith.constant 0 : index
    %get3A_337 = vector.load %arg10[%get3A_334, %get3A_335, %get3A_336] : memref<199x64x64xf32, #tpu.memory_space<vmem>>, vector<1x64x64xf32>
    %get3A_338 = vector.shape_cast %get3A_337 : vector<1x64x64xf32> to vector<64x64xf32>
    %get3A_339 = arith.constant 24 : index
    %get3A_340 = arith.constant 0 : index
    %get3A_341 = arith.constant 0 : index
    %get3A_342 = vector.load %arg10[%get3A_339, %get3A_340, %get3A_341] : memref<199x64x64xf32, #tpu.memory_space<vmem>>, vector<1x64x64xf32>
    %get3A_343 = vector.shape_cast %get3A_342 : vector<1x64x64xf32> to vector<64x64xf32>
    %get3A_344 = arith.constant 25 : index
    %get3A_345 = arith.constant 0 : index
    %get3A_346 = arith.constant 0 : index
    %get3A_347 = vector.load %arg10[%get3A_344, %get3A_345, %get3A_346] : memref<199x64x64xf32, #tpu.memory_space<vmem>>, vector<1x64x64xf32>
    %get3A_348 = vector.shape_cast %get3A_347 : vector<1x64x64xf32> to vector<64x64xf32>
    %get3A_349 = arith.constant 26 : index
    %get3A_350 = arith.constant 0 : index
    %get3A_351 = arith.constant 0 : index
    %get3A_352 = vector.load %arg10[%get3A_349, %get3A_350, %get3A_351] : memref<199x64x64xf32, #tpu.memory_space<vmem>>, vector<1x64x64xf32>
    %get3A_353 = vector.shape_cast %get3A_352 : vector<1x64x64xf32> to vector<64x64xf32>
    %get3A_354 = arith.constant 27 : index
    %get3A_355 = arith.constant 0 : index
    %get3A_356 = arith.constant 0 : index
    %get3A_357 = vector.load %arg10[%get3A_354, %get3A_355, %get3A_356] : memref<199x64x64xf32, #tpu.memory_space<vmem>>, vector<1x64x64xf32>
    %get3A_358 = vector.shape_cast %get3A_357 : vector<1x64x64xf32> to vector<64x64xf32>
    %get3A_359 = arith.constant 28 : index
    %get3A_360 = arith.constant 0 : index
    %get3A_361 = arith.constant 0 : index
    %get3A_362 = vector.load %arg10[%get3A_359, %get3A_360, %get3A_361] : memref<199x64x64xf32, #tpu.memory_space<vmem>>, vector<1x64x64xf32>
    %get3A_363 = vector.shape_cast %get3A_362 : vector<1x64x64xf32> to vector<64x64xf32>
    %get3A_364 = arith.constant 29 : index
    %get3A_365 = arith.constant 0 : index
    %get3A_366 = arith.constant 0 : index
    %get3A_367 = vector.load %arg10[%get3A_364, %get3A_365, %get3A_366] : memref<199x64x64xf32, #tpu.memory_space<vmem>>, vector<1x64x64xf32>
    %get3A_368 = vector.shape_cast %get3A_367 : vector<1x64x64xf32> to vector<64x64xf32>
    %get3A_369 = arith.constant 30 : index
    %get3A_370 = arith.constant 0 : index
    %get3A_371 = arith.constant 0 : index
    %get3A_372 = vector.load %arg10[%get3A_369, %get3A_370, %get3A_371] : memref<199x64x64xf32, #tpu.memory_space<vmem>>, vector<1x64x64xf32>
    %get3A_373 = vector.shape_cast %get3A_372 : vector<1x64x64xf32> to vector<64x64xf32>
    %get3A_374 = arith.constant 31 : index
    %get3A_375 = arith.constant 0 : index
    %get3A_376 = arith.constant 0 : index
    %get3A_377 = vector.load %arg10[%get3A_374, %get3A_375, %get3A_376] : memref<199x64x64xf32, #tpu.memory_space<vmem>>, vector<1x64x64xf32>
    %get3A_378 = vector.shape_cast %get3A_377 : vector<1x64x64xf32> to vector<64x64xf32>
    %get3A_379 = arith.constant 32 : index
    %get3A_380 = arith.constant 0 : index
    %get3A_381 = arith.constant 0 : index
    %get3A_382 = vector.load %arg10[%get3A_379, %get3A_380, %get3A_381] : memref<199x64x64xf32, #tpu.memory_space<vmem>>, vector<1x64x64xf32>
    %get3A_383 = vector.shape_cast %get3A_382 : vector<1x64x64xf32> to vector<64x64xf32>
    %get3A_384 = arith.constant 33 : index
    %get3A_385 = arith.constant 0 : index
    %get3A_386 = arith.constant 0 : index
    %get3A_387 = vector.load %arg10[%get3A_384, %get3A_385, %get3A_386] : memref<199x64x64xf32, #tpu.memory_space<vmem>>, vector<1x64x64xf32>
    %get3A_388 = vector.shape_cast %get3A_387 : vector<1x64x64xf32> to vector<64x64xf32>
    %get3A_389 = arith.constant 34 : index
    %get3A_390 = arith.constant 0 : index
    %get3A_391 = arith.constant 0 : index
    %get3A_392 = vector.load %arg10[%get3A_389, %get3A_390, %get3A_391] : memref<199x64x64xf32, #tpu.memory_space<vmem>>, vector<1x64x64xf32>
    %get3A_393 = vector.shape_cast %get3A_392 : vector<1x64x64xf32> to vector<64x64xf32>
    %get3A_394 = arith.constant 35 : index
    %get3A_395 = arith.constant 0 : index
    %get3A_396 = arith.constant 0 : index
    %get3A_397 = vector.load %arg10[%get3A_394, %get3A_395, %get3A_396] : memref<199x64x64xf32, #tpu.memory_space<vmem>>, vector<1x64x64xf32>
    %get3A_398 = vector.shape_cast %get3A_397 : vector<1x64x64xf32> to vector<64x64xf32>
    %get3A_399 = arith.constant 36 : index
    %get3A_400 = arith.constant 0 : index
    %get3A_401 = arith.constant 0 : index
    %get3A_402 = vector.load %arg10[%get3A_399, %get3A_400, %get3A_401] : memref<199x64x64xf32, #tpu.memory_space<vmem>>, vector<1x64x64xf32>
    %get3A_403 = vector.shape_cast %get3A_402 : vector<1x64x64xf32> to vector<64x64xf32>
    %get3A_404 = arith.constant 37 : index
    %get3A_405 = arith.constant 0 : index
    %get3A_406 = arith.constant 0 : index
    %get3A_407 = vector.load %arg10[%get3A_404, %get3A_405, %get3A_406] : memref<199x64x64xf32, #tpu.memory_space<vmem>>, vector<1x64x64xf32>
    %get3A_408 = vector.shape_cast %get3A_407 : vector<1x64x64xf32> to vector<64x64xf32>
    %get3A_409 = arith.constant 38 : index
    %get3A_410 = arith.constant 0 : index
    %get3A_411 = arith.constant 0 : index
    %get3A_412 = vector.load %arg10[%get3A_409, %get3A_410, %get3A_411] : memref<199x64x64xf32, #tpu.memory_space<vmem>>, vector<1x64x64xf32>
    %get3A_413 = vector.shape_cast %get3A_412 : vector<1x64x64xf32> to vector<64x64xf32>
    %get3A_414 = arith.constant 39 : index
    %get3A_415 = arith.constant 0 : index
    %get3A_416 = arith.constant 0 : index
    %get3A_417 = vector.load %arg10[%get3A_414, %get3A_415, %get3A_416] : memref<199x64x64xf32, #tpu.memory_space<vmem>>, vector<1x64x64xf32>
    %get3A_418 = vector.shape_cast %get3A_417 : vector<1x64x64xf32> to vector<64x64xf32>
    %get3A_419 = arith.constant 40 : index
    %get3A_420 = arith.constant 0 : index
    %get3A_421 = arith.constant 0 : index
    %get3A_422 = vector.load %arg10[%get3A_419, %get3A_420, %get3A_421] : memref<199x64x64xf32, #tpu.memory_space<vmem>>, vector<1x64x64xf32>
    %get3A_423 = vector.shape_cast %get3A_422 : vector<1x64x64xf32> to vector<64x64xf32>
    %get3A_424 = arith.constant 41 : index
    %get3A_425 = arith.constant 0 : index
    %get3A_426 = arith.constant 0 : index
    %get3A_427 = vector.load %arg10[%get3A_424, %get3A_425, %get3A_426] : memref<199x64x64xf32, #tpu.memory_space<vmem>>, vector<1x64x64xf32>
    %get3A_428 = vector.shape_cast %get3A_427 : vector<1x64x64xf32> to vector<64x64xf32>
    %get3A_429 = arith.constant 42 : index
    %get3A_430 = arith.constant 0 : index
    %get3A_431 = arith.constant 0 : index
    %get3A_432 = vector.load %arg10[%get3A_429, %get3A_430, %get3A_431] : memref<199x64x64xf32, #tpu.memory_space<vmem>>, vector<1x64x64xf32>
    %get3A_433 = vector.shape_cast %get3A_432 : vector<1x64x64xf32> to vector<64x64xf32>
    %get3A_434 = arith.constant 43 : index
    %get3A_435 = arith.constant 0 : index
    %get3A_436 = arith.constant 0 : index
    %get3A_437 = vector.load %arg10[%get3A_434, %get3A_435, %get3A_436] : memref<199x64x64xf32, #tpu.memory_space<vmem>>, vector<1x64x64xf32>
    %get3A_438 = vector.shape_cast %get3A_437 : vector<1x64x64xf32> to vector<64x64xf32>
    %get3A_439 = arith.constant 44 : index
    %get3A_440 = arith.constant 0 : index
    %get3A_441 = arith.constant 0 : index
    %get3A_442 = vector.load %arg10[%get3A_439, %get3A_440, %get3A_441] : memref<199x64x64xf32, #tpu.memory_space<vmem>>, vector<1x64x64xf32>
    %get3A_443 = vector.shape_cast %get3A_442 : vector<1x64x64xf32> to vector<64x64xf32>
    %get3A_444 = arith.constant 45 : index
    %get3A_445 = arith.constant 0 : index
    %get3A_446 = arith.constant 0 : index
    %get3A_447 = vector.load %arg10[%get3A_444, %get3A_445, %get3A_446] : memref<199x64x64xf32, #tpu.memory_space<vmem>>, vector<1x64x64xf32>
    %get3A_448 = vector.shape_cast %get3A_447 : vector<1x64x64xf32> to vector<64x64xf32>
    %get3A_449 = arith.constant 46 : index
    %get3A_450 = arith.constant 0 : index
    %get3A_451 = arith.constant 0 : index
    %get3A_452 = vector.load %arg10[%get3A_449, %get3A_450, %get3A_451] : memref<199x64x64xf32, #tpu.memory_space<vmem>>, vector<1x64x64xf32>
    %get3A_453 = vector.shape_cast %get3A_452 : vector<1x64x64xf32> to vector<64x64xf32>
    %get3A_454 = arith.constant 47 : index
    %get3A_455 = arith.constant 0 : index
    %get3A_456 = arith.constant 0 : index
    %get3A_457 = vector.load %arg10[%get3A_454, %get3A_455, %get3A_456] : memref<199x64x64xf32, #tpu.memory_space<vmem>>, vector<1x64x64xf32>
    %get3A_458 = vector.shape_cast %get3A_457 : vector<1x64x64xf32> to vector<64x64xf32>
    %get3A_459 = arith.constant 48 : index
    %get3A_460 = arith.constant 0 : index
    %get3A_461 = arith.constant 0 : index
    %get3A_462 = vector.load %arg10[%get3A_459, %get3A_460, %get3A_461] : memref<199x64x64xf32, #tpu.memory_space<vmem>>, vector<1x64x64xf32>
    %get3A_463 = vector.shape_cast %get3A_462 : vector<1x64x64xf32> to vector<64x64xf32>
    %get3A_464 = arith.constant 49 : index
    %get3A_465 = arith.constant 0 : index
    %get3A_466 = arith.constant 0 : index
    %get3A_467 = vector.load %arg10[%get3A_464, %get3A_465, %get3A_466] : memref<199x64x64xf32, #tpu.memory_space<vmem>>, vector<1x64x64xf32>
    %get3A_468 = vector.shape_cast %get3A_467 : vector<1x64x64xf32> to vector<64x64xf32>
    %get3A_469 = arith.constant 50 : index
    %get3A_470 = arith.constant 0 : index
    %get3A_471 = arith.constant 0 : index
    %get3A_472 = vector.load %arg10[%get3A_469, %get3A_470, %get3A_471] : memref<199x64x64xf32, #tpu.memory_space<vmem>>, vector<1x64x64xf32>
    %get3A_473 = vector.shape_cast %get3A_472 : vector<1x64x64xf32> to vector<64x64xf32>
    %get3A_474 = arith.constant 51 : index
    %get3A_475 = arith.constant 0 : index
    %get3A_476 = arith.constant 0 : index
    %get3A_477 = vector.load %arg10[%get3A_474, %get3A_475, %get3A_476] : memref<199x64x64xf32, #tpu.memory_space<vmem>>, vector<1x64x64xf32>
    %get3A_478 = vector.shape_cast %get3A_477 : vector<1x64x64xf32> to vector<64x64xf32>
    %get3A_479 = arith.constant 52 : index
    %get3A_480 = arith.constant 0 : index
    %get3A_481 = arith.constant 0 : index
    %get3A_482 = vector.load %arg10[%get3A_479, %get3A_480, %get3A_481] : memref<199x64x64xf32, #tpu.memory_space<vmem>>, vector<1x64x64xf32>
    %get3A_483 = vector.shape_cast %get3A_482 : vector<1x64x64xf32> to vector<64x64xf32>
    %get3A_484 = arith.constant 53 : index
    %get3A_485 = arith.constant 0 : index
    %get3A_486 = arith.constant 0 : index
    %get3A_487 = vector.load %arg10[%get3A_484, %get3A_485, %get3A_486] : memref<199x64x64xf32, #tpu.memory_space<vmem>>, vector<1x64x64xf32>
    %get3A_488 = vector.shape_cast %get3A_487 : vector<1x64x64xf32> to vector<64x64xf32>
    %get3A_489 = arith.constant 54 : index
    %get3A_490 = arith.constant 0 : index
    %get3A_491 = arith.constant 0 : index
    %get3A_492 = vector.load %arg10[%get3A_489, %get3A_490, %get3A_491] : memref<199x64x64xf32, #tpu.memory_space<vmem>>, vector<1x64x64xf32>
    %get3A_493 = vector.shape_cast %get3A_492 : vector<1x64x64xf32> to vector<64x64xf32>
    %get3A_494 = arith.constant 55 : index
    %get3A_495 = arith.constant 0 : index
    %get3A_496 = arith.constant 0 : index
    %get3A_497 = vector.load %arg10[%get3A_494, %get3A_495, %get3A_496] : memref<199x64x64xf32, #tpu.memory_space<vmem>>, vector<1x64x64xf32>
    %get3A_498 = vector.shape_cast %get3A_497 : vector<1x64x64xf32> to vector<64x64xf32>
    %get3A_499 = arith.constant 56 : index
    %get3A_500 = arith.constant 0 : index
    %get3A_501 = arith.constant 0 : index
    %get3A_502 = vector.load %arg10[%get3A_499, %get3A_500, %get3A_501] : memref<199x64x64xf32, #tpu.memory_space<vmem>>, vector<1x64x64xf32>
    %get3A_503 = vector.shape_cast %get3A_502 : vector<1x64x64xf32> to vector<64x64xf32>
    %get3A_504 = arith.constant 57 : index
    %get3A_505 = arith.constant 0 : index
    %get3A_506 = arith.constant 0 : index
    %get3A_507 = vector.load %arg10[%get3A_504, %get3A_505, %get3A_506] : memref<199x64x64xf32, #tpu.memory_space<vmem>>, vector<1x64x64xf32>
    %get3A_508 = vector.shape_cast %get3A_507 : vector<1x64x64xf32> to vector<64x64xf32>
    %get3A_509 = arith.constant 58 : index
    %get3A_510 = arith.constant 0 : index
    %get3A_511 = arith.constant 0 : index
    %get3A_512 = vector.load %arg10[%get3A_509, %get3A_510, %get3A_511] : memref<199x64x64xf32, #tpu.memory_space<vmem>>, vector<1x64x64xf32>
    %get3A_513 = vector.shape_cast %get3A_512 : vector<1x64x64xf32> to vector<64x64xf32>
    %get3A_514 = arith.constant 59 : index
    %get3A_515 = arith.constant 0 : index
    %get3A_516 = arith.constant 0 : index
    %get3A_517 = vector.load %arg10[%get3A_514, %get3A_515, %get3A_516] : memref<199x64x64xf32, #tpu.memory_space<vmem>>, vector<1x64x64xf32>
    %get3A_518 = vector.shape_cast %get3A_517 : vector<1x64x64xf32> to vector<64x64xf32>
    %get3A_519 = arith.constant 60 : index
    %get3A_520 = arith.constant 0 : index
    %get3A_521 = arith.constant 0 : index
    %get3A_522 = vector.load %arg10[%get3A_519, %get3A_520, %get3A_521] : memref<199x64x64xf32, #tpu.memory_space<vmem>>, vector<1x64x64xf32>
    %get3A_523 = vector.shape_cast %get3A_522 : vector<1x64x64xf32> to vector<64x64xf32>
    %get3A_524 = arith.constant 61 : index
    %get3A_525 = arith.constant 0 : index
    %get3A_526 = arith.constant 0 : index
    %get3A_527 = vector.load %arg10[%get3A_524, %get3A_525, %get3A_526] : memref<199x64x64xf32, #tpu.memory_space<vmem>>, vector<1x64x64xf32>
    %get3A_528 = vector.shape_cast %get3A_527 : vector<1x64x64xf32> to vector<64x64xf32>
    %get3A_529 = arith.constant 62 : index
    %get3A_530 = arith.constant 0 : index
    %get3A_531 = arith.constant 0 : index
    %get3A_532 = vector.load %arg10[%get3A_529, %get3A_530, %get3A_531] : memref<199x64x64xf32, #tpu.memory_space<vmem>>, vector<1x64x64xf32>
    %get3A_533 = vector.shape_cast %get3A_532 : vector<1x64x64xf32> to vector<64x64xf32>
    %get3A_534 = arith.constant 63 : index
    %get3A_535 = arith.constant 0 : index
    %get3A_536 = arith.constant 0 : index
    %get3A_537 = vector.load %arg10[%get3A_534, %get3A_535, %get3A_536] : memref<199x64x64xf32, #tpu.memory_space<vmem>>, vector<1x64x64xf32>
    %get3A_538 = vector.shape_cast %get3A_537 : vector<1x64x64xf32> to vector<64x64xf32>
    %get3A_539 = arith.constant 64 : index
    %get3A_540 = arith.constant 0 : index
    %get3A_541 = arith.constant 0 : index
    %get3A_542 = vector.load %arg10[%get3A_539, %get3A_540, %get3A_541] : memref<199x64x64xf32, #tpu.memory_space<vmem>>, vector<1x64x64xf32>
    %get3A_543 = vector.shape_cast %get3A_542 : vector<1x64x64xf32> to vector<64x64xf32>
    %get3A_544 = arith.constant 65 : index
    %get3A_545 = arith.constant 0 : index
    %get3A_546 = arith.constant 0 : index
    %get3A_547 = vector.load %arg10[%get3A_544, %get3A_545, %get3A_546] : memref<199x64x64xf32, #tpu.memory_space<vmem>>, vector<1x64x64xf32>
    %get3A_548 = vector.shape_cast %get3A_547 : vector<1x64x64xf32> to vector<64x64xf32>
    %get3A_549 = arith.constant 66 : index
    %get3A_550 = arith.constant 0 : index
    %get3A_551 = arith.constant 0 : index
    %get3A_552 = vector.load %arg10[%get3A_549, %get3A_550, %get3A_551] : memref<199x64x64xf32, #tpu.memory_space<vmem>>, vector<1x64x64xf32>
    %get3A_553 = vector.shape_cast %get3A_552 : vector<1x64x64xf32> to vector<64x64xf32>
    %get3A_554 = arith.constant 67 : index
    %get3A_555 = arith.constant 0 : index
    %get3A_556 = arith.constant 0 : index
    %get3A_557 = vector.load %arg10[%get3A_554, %get3A_555, %get3A_556] : memref<199x64x64xf32, #tpu.memory_space<vmem>>, vector<1x64x64xf32>
    %get3A_558 = vector.shape_cast %get3A_557 : vector<1x64x64xf32> to vector<64x64xf32>
    %get3A_559 = arith.constant 68 : index
    %get3A_560 = arith.constant 0 : index
    %get3A_561 = arith.constant 0 : index
    %get3A_562 = vector.load %arg10[%get3A_559, %get3A_560, %get3A_561] : memref<199x64x64xf32, #tpu.memory_space<vmem>>, vector<1x64x64xf32>
    %get3A_563 = vector.shape_cast %get3A_562 : vector<1x64x64xf32> to vector<64x64xf32>
    %get3A_564 = arith.constant 69 : index
    %get3A_565 = arith.constant 0 : index
    %get3A_566 = arith.constant 0 : index
    %get3A_567 = vector.load %arg10[%get3A_564, %get3A_565, %get3A_566] : memref<199x64x64xf32, #tpu.memory_space<vmem>>, vector<1x64x64xf32>
    %get3A_568 = vector.shape_cast %get3A_567 : vector<1x64x64xf32> to vector<64x64xf32>
    %get3A_569 = arith.constant 70 : index
    %get3A_570 = arith.constant 0 : index
    %get3A_571 = arith.constant 0 : index
    %get3A_572 = vector.load %arg10[%get3A_569, %get3A_570, %get3A_571] : memref<199x64x64xf32, #tpu.memory_space<vmem>>, vector<1x64x64xf32>
    %get3A_573 = vector.shape_cast %get3A_572 : vector<1x64x64xf32> to vector<64x64xf32>
    %get3A_574 = arith.constant 71 : index
    %get3A_575 = arith.constant 0 : index
    %get3A_576 = arith.constant 0 : index
    %get3A_577 = vector.load %arg10[%get3A_574, %get3A_575, %get3A_576] : memref<199x64x64xf32, #tpu.memory_space<vmem>>, vector<1x64x64xf32>
    %get3A_578 = vector.shape_cast %get3A_577 : vector<1x64x64xf32> to vector<64x64xf32>
    %get3A_579 = arith.constant 72 : index
    %get3A_580 = arith.constant 0 : index
    %get3A_581 = arith.constant 0 : index
    %get3A_582 = vector.load %arg10[%get3A_579, %get3A_580, %get3A_581] : memref<199x64x64xf32, #tpu.memory_space<vmem>>, vector<1x64x64xf32>
    %get3A_583 = vector.shape_cast %get3A_582 : vector<1x64x64xf32> to vector<64x64xf32>
    %get3A_584 = arith.constant 73 : index
    %get3A_585 = arith.constant 0 : index
    %get3A_586 = arith.constant 0 : index
    %get3A_587 = vector.load %arg10[%get3A_584, %get3A_585, %get3A_586] : memref<199x64x64xf32, #tpu.memory_space<vmem>>, vector<1x64x64xf32>
    %get3A_588 = vector.shape_cast %get3A_587 : vector<1x64x64xf32> to vector<64x64xf32>
    %get3A_589 = arith.constant 74 : index
    %get3A_590 = arith.constant 0 : index
    %get3A_591 = arith.constant 0 : index
    %get3A_592 = vector.load %arg10[%get3A_589, %get3A_590, %get3A_591] : memref<199x64x64xf32, #tpu.memory_space<vmem>>, vector<1x64x64xf32>
    %get3A_593 = vector.shape_cast %get3A_592 : vector<1x64x64xf32> to vector<64x64xf32>
    %get3A_594 = arith.constant 75 : index
    %get3A_595 = arith.constant 0 : index
    %get3A_596 = arith.constant 0 : index
    %get3A_597 = vector.load %arg10[%get3A_594, %get3A_595, %get3A_596] : memref<199x64x64xf32, #tpu.memory_space<vmem>>, vector<1x64x64xf32>
    %get3A_598 = vector.shape_cast %get3A_597 : vector<1x64x64xf32> to vector<64x64xf32>
    %get3A_599 = arith.constant 76 : index
    %get3A_600 = arith.constant 0 : index
    %get3A_601 = arith.constant 0 : index
    %get3A_602 = vector.load %arg10[%get3A_599, %get3A_600, %get3A_601] : memref<199x64x64xf32, #tpu.memory_space<vmem>>, vector<1x64x64xf32>
    %get3A_603 = vector.shape_cast %get3A_602 : vector<1x64x64xf32> to vector<64x64xf32>
    %get3A_604 = arith.constant 77 : index
    %get3A_605 = arith.constant 0 : index
    %get3A_606 = arith.constant 0 : index
    %get3A_607 = vector.load %arg10[%get3A_604, %get3A_605, %get3A_606] : memref<199x64x64xf32, #tpu.memory_space<vmem>>, vector<1x64x64xf32>
    %get3A_608 = vector.shape_cast %get3A_607 : vector<1x64x64xf32> to vector<64x64xf32>
    %get3A_609 = arith.constant 78 : index
    %get3A_610 = arith.constant 0 : index
    %get3A_611 = arith.constant 0 : index
    %get3A_612 = vector.load %arg10[%get3A_609, %get3A_610, %get3A_611] : memref<199x64x64xf32, #tpu.memory_space<vmem>>, vector<1x64x64xf32>
    %get3A_613 = vector.shape_cast %get3A_612 : vector<1x64x64xf32> to vector<64x64xf32>
    %get3A_614 = arith.constant 79 : index
    %get3A_615 = arith.constant 0 : index
    %get3A_616 = arith.constant 0 : index
    %get3A_617 = vector.load %arg10[%get3A_614, %get3A_615, %get3A_616] : memref<199x64x64xf32, #tpu.memory_space<vmem>>, vector<1x64x64xf32>
    %get3A_618 = vector.shape_cast %get3A_617 : vector<1x64x64xf32> to vector<64x64xf32>
    %get3A_619 = arith.constant 80 : index
    %get3A_620 = arith.constant 0 : index
    %get3A_621 = arith.constant 0 : index
    %get3A_622 = vector.load %arg10[%get3A_619, %get3A_620, %get3A_621] : memref<199x64x64xf32, #tpu.memory_space<vmem>>, vector<1x64x64xf32>
    %get3A_623 = vector.shape_cast %get3A_622 : vector<1x64x64xf32> to vector<64x64xf32>
    %get3A_624 = arith.constant 81 : index
    %get3A_625 = arith.constant 0 : index
    %get3A_626 = arith.constant 0 : index
    %get3A_627 = vector.load %arg10[%get3A_624, %get3A_625, %get3A_626] : memref<199x64x64xf32, #tpu.memory_space<vmem>>, vector<1x64x64xf32>
    %get3A_628 = vector.shape_cast %get3A_627 : vector<1x64x64xf32> to vector<64x64xf32>
    %get3A_629 = arith.constant 82 : index
    %get3A_630 = arith.constant 0 : index
    %get3A_631 = arith.constant 0 : index
    %get3A_632 = vector.load %arg10[%get3A_629, %get3A_630, %get3A_631] : memref<199x64x64xf32, #tpu.memory_space<vmem>>, vector<1x64x64xf32>
    %get3A_633 = vector.shape_cast %get3A_632 : vector<1x64x64xf32> to vector<64x64xf32>
    %get3A_634 = arith.constant 83 : index
    %get3A_635 = arith.constant 0 : index
    %get3A_636 = arith.constant 0 : index
    %get3A_637 = vector.load %arg10[%get3A_634, %get3A_635, %get3A_636] : memref<199x64x64xf32, #tpu.memory_space<vmem>>, vector<1x64x64xf32>
    %get3A_638 = vector.shape_cast %get3A_637 : vector<1x64x64xf32> to vector<64x64xf32>
    %get3A_639 = arith.constant 84 : index
    %get3A_640 = arith.constant 0 : index
    %get3A_641 = arith.constant 0 : index
    %get3A_642 = vector.load %arg10[%get3A_639, %get3A_640, %get3A_641] : memref<199x64x64xf32, #tpu.memory_space<vmem>>, vector<1x64x64xf32>
    %get3A_643 = vector.shape_cast %get3A_642 : vector<1x64x64xf32> to vector<64x64xf32>
    %get3A_644 = arith.constant 85 : index
    %get3A_645 = arith.constant 0 : index
    %get3A_646 = arith.constant 0 : index
    %get3A_647 = vector.load %arg10[%get3A_644, %get3A_645, %get3A_646] : memref<199x64x64xf32, #tpu.memory_space<vmem>>, vector<1x64x64xf32>
    %get3A_648 = vector.shape_cast %get3A_647 : vector<1x64x64xf32> to vector<64x64xf32>
    %get3A_649 = arith.constant 86 : index
    %get3A_650 = arith.constant 0 : index
    %get3A_651 = arith.constant 0 : index
    %get3A_652 = vector.load %arg10[%get3A_649, %get3A_650, %get3A_651] : memref<199x64x64xf32, #tpu.memory_space<vmem>>, vector<1x64x64xf32>
    %get3A_653 = vector.shape_cast %get3A_652 : vector<1x64x64xf32> to vector<64x64xf32>
    %get3A_654 = arith.constant 87 : index
    %get3A_655 = arith.constant 0 : index
    %get3A_656 = arith.constant 0 : index
    %get3A_657 = vector.load %arg10[%get3A_654, %get3A_655, %get3A_656] : memref<199x64x64xf32, #tpu.memory_space<vmem>>, vector<1x64x64xf32>
    %get3A_658 = vector.shape_cast %get3A_657 : vector<1x64x64xf32> to vector<64x64xf32>
    %get3A_659 = arith.constant 88 : index
    %get3A_660 = arith.constant 0 : index
    %get3A_661 = arith.constant 0 : index
    %get3A_662 = vector.load %arg10[%get3A_659, %get3A_660, %get3A_661] : memref<199x64x64xf32, #tpu.memory_space<vmem>>, vector<1x64x64xf32>
    %get3A_663 = vector.shape_cast %get3A_662 : vector<1x64x64xf32> to vector<64x64xf32>
    %get3A_664 = arith.constant 89 : index
    %get3A_665 = arith.constant 0 : index
    %get3A_666 = arith.constant 0 : index
    %get3A_667 = vector.load %arg10[%get3A_664, %get3A_665, %get3A_666] : memref<199x64x64xf32, #tpu.memory_space<vmem>>, vector<1x64x64xf32>
    %get3A_668 = vector.shape_cast %get3A_667 : vector<1x64x64xf32> to vector<64x64xf32>
    %get3A_669 = arith.constant 90 : index
    %get3A_670 = arith.constant 0 : index
    %get3A_671 = arith.constant 0 : index
    %get3A_672 = vector.load %arg10[%get3A_669, %get3A_670, %get3A_671] : memref<199x64x64xf32, #tpu.memory_space<vmem>>, vector<1x64x64xf32>
    %get3A_673 = vector.shape_cast %get3A_672 : vector<1x64x64xf32> to vector<64x64xf32>
    %get3A_674 = arith.constant 91 : index
    %get3A_675 = arith.constant 0 : index
    %get3A_676 = arith.constant 0 : index
    %get3A_677 = vector.load %arg10[%get3A_674, %get3A_675, %get3A_676] : memref<199x64x64xf32, #tpu.memory_space<vmem>>, vector<1x64x64xf32>
    %get3A_678 = vector.shape_cast %get3A_677 : vector<1x64x64xf32> to vector<64x64xf32>
    %get3A_679 = arith.constant 92 : index
    %get3A_680 = arith.constant 0 : index
    %get3A_681 = arith.constant 0 : index
    %get3A_682 = vector.load %arg10[%get3A_679, %get3A_680, %get3A_681] : memref<199x64x64xf32, #tpu.memory_space<vmem>>, vector<1x64x64xf32>
    %get3A_683 = vector.shape_cast %get3A_682 : vector<1x64x64xf32> to vector<64x64xf32>
    %get3A_684 = arith.constant 93 : index
    %get3A_685 = arith.constant 0 : index
    %get3A_686 = arith.constant 0 : index
    %get3A_687 = vector.load %arg10[%get3A_684, %get3A_685, %get3A_686] : memref<199x64x64xf32, #tpu.memory_space<vmem>>, vector<1x64x64xf32>
    %get3A_688 = vector.shape_cast %get3A_687 : vector<1x64x64xf32> to vector<64x64xf32>
    %get3A_689 = arith.constant 94 : index
    %get3A_690 = arith.constant 0 : index
    %get3A_691 = arith.constant 0 : index
    %get3A_692 = vector.load %arg10[%get3A_689, %get3A_690, %get3A_691] : memref<199x64x64xf32, #tpu.memory_space<vmem>>, vector<1x64x64xf32>
    %get3A_693 = vector.shape_cast %get3A_692 : vector<1x64x64xf32> to vector<64x64xf32>
    %get3A_694 = arith.constant 95 : index
    %get3A_695 = arith.constant 0 : index
    %get3A_696 = arith.constant 0 : index
    %get3A_697 = vector.load %arg10[%get3A_694, %get3A_695, %get3A_696] : memref<199x64x64xf32, #tpu.memory_space<vmem>>, vector<1x64x64xf32>
    %get3A_698 = vector.shape_cast %get3A_697 : vector<1x64x64xf32> to vector<64x64xf32>
    %get3A_699 = arith.constant 96 : index
    %get3A_700 = arith.constant 0 : index
    %get3A_701 = arith.constant 0 : index
    %get3A_702 = vector.load %arg10[%get3A_699, %get3A_700, %get3A_701] : memref<199x64x64xf32, #tpu.memory_space<vmem>>, vector<1x64x64xf32>
    %get3A_703 = vector.shape_cast %get3A_702 : vector<1x64x64xf32> to vector<64x64xf32>
    %get3A_704 = arith.constant 97 : index
    %get3A_705 = arith.constant 0 : index
    %get3A_706 = arith.constant 0 : index
    %get3A_707 = vector.load %arg10[%get3A_704, %get3A_705, %get3A_706] : memref<199x64x64xf32, #tpu.memory_space<vmem>>, vector<1x64x64xf32>
    %get3A_708 = vector.shape_cast %get3A_707 : vector<1x64x64xf32> to vector<64x64xf32>
    %get3A_709 = arith.constant 98 : index
    %get3A_710 = arith.constant 0 : index
    %get3A_711 = arith.constant 0 : index
    %get3A_712 = vector.load %arg10[%get3A_709, %get3A_710, %get3A_711] : memref<199x64x64xf32, #tpu.memory_space<vmem>>, vector<1x64x64xf32>
    %get3A_713 = vector.shape_cast %get3A_712 : vector<1x64x64xf32> to vector<64x64xf32>
    %get3A_714 = arith.constant 99 : index
    %get3A_715 = arith.constant 0 : index
    %get3A_716 = arith.constant 0 : index
    %get3A_717 = vector.load %arg10[%get3A_714, %get3A_715, %get3A_716] : memref<199x64x64xf32, #tpu.memory_space<vmem>>, vector<1x64x64xf32>
    %get3A_718 = vector.shape_cast %get3A_717 : vector<1x64x64xf32> to vector<64x64xf32>
    %get3A_719 = arith.constant 100 : index
    %get3A_720 = arith.constant 0 : index
    %get3A_721 = arith.constant 0 : index
    %get3A_722 = vector.load %arg10[%get3A_719, %get3A_720, %get3A_721] : memref<199x64x64xf32, #tpu.memory_space<vmem>>, vector<1x64x64xf32>
    %get3A_723 = vector.shape_cast %get3A_722 : vector<1x64x64xf32> to vector<64x64xf32>
    %get3A_724 = arith.constant 101 : index
    %get3A_725 = arith.constant 0 : index
    %get3A_726 = arith.constant 0 : index
    %get3A_727 = vector.load %arg10[%get3A_724, %get3A_725, %get3A_726] : memref<199x64x64xf32, #tpu.memory_space<vmem>>, vector<1x64x64xf32>
    %get3A_728 = vector.shape_cast %get3A_727 : vector<1x64x64xf32> to vector<64x64xf32>
    %get3A_729 = arith.constant 102 : index
    %get3A_730 = arith.constant 0 : index
    %get3A_731 = arith.constant 0 : index
    %get3A_732 = vector.load %arg10[%get3A_729, %get3A_730, %get3A_731] : memref<199x64x64xf32, #tpu.memory_space<vmem>>, vector<1x64x64xf32>
    %get3A_733 = vector.shape_cast %get3A_732 : vector<1x64x64xf32> to vector<64x64xf32>
    %get3A_734 = arith.constant 103 : index
    %get3A_735 = arith.constant 0 : index
    %get3A_736 = arith.constant 0 : index
    %get3A_737 = vector.load %arg10[%get3A_734, %get3A_735, %get3A_736] : memref<199x64x64xf32, #tpu.memory_space<vmem>>, vector<1x64x64xf32>
    %get3A_738 = vector.shape_cast %get3A_737 : vector<1x64x64xf32> to vector<64x64xf32>
    %get3A_739 = arith.constant 104 : index
    %get3A_740 = arith.constant 0 : index
    %get3A_741 = arith.constant 0 : index
    %get3A_742 = vector.load %arg10[%get3A_739, %get3A_740, %get3A_741] : memref<199x64x64xf32, #tpu.memory_space<vmem>>, vector<1x64x64xf32>
    %get3A_743 = vector.shape_cast %get3A_742 : vector<1x64x64xf32> to vector<64x64xf32>
    %get3A_744 = arith.constant 105 : index
    %get3A_745 = arith.constant 0 : index
    %get3A_746 = arith.constant 0 : index
    %get3A_747 = vector.load %arg10[%get3A_744, %get3A_745, %get3A_746] : memref<199x64x64xf32, #tpu.memory_space<vmem>>, vector<1x64x64xf32>
    %get3A_748 = vector.shape_cast %get3A_747 : vector<1x64x64xf32> to vector<64x64xf32>
    %get3A_749 = arith.constant 106 : index
    %get3A_750 = arith.constant 0 : index
    %get3A_751 = arith.constant 0 : index
    %get3A_752 = vector.load %arg10[%get3A_749, %get3A_750, %get3A_751] : memref<199x64x64xf32, #tpu.memory_space<vmem>>, vector<1x64x64xf32>
    %get3A_753 = vector.shape_cast %get3A_752 : vector<1x64x64xf32> to vector<64x64xf32>
    %get3A_754 = arith.constant 107 : index
    %get3A_755 = arith.constant 0 : index
    %get3A_756 = arith.constant 0 : index
    %get3A_757 = vector.load %arg10[%get3A_754, %get3A_755, %get3A_756] : memref<199x64x64xf32, #tpu.memory_space<vmem>>, vector<1x64x64xf32>
    %get3A_758 = vector.shape_cast %get3A_757 : vector<1x64x64xf32> to vector<64x64xf32>
    %get3A_759 = arith.constant 108 : index
    %get3A_760 = arith.constant 0 : index
    %get3A_761 = arith.constant 0 : index
    %get3A_762 = vector.load %arg10[%get3A_759, %get3A_760, %get3A_761] : memref<199x64x64xf32, #tpu.memory_space<vmem>>, vector<1x64x64xf32>
    %get3A_763 = vector.shape_cast %get3A_762 : vector<1x64x64xf32> to vector<64x64xf32>
    %get3A_764 = arith.constant 109 : index
    %get3A_765 = arith.constant 0 : index
    %get3A_766 = arith.constant 0 : index
    %get3A_767 = vector.load %arg10[%get3A_764, %get3A_765, %get3A_766] : memref<199x64x64xf32, #tpu.memory_space<vmem>>, vector<1x64x64xf32>
    %get3A_768 = vector.shape_cast %get3A_767 : vector<1x64x64xf32> to vector<64x64xf32>
    %get3A_769 = arith.constant 110 : index
    %get3A_770 = arith.constant 0 : index
    %get3A_771 = arith.constant 0 : index
    %get3A_772 = vector.load %arg10[%get3A_769, %get3A_770, %get3A_771] : memref<199x64x64xf32, #tpu.memory_space<vmem>>, vector<1x64x64xf32>
    %get3A_773 = vector.shape_cast %get3A_772 : vector<1x64x64xf32> to vector<64x64xf32>
    %get3A_774 = arith.constant 111 : index
    %get3A_775 = arith.constant 0 : index
    %get3A_776 = arith.constant 0 : index
    %get3A_777 = vector.load %arg10[%get3A_774, %get3A_775, %get3A_776] : memref<199x64x64xf32, #tpu.memory_space<vmem>>, vector<1x64x64xf32>
    %get3A_778 = vector.shape_cast %get3A_777 : vector<1x64x64xf32> to vector<64x64xf32>
    %get3A_779 = arith.constant 112 : index
    %get3A_780 = arith.constant 0 : index
    %get3A_781 = arith.constant 0 : index
    %get3A_782 = vector.load %arg10[%get3A_779, %get3A_780, %get3A_781] : memref<199x64x64xf32, #tpu.memory_space<vmem>>, vector<1x64x64xf32>
    %get3A_783 = vector.shape_cast %get3A_782 : vector<1x64x64xf32> to vector<64x64xf32>
    %get3A_784 = arith.constant 113 : index
    %get3A_785 = arith.constant 0 : index
    %get3A_786 = arith.constant 0 : index
    %get3A_787 = vector.load %arg10[%get3A_784, %get3A_785, %get3A_786] : memref<199x64x64xf32, #tpu.memory_space<vmem>>, vector<1x64x64xf32>
    %get3A_788 = vector.shape_cast %get3A_787 : vector<1x64x64xf32> to vector<64x64xf32>
    %get3A_789 = arith.constant 114 : index
    %get3A_790 = arith.constant 0 : index
    %get3A_791 = arith.constant 0 : index
    %get3A_792 = vector.load %arg10[%get3A_789, %get3A_790, %get3A_791] : memref<199x64x64xf32, #tpu.memory_space<vmem>>, vector<1x64x64xf32>
    %get3A_793 = vector.shape_cast %get3A_792 : vector<1x64x64xf32> to vector<64x64xf32>
    %get3A_794 = arith.constant 115 : index
    %get3A_795 = arith.constant 0 : index
    %get3A_796 = arith.constant 0 : index
    %get3A_797 = vector.load %arg10[%get3A_794, %get3A_795, %get3A_796] : memref<199x64x64xf32, #tpu.memory_space<vmem>>, vector<1x64x64xf32>
    %get3A_798 = vector.shape_cast %get3A_797 : vector<1x64x64xf32> to vector<64x64xf32>
    %get3A_799 = arith.constant 116 : index
    %get3A_800 = arith.constant 0 : index
    %get3A_801 = arith.constant 0 : index
    %get3A_802 = vector.load %arg10[%get3A_799, %get3A_800, %get3A_801] : memref<199x64x64xf32, #tpu.memory_space<vmem>>, vector<1x64x64xf32>
    %get3A_803 = vector.shape_cast %get3A_802 : vector<1x64x64xf32> to vector<64x64xf32>
    %get3A_804 = arith.constant 117 : index
    %get3A_805 = arith.constant 0 : index
    %get3A_806 = arith.constant 0 : index
    %get3A_807 = vector.load %arg10[%get3A_804, %get3A_805, %get3A_806] : memref<199x64x64xf32, #tpu.memory_space<vmem>>, vector<1x64x64xf32>
    %get3A_808 = vector.shape_cast %get3A_807 : vector<1x64x64xf32> to vector<64x64xf32>
    %get3A_809 = arith.constant 118 : index
    %get3A_810 = arith.constant 0 : index
    %get3A_811 = arith.constant 0 : index
    %get3A_812 = vector.load %arg10[%get3A_809, %get3A_810, %get3A_811] : memref<199x64x64xf32, #tpu.memory_space<vmem>>, vector<1x64x64xf32>
    %get3A_813 = vector.shape_cast %get3A_812 : vector<1x64x64xf32> to vector<64x64xf32>
    %get3A_814 = arith.constant 119 : index
    %get3A_815 = arith.constant 0 : index
    %get3A_816 = arith.constant 0 : index
    %get3A_817 = vector.load %arg10[%get3A_814, %get3A_815, %get3A_816] : memref<199x64x64xf32, #tpu.memory_space<vmem>>, vector<1x64x64xf32>
    %get3A_818 = vector.shape_cast %get3A_817 : vector<1x64x64xf32> to vector<64x64xf32>
    %get3A_819 = arith.constant 120 : index
    %get3A_820 = arith.constant 0 : index
    %get3A_821 = arith.constant 0 : index
    %get3A_822 = vector.load %arg10[%get3A_819, %get3A_820, %get3A_821] : memref<199x64x64xf32, #tpu.memory_space<vmem>>, vector<1x64x64xf32>
    %get3A_823 = vector.shape_cast %get3A_822 : vector<1x64x64xf32> to vector<64x64xf32>
    %get3A_824 = arith.constant 121 : index
    %get3A_825 = arith.constant 0 : index
    %get3A_826 = arith.constant 0 : index
    %get3A_827 = vector.load %arg10[%get3A_824, %get3A_825, %get3A_826] : memref<199x64x64xf32, #tpu.memory_space<vmem>>, vector<1x64x64xf32>
    %get3A_828 = vector.shape_cast %get3A_827 : vector<1x64x64xf32> to vector<64x64xf32>
    %get3A_829 = arith.constant 122 : index
    %get3A_830 = arith.constant 0 : index
    %get3A_831 = arith.constant 0 : index
    %get3A_832 = vector.load %arg10[%get3A_829, %get3A_830, %get3A_831] : memref<199x64x64xf32, #tpu.memory_space<vmem>>, vector<1x64x64xf32>
    %get3A_833 = vector.shape_cast %get3A_832 : vector<1x64x64xf32> to vector<64x64xf32>
    %get3A_834 = arith.constant 123 : index
    %get3A_835 = arith.constant 0 : index
    %get3A_836 = arith.constant 0 : index
    %get3A_837 = vector.load %arg10[%get3A_834, %get3A_835, %get3A_836] : memref<199x64x64xf32, #tpu.memory_space<vmem>>, vector<1x64x64xf32>
    %get3A_838 = vector.shape_cast %get3A_837 : vector<1x64x64xf32> to vector<64x64xf32>
    %get3A_839 = arith.constant 124 : index
    %get3A_840 = arith.constant 0 : index
    %get3A_841 = arith.constant 0 : index
    %get3A_842 = vector.load %arg10[%get3A_839, %get3A_840, %get3A_841] : memref<199x64x64xf32, #tpu.memory_space<vmem>>, vector<1x64x64xf32>
    %get3A_843 = vector.shape_cast %get3A_842 : vector<1x64x64xf32> to vector<64x64xf32>
    %get3A_844 = arith.constant 125 : index
    %get3A_845 = arith.constant 0 : index
    %get3A_846 = arith.constant 0 : index
    %get3A_847 = vector.load %arg10[%get3A_844, %get3A_845, %get3A_846] : memref<199x64x64xf32, #tpu.memory_space<vmem>>, vector<1x64x64xf32>
    %get3A_848 = vector.shape_cast %get3A_847 : vector<1x64x64xf32> to vector<64x64xf32>
    %get3A_849 = arith.constant 126 : index
    %get3A_850 = arith.constant 0 : index
    %get3A_851 = arith.constant 0 : index
    %get3A_852 = vector.load %arg10[%get3A_849, %get3A_850, %get3A_851] : memref<199x64x64xf32, #tpu.memory_space<vmem>>, vector<1x64x64xf32>
    %get3A_853 = vector.shape_cast %get3A_852 : vector<1x64x64xf32> to vector<64x64xf32>
    %get3A_854 = arith.constant 127 : index
    %get3A_855 = arith.constant 0 : index
    %get3A_856 = arith.constant 0 : index
    %get3A_857 = vector.load %arg10[%get3A_854, %get3A_855, %get3A_856] : memref<199x64x64xf32, #tpu.memory_space<vmem>>, vector<1x64x64xf32>
    %get3A_858 = vector.shape_cast %get3A_857 : vector<1x64x64xf32> to vector<64x64xf32>
    %get3A_859 = arith.constant 128 : index
    %get3A_860 = arith.constant 0 : index
    %get3A_861 = arith.constant 0 : index
    %get3A_862 = vector.load %arg10[%get3A_859, %get3A_860, %get3A_861] : memref<199x64x64xf32, #tpu.memory_space<vmem>>, vector<1x64x64xf32>
    %get3A_863 = vector.shape_cast %get3A_862 : vector<1x64x64xf32> to vector<64x64xf32>
    %get3A_864 = arith.constant 129 : index
    %get3A_865 = arith.constant 0 : index
    %get3A_866 = arith.constant 0 : index
    %get3A_867 = vector.load %arg10[%get3A_864, %get3A_865, %get3A_866] : memref<199x64x64xf32, #tpu.memory_space<vmem>>, vector<1x64x64xf32>
    %get3A_868 = vector.shape_cast %get3A_867 : vector<1x64x64xf32> to vector<64x64xf32>
    %get3A_869 = arith.constant 130 : index
    %get3A_870 = arith.constant 0 : index
    %get3A_871 = arith.constant 0 : index
    %get3A_872 = vector.load %arg10[%get3A_869, %get3A_870, %get3A_871] : memref<199x64x64xf32, #tpu.memory_space<vmem>>, vector<1x64x64xf32>
    %get3A_873 = vector.shape_cast %get3A_872 : vector<1x64x64xf32> to vector<64x64xf32>
    %get3A_874 = arith.constant 131 : index
    %get3A_875 = arith.constant 0 : index
    %get3A_876 = arith.constant 0 : index
    %get3A_877 = vector.load %arg10[%get3A_874, %get3A_875, %get3A_876] : memref<199x64x64xf32, #tpu.memory_space<vmem>>, vector<1x64x64xf32>
    %get3A_878 = vector.shape_cast %get3A_877 : vector<1x64x64xf32> to vector<64x64xf32>
    %get3A_879 = arith.constant 132 : index
    %get3A_880 = arith.constant 0 : index
    %get3A_881 = arith.constant 0 : index
    %get3A_882 = vector.load %arg10[%get3A_879, %get3A_880, %get3A_881] : memref<199x64x64xf32, #tpu.memory_space<vmem>>, vector<1x64x64xf32>
    %get3A_883 = vector.shape_cast %get3A_882 : vector<1x64x64xf32> to vector<64x64xf32>
    %get3A_884 = arith.constant 133 : index
    %get3A_885 = arith.constant 0 : index
    %get3A_886 = arith.constant 0 : index
    %get3A_887 = vector.load %arg10[%get3A_884, %get3A_885, %get3A_886] : memref<199x64x64xf32, #tpu.memory_space<vmem>>, vector<1x64x64xf32>
    %get3A_888 = vector.shape_cast %get3A_887 : vector<1x64x64xf32> to vector<64x64xf32>
    %get3A_889 = arith.constant 134 : index
    %get3A_890 = arith.constant 0 : index
    %get3A_891 = arith.constant 0 : index
    %get3A_892 = vector.load %arg10[%get3A_889, %get3A_890, %get3A_891] : memref<199x64x64xf32, #tpu.memory_space<vmem>>, vector<1x64x64xf32>
    %get3A_893 = vector.shape_cast %get3A_892 : vector<1x64x64xf32> to vector<64x64xf32>
    %get3A_894 = arith.constant 135 : index
    %get3A_895 = arith.constant 0 : index
    %get3A_896 = arith.constant 0 : index
    %get3A_897 = vector.load %arg10[%get3A_894, %get3A_895, %get3A_896] : memref<199x64x64xf32, #tpu.memory_space<vmem>>, vector<1x64x64xf32>
    %get3A_898 = vector.shape_cast %get3A_897 : vector<1x64x64xf32> to vector<64x64xf32>
    %get3A_899 = arith.constant 136 : index
    %get3A_900 = arith.constant 0 : index
    %get3A_901 = arith.constant 0 : index
    %get3A_902 = vector.load %arg10[%get3A_899, %get3A_900, %get3A_901] : memref<199x64x64xf32, #tpu.memory_space<vmem>>, vector<1x64x64xf32>
    %get3A_903 = vector.shape_cast %get3A_902 : vector<1x64x64xf32> to vector<64x64xf32>
    %get3A_904 = arith.constant 137 : index
    %get3A_905 = arith.constant 0 : index
    %get3A_906 = arith.constant 0 : index
    %get3A_907 = vector.load %arg10[%get3A_904, %get3A_905, %get3A_906] : memref<199x64x64xf32, #tpu.memory_space<vmem>>, vector<1x64x64xf32>
    %get3A_908 = vector.shape_cast %get3A_907 : vector<1x64x64xf32> to vector<64x64xf32>
    %get3A_909 = arith.constant 138 : index
    %get3A_910 = arith.constant 0 : index
    %get3A_911 = arith.constant 0 : index
    %get3A_912 = vector.load %arg10[%get3A_909, %get3A_910, %get3A_911] : memref<199x64x64xf32, #tpu.memory_space<vmem>>, vector<1x64x64xf32>
    %get3A_913 = vector.shape_cast %get3A_912 : vector<1x64x64xf32> to vector<64x64xf32>
    %get3A_914 = arith.constant 139 : index
    %get3A_915 = arith.constant 0 : index
    %get3A_916 = arith.constant 0 : index
    %get3A_917 = vector.load %arg10[%get3A_914, %get3A_915, %get3A_916] : memref<199x64x64xf32, #tpu.memory_space<vmem>>, vector<1x64x64xf32>
    %get3A_918 = vector.shape_cast %get3A_917 : vector<1x64x64xf32> to vector<64x64xf32>
    %get3A_919 = arith.constant 140 : index
    %get3A_920 = arith.constant 0 : index
    %get3A_921 = arith.constant 0 : index
    %get3A_922 = vector.load %arg10[%get3A_919, %get3A_920, %get3A_921] : memref<199x64x64xf32, #tpu.memory_space<vmem>>, vector<1x64x64xf32>
    %get3A_923 = vector.shape_cast %get3A_922 : vector<1x64x64xf32> to vector<64x64xf32>
    %get3A_924 = arith.constant 141 : index
    %get3A_925 = arith.constant 0 : index
    %get3A_926 = arith.constant 0 : index
    %get3A_927 = vector.load %arg10[%get3A_924, %get3A_925, %get3A_926] : memref<199x64x64xf32, #tpu.memory_space<vmem>>, vector<1x64x64xf32>
    %get3A_928 = vector.shape_cast %get3A_927 : vector<1x64x64xf32> to vector<64x64xf32>
    %get3A_929 = arith.constant 142 : index
    %get3A_930 = arith.constant 0 : index
    %get3A_931 = arith.constant 0 : index
    %get3A_932 = vector.load %arg10[%get3A_929, %get3A_930, %get3A_931] : memref<199x64x64xf32, #tpu.memory_space<vmem>>, vector<1x64x64xf32>
    %get3A_933 = vector.shape_cast %get3A_932 : vector<1x64x64xf32> to vector<64x64xf32>
    %get3A_934 = arith.constant 143 : index
    %get3A_935 = arith.constant 0 : index
    %get3A_936 = arith.constant 0 : index
    %get3A_937 = vector.load %arg10[%get3A_934, %get3A_935, %get3A_936] : memref<199x64x64xf32, #tpu.memory_space<vmem>>, vector<1x64x64xf32>
    %get3A_938 = vector.shape_cast %get3A_937 : vector<1x64x64xf32> to vector<64x64xf32>
    %get3A_939 = arith.constant 144 : index
    %get3A_940 = arith.constant 0 : index
    %get3A_941 = arith.constant 0 : index
    %get3A_942 = vector.load %arg10[%get3A_939, %get3A_940, %get3A_941] : memref<199x64x64xf32, #tpu.memory_space<vmem>>, vector<1x64x64xf32>
    %get3A_943 = vector.shape_cast %get3A_942 : vector<1x64x64xf32> to vector<64x64xf32>
    %get3A_944 = arith.constant 145 : index
    %get3A_945 = arith.constant 0 : index
    %get3A_946 = arith.constant 0 : index
    %get3A_947 = vector.load %arg10[%get3A_944, %get3A_945, %get3A_946] : memref<199x64x64xf32, #tpu.memory_space<vmem>>, vector<1x64x64xf32>
    %get3A_948 = vector.shape_cast %get3A_947 : vector<1x64x64xf32> to vector<64x64xf32>
    %get3A_949 = arith.constant 146 : index
    %get3A_950 = arith.constant 0 : index
    %get3A_951 = arith.constant 0 : index
    %get3A_952 = vector.load %arg10[%get3A_949, %get3A_950, %get3A_951] : memref<199x64x64xf32, #tpu.memory_space<vmem>>, vector<1x64x64xf32>
    %get3A_953 = vector.shape_cast %get3A_952 : vector<1x64x64xf32> to vector<64x64xf32>
    %get3A_954 = arith.constant 147 : index
    %get3A_955 = arith.constant 0 : index
    %get3A_956 = arith.constant 0 : index
    %get3A_957 = vector.load %arg10[%get3A_954, %get3A_955, %get3A_956] : memref<199x64x64xf32, #tpu.memory_space<vmem>>, vector<1x64x64xf32>
    %get3A_958 = vector.shape_cast %get3A_957 : vector<1x64x64xf32> to vector<64x64xf32>
    %get3A_959 = arith.constant 148 : index
    %get3A_960 = arith.constant 0 : index
    %get3A_961 = arith.constant 0 : index
    %get3A_962 = vector.load %arg10[%get3A_959, %get3A_960, %get3A_961] : memref<199x64x64xf32, #tpu.memory_space<vmem>>, vector<1x64x64xf32>
    %get3A_963 = vector.shape_cast %get3A_962 : vector<1x64x64xf32> to vector<64x64xf32>
    %get3A_964 = arith.constant 149 : index
    %get3A_965 = arith.constant 0 : index
    %get3A_966 = arith.constant 0 : index
    %get3A_967 = vector.load %arg10[%get3A_964, %get3A_965, %get3A_966] : memref<199x64x64xf32, #tpu.memory_space<vmem>>, vector<1x64x64xf32>
    %get3A_968 = vector.shape_cast %get3A_967 : vector<1x64x64xf32> to vector<64x64xf32>
    %get3A_969 = arith.constant 150 : index
    %get3A_970 = arith.constant 0 : index
    %get3A_971 = arith.constant 0 : index
    %get3A_972 = vector.load %arg10[%get3A_969, %get3A_970, %get3A_971] : memref<199x64x64xf32, #tpu.memory_space<vmem>>, vector<1x64x64xf32>
    %get3A_973 = vector.shape_cast %get3A_972 : vector<1x64x64xf32> to vector<64x64xf32>
    %get3A_974 = arith.constant 151 : index
    %get3A_975 = arith.constant 0 : index
    %get3A_976 = arith.constant 0 : index
    %get3A_977 = vector.load %arg10[%get3A_974, %get3A_975, %get3A_976] : memref<199x64x64xf32, #tpu.memory_space<vmem>>, vector<1x64x64xf32>
    %get3A_978 = vector.shape_cast %get3A_977 : vector<1x64x64xf32> to vector<64x64xf32>
    %get3A_979 = arith.constant 152 : index
    %get3A_980 = arith.constant 0 : index
    %get3A_981 = arith.constant 0 : index
    %get3A_982 = vector.load %arg10[%get3A_979, %get3A_980, %get3A_981] : memref<199x64x64xf32, #tpu.memory_space<vmem>>, vector<1x64x64xf32>
    %get3A_983 = vector.shape_cast %get3A_982 : vector<1x64x64xf32> to vector<64x64xf32>
    %get3A_984 = arith.constant 153 : index
    %get3A_985 = arith.constant 0 : index
    %get3A_986 = arith.constant 0 : index
    %get3A_987 = vector.load %arg10[%get3A_984, %get3A_985, %get3A_986] : memref<199x64x64xf32, #tpu.memory_space<vmem>>, vector<1x64x64xf32>
    %get3A_988 = vector.shape_cast %get3A_987 : vector<1x64x64xf32> to vector<64x64xf32>
    %get3A_989 = arith.constant 154 : index
    %get3A_990 = arith.constant 0 : index
    %get3A_991 = arith.constant 0 : index
    %get3A_992 = vector.load %arg10[%get3A_989, %get3A_990, %get3A_991] : memref<199x64x64xf32, #tpu.memory_space<vmem>>, vector<1x64x64xf32>
    %get3A_993 = vector.shape_cast %get3A_992 : vector<1x64x64xf32> to vector<64x64xf32>
    %get3A_994 = arith.constant 155 : index
    %get3A_995 = arith.constant 0 : index
    %get3A_996 = arith.constant 0 : index
    %get3A_997 = vector.load %arg10[%get3A_994, %get3A_995, %get3A_996] : memref<199x64x64xf32, #tpu.memory_space<vmem>>, vector<1x64x64xf32>
    %get3A_998 = vector.shape_cast %get3A_997 : vector<1x64x64xf32> to vector<64x64xf32>
    %get3A_999 = arith.constant 156 : index
    %get3A_1000 = arith.constant 0 : index
    %get3A_1001 = arith.constant 0 : index
    %get3A_1002 = vector.load %arg10[%get3A_999, %get3A_1000, %get3A_1001] : memref<199x64x64xf32, #tpu.memory_space<vmem>>, vector<1x64x64xf32>
    %get3A_1003 = vector.shape_cast %get3A_1002 : vector<1x64x64xf32> to vector<64x64xf32>
    %get3A_1004 = arith.constant 157 : index
    %get3A_1005 = arith.constant 0 : index
    %get3A_1006 = arith.constant 0 : index
    %get3A_1007 = vector.load %arg10[%get3A_1004, %get3A_1005, %get3A_1006] : memref<199x64x64xf32, #tpu.memory_space<vmem>>, vector<1x64x64xf32>
    %get3A_1008 = vector.shape_cast %get3A_1007 : vector<1x64x64xf32> to vector<64x64xf32>
    %get3A_1009 = arith.constant 158 : index
    %get3A_1010 = arith.constant 0 : index
    %get3A_1011 = arith.constant 0 : index
    %get3A_1012 = vector.load %arg10[%get3A_1009, %get3A_1010, %get3A_1011] : memref<199x64x64xf32, #tpu.memory_space<vmem>>, vector<1x64x64xf32>
    %get3A_1013 = vector.shape_cast %get3A_1012 : vector<1x64x64xf32> to vector<64x64xf32>
    %get3A_1014 = arith.constant 159 : index
    %get3A_1015 = arith.constant 0 : index
    %get3A_1016 = arith.constant 0 : index
    %get3A_1017 = vector.load %arg10[%get3A_1014, %get3A_1015, %get3A_1016] : memref<199x64x64xf32, #tpu.memory_space<vmem>>, vector<1x64x64xf32>
    %get3A_1018 = vector.shape_cast %get3A_1017 : vector<1x64x64xf32> to vector<64x64xf32>
    %get3A_1019 = arith.constant 160 : index
    %get3A_1020 = arith.constant 0 : index
    %get3A_1021 = arith.constant 0 : index
    %get3A_1022 = vector.load %arg10[%get3A_1019, %get3A_1020, %get3A_1021] : memref<199x64x64xf32, #tpu.memory_space<vmem>>, vector<1x64x64xf32>
    %get3A_1023 = vector.shape_cast %get3A_1022 : vector<1x64x64xf32> to vector<64x64xf32>
    %get3A_1024 = arith.constant 161 : index
    %get3A_1025 = arith.constant 0 : index
    %get3A_1026 = arith.constant 0 : index
    %get3A_1027 = vector.load %arg10[%get3A_1024, %get3A_1025, %get3A_1026] : memref<199x64x64xf32, #tpu.memory_space<vmem>>, vector<1x64x64xf32>
    %get3A_1028 = vector.shape_cast %get3A_1027 : vector<1x64x64xf32> to vector<64x64xf32>
    %get3A_1029 = arith.constant 162 : index
    %get3A_1030 = arith.constant 0 : index
    %get3A_1031 = arith.constant 0 : index
    %get3A_1032 = vector.load %arg10[%get3A_1029, %get3A_1030, %get3A_1031] : memref<199x64x64xf32, #tpu.memory_space<vmem>>, vector<1x64x64xf32>
    %get3A_1033 = vector.shape_cast %get3A_1032 : vector<1x64x64xf32> to vector<64x64xf32>
    %get3A_1034 = arith.constant 163 : index
    %get3A_1035 = arith.constant 0 : index
    %get3A_1036 = arith.constant 0 : index
    %get3A_1037 = vector.load %arg10[%get3A_1034, %get3A_1035, %get3A_1036] : memref<199x64x64xf32, #tpu.memory_space<vmem>>, vector<1x64x64xf32>
    %get3A_1038 = vector.shape_cast %get3A_1037 : vector<1x64x64xf32> to vector<64x64xf32>
    %get3A_1039 = arith.constant 164 : index
    %get3A_1040 = arith.constant 0 : index
    %get3A_1041 = arith.constant 0 : index
    %get3A_1042 = vector.load %arg10[%get3A_1039, %get3A_1040, %get3A_1041] : memref<199x64x64xf32, #tpu.memory_space<vmem>>, vector<1x64x64xf32>
    %get3A_1043 = vector.shape_cast %get3A_1042 : vector<1x64x64xf32> to vector<64x64xf32>
    %get3A_1044 = arith.constant 165 : index
    %get3A_1045 = arith.constant 0 : index
    %get3A_1046 = arith.constant 0 : index
    %get3A_1047 = vector.load %arg10[%get3A_1044, %get3A_1045, %get3A_1046] : memref<199x64x64xf32, #tpu.memory_space<vmem>>, vector<1x64x64xf32>
    %get3A_1048 = vector.shape_cast %get3A_1047 : vector<1x64x64xf32> to vector<64x64xf32>
    %get3A_1049 = arith.constant 166 : index
    %get3A_1050 = arith.constant 0 : index
    %get3A_1051 = arith.constant 0 : index
    %get3A_1052 = vector.load %arg10[%get3A_1049, %get3A_1050, %get3A_1051] : memref<199x64x64xf32, #tpu.memory_space<vmem>>, vector<1x64x64xf32>
    %get3A_1053 = vector.shape_cast %get3A_1052 : vector<1x64x64xf32> to vector<64x64xf32>
    %get3A_1054 = arith.constant 167 : index
    %get3A_1055 = arith.constant 0 : index
    %get3A_1056 = arith.constant 0 : index
    %get3A_1057 = vector.load %arg10[%get3A_1054, %get3A_1055, %get3A_1056] : memref<199x64x64xf32, #tpu.memory_space<vmem>>, vector<1x64x64xf32>
    %get3A_1058 = vector.shape_cast %get3A_1057 : vector<1x64x64xf32> to vector<64x64xf32>
    %get3A_1059 = arith.constant 168 : index
    %get3A_1060 = arith.constant 0 : index
    %get3A_1061 = arith.constant 0 : index
    %get3A_1062 = vector.load %arg10[%get3A_1059, %get3A_1060, %get3A_1061] : memref<199x64x64xf32, #tpu.memory_space<vmem>>, vector<1x64x64xf32>
    %get3A_1063 = vector.shape_cast %get3A_1062 : vector<1x64x64xf32> to vector<64x64xf32>
    %get3A_1064 = arith.constant 169 : index
    %get3A_1065 = arith.constant 0 : index
    %get3A_1066 = arith.constant 0 : index
    %get3A_1067 = vector.load %arg10[%get3A_1064, %get3A_1065, %get3A_1066] : memref<199x64x64xf32, #tpu.memory_space<vmem>>, vector<1x64x64xf32>
    %get3A_1068 = vector.shape_cast %get3A_1067 : vector<1x64x64xf32> to vector<64x64xf32>
    %get3A_1069 = arith.constant 170 : index
    %get3A_1070 = arith.constant 0 : index
    %get3A_1071 = arith.constant 0 : index
    %get3A_1072 = vector.load %arg10[%get3A_1069, %get3A_1070, %get3A_1071] : memref<199x64x64xf32, #tpu.memory_space<vmem>>, vector<1x64x64xf32>
    %get3A_1073 = vector.shape_cast %get3A_1072 : vector<1x64x64xf32> to vector<64x64xf32>
    %get3A_1074 = arith.constant 171 : index
    %get3A_1075 = arith.constant 0 : index
    %get3A_1076 = arith.constant 0 : index
    %get3A_1077 = vector.load %arg10[%get3A_1074, %get3A_1075, %get3A_1076] : memref<199x64x64xf32, #tpu.memory_space<vmem>>, vector<1x64x64xf32>
    %get3A_1078 = vector.shape_cast %get3A_1077 : vector<1x64x64xf32> to vector<64x64xf32>
    %get3A_1079 = arith.constant 172 : index
    %get3A_1080 = arith.constant 0 : index
    %get3A_1081 = arith.constant 0 : index
    %get3A_1082 = vector.load %arg10[%get3A_1079, %get3A_1080, %get3A_1081] : memref<199x64x64xf32, #tpu.memory_space<vmem>>, vector<1x64x64xf32>
    %get3A_1083 = vector.shape_cast %get3A_1082 : vector<1x64x64xf32> to vector<64x64xf32>
    %get3A_1084 = arith.constant 173 : index
    %get3A_1085 = arith.constant 0 : index
    %get3A_1086 = arith.constant 0 : index
    %get3A_1087 = vector.load %arg10[%get3A_1084, %get3A_1085, %get3A_1086] : memref<199x64x64xf32, #tpu.memory_space<vmem>>, vector<1x64x64xf32>
    %get3A_1088 = vector.shape_cast %get3A_1087 : vector<1x64x64xf32> to vector<64x64xf32>
    %get3A_1089 = arith.constant 174 : index
    %get3A_1090 = arith.constant 0 : index
    %get3A_1091 = arith.constant 0 : index
    %get3A_1092 = vector.load %arg10[%get3A_1089, %get3A_1090, %get3A_1091] : memref<199x64x64xf32, #tpu.memory_space<vmem>>, vector<1x64x64xf32>
    %get3A_1093 = vector.shape_cast %get3A_1092 : vector<1x64x64xf32> to vector<64x64xf32>
    %get3A_1094 = arith.constant 175 : index
    %get3A_1095 = arith.constant 0 : index
    %get3A_1096 = arith.constant 0 : index
    %get3A_1097 = vector.load %arg10[%get3A_1094, %get3A_1095, %get3A_1096] : memref<199x64x64xf32, #tpu.memory_space<vmem>>, vector<1x64x64xf32>
    %get3A_1098 = vector.shape_cast %get3A_1097 : vector<1x64x64xf32> to vector<64x64xf32>
    %get3A_1099 = arith.constant 176 : index
    %get3A_1100 = arith.constant 0 : index
    %get3A_1101 = arith.constant 0 : index
    %get3A_1102 = vector.load %arg10[%get3A_1099, %get3A_1100, %get3A_1101] : memref<199x64x64xf32, #tpu.memory_space<vmem>>, vector<1x64x64xf32>
    %get3A_1103 = vector.shape_cast %get3A_1102 : vector<1x64x64xf32> to vector<64x64xf32>
    %get3A_1104 = arith.constant 177 : index
    %get3A_1105 = arith.constant 0 : index
    %get3A_1106 = arith.constant 0 : index
    %get3A_1107 = vector.load %arg10[%get3A_1104, %get3A_1105, %get3A_1106] : memref<199x64x64xf32, #tpu.memory_space<vmem>>, vector<1x64x64xf32>
    %get3A_1108 = vector.shape_cast %get3A_1107 : vector<1x64x64xf32> to vector<64x64xf32>
    %get3A_1109 = arith.constant 178 : index
    %get3A_1110 = arith.constant 0 : index
    %get3A_1111 = arith.constant 0 : index
    %get3A_1112 = vector.load %arg10[%get3A_1109, %get3A_1110, %get3A_1111] : memref<199x64x64xf32, #tpu.memory_space<vmem>>, vector<1x64x64xf32>
    %get3A_1113 = vector.shape_cast %get3A_1112 : vector<1x64x64xf32> to vector<64x64xf32>
    %get3A_1114 = arith.constant 179 : index
    %get3A_1115 = arith.constant 0 : index
    %get3A_1116 = arith.constant 0 : index
    %get3A_1117 = vector.load %arg10[%get3A_1114, %get3A_1115, %get3A_1116] : memref<199x64x64xf32, #tpu.memory_space<vmem>>, vector<1x64x64xf32>
    %get3A_1118 = vector.shape_cast %get3A_1117 : vector<1x64x64xf32> to vector<64x64xf32>
    %get3A_1119 = arith.constant 180 : index
    %get3A_1120 = arith.constant 0 : index
    %get3A_1121 = arith.constant 0 : index
    %get3A_1122 = vector.load %arg10[%get3A_1119, %get3A_1120, %get3A_1121] : memref<199x64x64xf32, #tpu.memory_space<vmem>>, vector<1x64x64xf32>
    %get3A_1123 = vector.shape_cast %get3A_1122 : vector<1x64x64xf32> to vector<64x64xf32>
    %get3A_1124 = arith.constant 181 : index
    %get3A_1125 = arith.constant 0 : index
    %get3A_1126 = arith.constant 0 : index
    %get3A_1127 = vector.load %arg10[%get3A_1124, %get3A_1125, %get3A_1126] : memref<199x64x64xf32, #tpu.memory_space<vmem>>, vector<1x64x64xf32>
    %get3A_1128 = vector.shape_cast %get3A_1127 : vector<1x64x64xf32> to vector<64x64xf32>
    %get3A_1129 = arith.constant 182 : index
    %get3A_1130 = arith.constant 0 : index
    %get3A_1131 = arith.constant 0 : index
    %get3A_1132 = vector.load %arg10[%get3A_1129, %get3A_1130, %get3A_1131] : memref<199x64x64xf32, #tpu.memory_space<vmem>>, vector<1x64x64xf32>
    %get3A_1133 = vector.shape_cast %get3A_1132 : vector<1x64x64xf32> to vector<64x64xf32>
    %get3A_1134 = arith.constant 183 : index
    %get3A_1135 = arith.constant 0 : index
    %get3A_1136 = arith.constant 0 : index
    %get3A_1137 = vector.load %arg10[%get3A_1134, %get3A_1135, %get3A_1136] : memref<199x64x64xf32, #tpu.memory_space<vmem>>, vector<1x64x64xf32>
    %get3A_1138 = vector.shape_cast %get3A_1137 : vector<1x64x64xf32> to vector<64x64xf32>
    %get3A_1139 = arith.constant 184 : index
    %get3A_1140 = arith.constant 0 : index
    %get3A_1141 = arith.constant 0 : index
    %get3A_1142 = vector.load %arg10[%get3A_1139, %get3A_1140, %get3A_1141] : memref<199x64x64xf32, #tpu.memory_space<vmem>>, vector<1x64x64xf32>
    %get3A_1143 = vector.shape_cast %get3A_1142 : vector<1x64x64xf32> to vector<64x64xf32>
    %get3A_1144 = arith.constant 185 : index
    %get3A_1145 = arith.constant 0 : index
    %get3A_1146 = arith.constant 0 : index
    %get3A_1147 = vector.load %arg10[%get3A_1144, %get3A_1145, %get3A_1146] : memref<199x64x64xf32, #tpu.memory_space<vmem>>, vector<1x64x64xf32>
    %get3A_1148 = vector.shape_cast %get3A_1147 : vector<1x64x64xf32> to vector<64x64xf32>
    %get3A_1149 = arith.constant 186 : index
    %get3A_1150 = arith.constant 0 : index
    %get3A_1151 = arith.constant 0 : index
    %get3A_1152 = vector.load %arg10[%get3A_1149, %get3A_1150, %get3A_1151] : memref<199x64x64xf32, #tpu.memory_space<vmem>>, vector<1x64x64xf32>
    %get3A_1153 = vector.shape_cast %get3A_1152 : vector<1x64x64xf32> to vector<64x64xf32>
    %get3A_1154 = arith.constant 187 : index
    %get3A_1155 = arith.constant 0 : index
    %get3A_1156 = arith.constant 0 : index
    %get3A_1157 = vector.load %arg10[%get3A_1154, %get3A_1155, %get3A_1156] : memref<199x64x64xf32, #tpu.memory_space<vmem>>, vector<1x64x64xf32>
    %get3A_1158 = vector.shape_cast %get3A_1157 : vector<1x64x64xf32> to vector<64x64xf32>
    %get3A_1159 = arith.constant 188 : index
    %get3A_1160 = arith.constant 0 : index
    %get3A_1161 = arith.constant 0 : index
    %get3A_1162 = vector.load %arg10[%get3A_1159, %get3A_1160, %get3A_1161] : memref<199x64x64xf32, #tpu.memory_space<vmem>>, vector<1x64x64xf32>
    %get3A_1163 = vector.shape_cast %get3A_1162 : vector<1x64x64xf32> to vector<64x64xf32>
    %get3A_1164 = arith.constant 189 : index
    %get3A_1165 = arith.constant 0 : index
    %get3A_1166 = arith.constant 0 : index
    %get3A_1167 = vector.load %arg10[%get3A_1164, %get3A_1165, %get3A_1166] : memref<199x64x64xf32, #tpu.memory_space<vmem>>, vector<1x64x64xf32>
    %get3A_1168 = vector.shape_cast %get3A_1167 : vector<1x64x64xf32> to vector<64x64xf32>
    %get3A_1169 = arith.constant 190 : index
    %get3A_1170 = arith.constant 0 : index
    %get3A_1171 = arith.constant 0 : index
    %get3A_1172 = vector.load %arg10[%get3A_1169, %get3A_1170, %get3A_1171] : memref<199x64x64xf32, #tpu.memory_space<vmem>>, vector<1x64x64xf32>
    %get3A_1173 = vector.shape_cast %get3A_1172 : vector<1x64x64xf32> to vector<64x64xf32>
    %get3A_1174 = arith.constant 191 : index
    %get3A_1175 = arith.constant 0 : index
    %get3A_1176 = arith.constant 0 : index
    %get3A_1177 = vector.load %arg10[%get3A_1174, %get3A_1175, %get3A_1176] : memref<199x64x64xf32, #tpu.memory_space<vmem>>, vector<1x64x64xf32>
    %get3A_1178 = vector.shape_cast %get3A_1177 : vector<1x64x64xf32> to vector<64x64xf32>
    %get3A_1179 = arith.constant 192 : index
    %get3A_1180 = arith.constant 0 : index
    %get3A_1181 = arith.constant 0 : index
    %get3A_1182 = vector.load %arg10[%get3A_1179, %get3A_1180, %get3A_1181] : memref<199x64x64xf32, #tpu.memory_space<vmem>>, vector<1x64x64xf32>
    %get3A_1183 = vector.shape_cast %get3A_1182 : vector<1x64x64xf32> to vector<64x64xf32>
    %get3A_1184 = arith.constant 193 : index
    %get3A_1185 = arith.constant 0 : index
    %get3A_1186 = arith.constant 0 : index
    %get3A_1187 = vector.load %arg10[%get3A_1184, %get3A_1185, %get3A_1186] : memref<199x64x64xf32, #tpu.memory_space<vmem>>, vector<1x64x64xf32>
    %get3A_1188 = vector.shape_cast %get3A_1187 : vector<1x64x64xf32> to vector<64x64xf32>
    %get3A_1189 = arith.constant 194 : index
    %get3A_1190 = arith.constant 0 : index
    %get3A_1191 = arith.constant 0 : index
    %get3A_1192 = vector.load %arg10[%get3A_1189, %get3A_1190, %get3A_1191] : memref<199x64x64xf32, #tpu.memory_space<vmem>>, vector<1x64x64xf32>
    %get3A_1193 = vector.shape_cast %get3A_1192 : vector<1x64x64xf32> to vector<64x64xf32>
    %get3A_1194 = arith.constant 195 : index
    %get3A_1195 = arith.constant 0 : index
    %get3A_1196 = arith.constant 0 : index
    %get3A_1197 = vector.load %arg10[%get3A_1194, %get3A_1195, %get3A_1196] : memref<199x64x64xf32, #tpu.memory_space<vmem>>, vector<1x64x64xf32>
    %get3A_1198 = vector.shape_cast %get3A_1197 : vector<1x64x64xf32> to vector<64x64xf32>
    %get3A_1199 = arith.constant 196 : index
    %get3A_1200 = arith.constant 0 : index
    %get3A_1201 = arith.constant 0 : index
    %get3A_1202 = vector.load %arg10[%get3A_1199, %get3A_1200, %get3A_1201] : memref<199x64x64xf32, #tpu.memory_space<vmem>>, vector<1x64x64xf32>
    %get3A_1203 = vector.shape_cast %get3A_1202 : vector<1x64x64xf32> to vector<64x64xf32>
    %get3A_1204 = arith.constant 197 : index
    %get3A_1205 = arith.constant 0 : index
    %get3A_1206 = arith.constant 0 : index
    %get3A_1207 = vector.load %arg10[%get3A_1204, %get3A_1205, %get3A_1206] : memref<199x64x64xf32, #tpu.memory_space<vmem>>, vector<1x64x64xf32>
    %get3A_1208 = vector.shape_cast %get3A_1207 : vector<1x64x64xf32> to vector<64x64xf32>
    %get3A_1209 = arith.constant 198 : index
    %get3A_1210 = arith.constant 0 : index
    %get3A_1211 = arith.constant 0 : index
    %get3A_1212 = vector.load %arg10[%get3A_1209, %get3A_1210, %get3A_1211] : memref<199x64x64xf32, #tpu.memory_space<vmem>>, vector<1x64x64xf32>
    %get3A_1213 = vector.shape_cast %get3A_1212 : vector<1x64x64xf32> to vector<64x64xf32>
    %dot_general3A = arith.constant dense<0.000000e+00> : vector<64x64xf32>
    %dot_general3A_1214 = tpu.matmul %get3A_223, %get3A_228, %dot_general3A {dimension_numbers = #tpu.dot_dimension_numbers<[1], [0], [0], [1], [0, 0, 1, 1], [], []>, transpose_lhs_hint = false} : vector<64x64xf32>, vector<64x64xf32>, vector<64x64xf32> -> vector<64x64xf32>
    %dot_general3A_1215 = arith.constant dense<0.000000e+00> : vector<64x64xf32>
    %dot_general3A_1216 = tpu.matmul %get3A_233, %get3A_238, %dot_general3A_1215 {dimension_numbers = #tpu.dot_dimension_numbers<[1], [0], [0], [1], [0, 0, 1, 1], [], []>, transpose_lhs_hint = false} : vector<64x64xf32>, vector<64x64xf32>, vector<64x64xf32> -> vector<64x64xf32>
    %dot_general3A_1217 = arith.constant dense<0.000000e+00> : vector<64x64xf32>
    %dot_general3A_1218 = tpu.matmul %get3A_243, %get3A_248, %dot_general3A_1217 {dimension_numbers = #tpu.dot_dimension_numbers<[1], [0], [0], [1], [0, 0, 1, 1], [], []>, transpose_lhs_hint = false} : vector<64x64xf32>, vector<64x64xf32>, vector<64x64xf32> -> vector<64x64xf32>
    %dot_general3A_1219 = arith.constant dense<0.000000e+00> : vector<64x64xf32>
    %dot_general3A_1220 = tpu.matmul %get3A_253, %get3A_258, %dot_general3A_1219 {dimension_numbers = #tpu.dot_dimension_numbers<[1], [0], [0], [1], [0, 0, 1, 1], [], []>, transpose_lhs_hint = false} : vector<64x64xf32>, vector<64x64xf32>, vector<64x64xf32> -> vector<64x64xf32>
    %dot_general3A_1221 = arith.constant dense<0.000000e+00> : vector<64x64xf32>
    %dot_general3A_1222 = tpu.matmul %get3A_263, %get3A_268, %dot_general3A_1221 {dimension_numbers = #tpu.dot_dimension_numbers<[1], [0], [0], [1], [0, 0, 1, 1], [], []>, transpose_lhs_hint = false} : vector<64x64xf32>, vector<64x64xf32>, vector<64x64xf32> -> vector<64x64xf32>
    %dot_general3A_1223 = arith.constant dense<0.000000e+00> : vector<64x64xf32>
    %dot_general3A_1224 = tpu.matmul %get3A_273, %get3A_278, %dot_general3A_1223 {dimension_numbers = #tpu.dot_dimension_numbers<[1], [0], [0], [1], [0, 0, 1, 1], [], []>, transpose_lhs_hint = false} : vector<64x64xf32>, vector<64x64xf32>, vector<64x64xf32> -> vector<64x64xf32>
    %dot_general3A_1225 = arith.constant dense<0.000000e+00> : vector<64x64xf32>
    %dot_general3A_1226 = tpu.matmul %get3A_283, %get3A_288, %dot_general3A_1225 {dimension_numbers = #tpu.dot_dimension_numbers<[1], [0], [0], [1], [0, 0, 1, 1], [], []>, transpose_lhs_hint = false} : vector<64x64xf32>, vector<64x64xf32>, vector<64x64xf32> -> vector<64x64xf32>
    %dot_general3A_1227 = arith.constant dense<0.000000e+00> : vector<64x64xf32>
    %dot_general3A_1228 = tpu.matmul %get3A_293, %get3A_298, %dot_general3A_1227 {dimension_numbers = #tpu.dot_dimension_numbers<[1], [0], [0], [1], [0, 0, 1, 1], [], []>, transpose_lhs_hint = false} : vector<64x64xf32>, vector<64x64xf32>, vector<64x64xf32> -> vector<64x64xf32>
    %dot_general3A_1229 = arith.constant dense<0.000000e+00> : vector<64x64xf32>
    %dot_general3A_1230 = tpu.matmul %get3A_303, %get3A_308, %dot_general3A_1229 {dimension_numbers = #tpu.dot_dimension_numbers<[1], [0], [0], [1], [0, 0, 1, 1], [], []>, transpose_lhs_hint = false} : vector<64x64xf32>, vector<64x64xf32>, vector<64x64xf32> -> vector<64x64xf32>
    %dot_general3A_1231 = arith.constant dense<0.000000e+00> : vector<64x64xf32>
    %dot_general3A_1232 = tpu.matmul %get3A_313, %get3A_318, %dot_general3A_1231 {dimension_numbers = #tpu.dot_dimension_numbers<[1], [0], [0], [1], [0, 0, 1, 1], [], []>, transpose_lhs_hint = false} : vector<64x64xf32>, vector<64x64xf32>, vector<64x64xf32> -> vector<64x64xf32>
    %dot_general3A_1233 = arith.constant dense<0.000000e+00> : vector<64x64xf32>
    %dot_general3A_1234 = tpu.matmul %get3A_323, %get3A_328, %dot_general3A_1233 {dimension_numbers = #tpu.dot_dimension_numbers<[1], [0], [0], [1], [0, 0, 1, 1], [], []>, transpose_lhs_hint = false} : vector<64x64xf32>, vector<64x64xf32>, vector<64x64xf32> -> vector<64x64xf32>
    %dot_general3A_1235 = arith.constant dense<0.000000e+00> : vector<64x64xf32>
    %dot_general3A_1236 = tpu.matmul %get3A_333, %get3A_338, %dot_general3A_1235 {dimension_numbers = #tpu.dot_dimension_numbers<[1], [0], [0], [1], [0, 0, 1, 1], [], []>, transpose_lhs_hint = false} : vector<64x64xf32>, vector<64x64xf32>, vector<64x64xf32> -> vector<64x64xf32>
    %dot_general3A_1237 = arith.constant dense<0.000000e+00> : vector<64x64xf32>
    %dot_general3A_1238 = tpu.matmul %get3A_343, %get3A_348, %dot_general3A_1237 {dimension_numbers = #tpu.dot_dimension_numbers<[1], [0], [0], [1], [0, 0, 1, 1], [], []>, transpose_lhs_hint = false} : vector<64x64xf32>, vector<64x64xf32>, vector<64x64xf32> -> vector<64x64xf32>
    %dot_general3A_1239 = arith.constant dense<0.000000e+00> : vector<64x64xf32>
    %dot_general3A_1240 = tpu.matmul %get3A_353, %get3A_358, %dot_general3A_1239 {dimension_numbers = #tpu.dot_dimension_numbers<[1], [0], [0], [1], [0, 0, 1, 1], [], []>, transpose_lhs_hint = false} : vector<64x64xf32>, vector<64x64xf32>, vector<64x64xf32> -> vector<64x64xf32>
    %dot_general3A_1241 = arith.constant dense<0.000000e+00> : vector<64x64xf32>
    %dot_general3A_1242 = tpu.matmul %get3A_363, %get3A_368, %dot_general3A_1241 {dimension_numbers = #tpu.dot_dimension_numbers<[1], [0], [0], [1], [0, 0, 1, 1], [], []>, transpose_lhs_hint = false} : vector<64x64xf32>, vector<64x64xf32>, vector<64x64xf32> -> vector<64x64xf32>
    %dot_general3A_1243 = arith.constant dense<0.000000e+00> : vector<64x64xf32>
    %dot_general3A_1244 = tpu.matmul %get3A_373, %get3A_378, %dot_general3A_1243 {dimension_numbers = #tpu.dot_dimension_numbers<[1], [0], [0], [1], [0, 0, 1, 1], [], []>, transpose_lhs_hint = false} : vector<64x64xf32>, vector<64x64xf32>, vector<64x64xf32> -> vector<64x64xf32>
    %dot_general3A_1245 = arith.constant dense<0.000000e+00> : vector<64x64xf32>
    %dot_general3A_1246 = tpu.matmul %get3A_383, %get3A_388, %dot_general3A_1245 {dimension_numbers = #tpu.dot_dimension_numbers<[1], [0], [0], [1], [0, 0, 1, 1], [], []>, transpose_lhs_hint = false} : vector<64x64xf32>, vector<64x64xf32>, vector<64x64xf32> -> vector<64x64xf32>
    %dot_general3A_1247 = arith.constant dense<0.000000e+00> : vector<64x64xf32>
    %dot_general3A_1248 = tpu.matmul %get3A_393, %get3A_398, %dot_general3A_1247 {dimension_numbers = #tpu.dot_dimension_numbers<[1], [0], [0], [1], [0, 0, 1, 1], [], []>, transpose_lhs_hint = false} : vector<64x64xf32>, vector<64x64xf32>, vector<64x64xf32> -> vector<64x64xf32>
    %dot_general3A_1249 = arith.constant dense<0.000000e+00> : vector<64x64xf32>
    %dot_general3A_1250 = tpu.matmul %get3A_403, %get3A_408, %dot_general3A_1249 {dimension_numbers = #tpu.dot_dimension_numbers<[1], [0], [0], [1], [0, 0, 1, 1], [], []>, transpose_lhs_hint = false} : vector<64x64xf32>, vector<64x64xf32>, vector<64x64xf32> -> vector<64x64xf32>
    %dot_general3A_1251 = arith.constant dense<0.000000e+00> : vector<64x64xf32>
    %dot_general3A_1252 = tpu.matmul %get3A_413, %get3A_418, %dot_general3A_1251 {dimension_numbers = #tpu.dot_dimension_numbers<[1], [0], [0], [1], [0, 0, 1, 1], [], []>, transpose_lhs_hint = false} : vector<64x64xf32>, vector<64x64xf32>, vector<64x64xf32> -> vector<64x64xf32>
    %dot_general3A_1253 = arith.constant dense<0.000000e+00> : vector<64x64xf32>
    %dot_general3A_1254 = tpu.matmul %get3A_423, %get3A_428, %dot_general3A_1253 {dimension_numbers = #tpu.dot_dimension_numbers<[1], [0], [0], [1], [0, 0, 1, 1], [], []>, transpose_lhs_hint = false} : vector<64x64xf32>, vector<64x64xf32>, vector<64x64xf32> -> vector<64x64xf32>
    %dot_general3A_1255 = arith.constant dense<0.000000e+00> : vector<64x64xf32>
    %dot_general3A_1256 = tpu.matmul %get3A_433, %get3A_438, %dot_general3A_1255 {dimension_numbers = #tpu.dot_dimension_numbers<[1], [0], [0], [1], [0, 0, 1, 1], [], []>, transpose_lhs_hint = false} : vector<64x64xf32>, vector<64x64xf32>, vector<64x64xf32> -> vector<64x64xf32>
    %dot_general3A_1257 = arith.constant dense<0.000000e+00> : vector<64x64xf32>
    %dot_general3A_1258 = tpu.matmul %get3A_443, %get3A_448, %dot_general3A_1257 {dimension_numbers = #tpu.dot_dimension_numbers<[1], [0], [0], [1], [0, 0, 1, 1], [], []>, transpose_lhs_hint = false} : vector<64x64xf32>, vector<64x64xf32>, vector<64x64xf32> -> vector<64x64xf32>
    %dot_general3A_1259 = arith.constant dense<0.000000e+00> : vector<64x64xf32>
    %dot_general3A_1260 = tpu.matmul %get3A_453, %get3A_458, %dot_general3A_1259 {dimension_numbers = #tpu.dot_dimension_numbers<[1], [0], [0], [1], [0, 0, 1, 1], [], []>, transpose_lhs_hint = false} : vector<64x64xf32>, vector<64x64xf32>, vector<64x64xf32> -> vector<64x64xf32>
    %dot_general3A_1261 = arith.constant dense<0.000000e+00> : vector<64x64xf32>
    %dot_general3A_1262 = tpu.matmul %get3A_463, %get3A_468, %dot_general3A_1261 {dimension_numbers = #tpu.dot_dimension_numbers<[1], [0], [0], [1], [0, 0, 1, 1], [], []>, transpose_lhs_hint = false} : vector<64x64xf32>, vector<64x64xf32>, vector<64x64xf32> -> vector<64x64xf32>
    %dot_general3A_1263 = arith.constant dense<0.000000e+00> : vector<64x64xf32>
    %dot_general3A_1264 = tpu.matmul %get3A_473, %get3A_478, %dot_general3A_1263 {dimension_numbers = #tpu.dot_dimension_numbers<[1], [0], [0], [1], [0, 0, 1, 1], [], []>, transpose_lhs_hint = false} : vector<64x64xf32>, vector<64x64xf32>, vector<64x64xf32> -> vector<64x64xf32>
    %dot_general3A_1265 = arith.constant dense<0.000000e+00> : vector<64x64xf32>
    %dot_general3A_1266 = tpu.matmul %get3A_483, %get3A_488, %dot_general3A_1265 {dimension_numbers = #tpu.dot_dimension_numbers<[1], [0], [0], [1], [0, 0, 1, 1], [], []>, transpose_lhs_hint = false} : vector<64x64xf32>, vector<64x64xf32>, vector<64x64xf32> -> vector<64x64xf32>
    %dot_general3A_1267 = arith.constant dense<0.000000e+00> : vector<64x64xf32>
    %dot_general3A_1268 = tpu.matmul %get3A_493, %get3A_498, %dot_general3A_1267 {dimension_numbers = #tpu.dot_dimension_numbers<[1], [0], [0], [1], [0, 0, 1, 1], [], []>, transpose_lhs_hint = false} : vector<64x64xf32>, vector<64x64xf32>, vector<64x64xf32> -> vector<64x64xf32>
    %dot_general3A_1269 = arith.constant dense<0.000000e+00> : vector<64x64xf32>
    %dot_general3A_1270 = tpu.matmul %get3A_503, %get3A_508, %dot_general3A_1269 {dimension_numbers = #tpu.dot_dimension_numbers<[1], [0], [0], [1], [0, 0, 1, 1], [], []>, transpose_lhs_hint = false} : vector<64x64xf32>, vector<64x64xf32>, vector<64x64xf32> -> vector<64x64xf32>
    %dot_general3A_1271 = arith.constant dense<0.000000e+00> : vector<64x64xf32>
    %dot_general3A_1272 = tpu.matmul %get3A_513, %get3A_518, %dot_general3A_1271 {dimension_numbers = #tpu.dot_dimension_numbers<[1], [0], [0], [1], [0, 0, 1, 1], [], []>, transpose_lhs_hint = false} : vector<64x64xf32>, vector<64x64xf32>, vector<64x64xf32> -> vector<64x64xf32>
    %dot_general3A_1273 = arith.constant dense<0.000000e+00> : vector<64x64xf32>
    %dot_general3A_1274 = tpu.matmul %get3A_523, %get3A_528, %dot_general3A_1273 {dimension_numbers = #tpu.dot_dimension_numbers<[1], [0], [0], [1], [0, 0, 1, 1], [], []>, transpose_lhs_hint = false} : vector<64x64xf32>, vector<64x64xf32>, vector<64x64xf32> -> vector<64x64xf32>
    %dot_general3A_1275 = arith.constant dense<0.000000e+00> : vector<64x64xf32>
    %dot_general3A_1276 = tpu.matmul %get3A_533, %get3A_538, %dot_general3A_1275 {dimension_numbers = #tpu.dot_dimension_numbers<[1], [0], [0], [1], [0, 0, 1, 1], [], []>, transpose_lhs_hint = false} : vector<64x64xf32>, vector<64x64xf32>, vector<64x64xf32> -> vector<64x64xf32>
    %dot_general3A_1277 = arith.constant dense<0.000000e+00> : vector<64x64xf32>
    %dot_general3A_1278 = tpu.matmul %get3A_543, %get3A_548, %dot_general3A_1277 {dimension_numbers = #tpu.dot_dimension_numbers<[1], [0], [0], [1], [0, 0, 1, 1], [], []>, transpose_lhs_hint = false} : vector<64x64xf32>, vector<64x64xf32>, vector<64x64xf32> -> vector<64x64xf32>
    %dot_general3A_1279 = arith.constant dense<0.000000e+00> : vector<64x64xf32>
    %dot_general3A_1280 = tpu.matmul %get3A_553, %get3A_558, %dot_general3A_1279 {dimension_numbers = #tpu.dot_dimension_numbers<[1], [0], [0], [1], [0, 0, 1, 1], [], []>, transpose_lhs_hint = false} : vector<64x64xf32>, vector<64x64xf32>, vector<64x64xf32> -> vector<64x64xf32>
    %dot_general3A_1281 = arith.constant dense<0.000000e+00> : vector<64x64xf32>
    %dot_general3A_1282 = tpu.matmul %get3A_563, %get3A_568, %dot_general3A_1281 {dimension_numbers = #tpu.dot_dimension_numbers<[1], [0], [0], [1], [0, 0, 1, 1], [], []>, transpose_lhs_hint = false} : vector<64x64xf32>, vector<64x64xf32>, vector<64x64xf32> -> vector<64x64xf32>
    %dot_general3A_1283 = arith.constant dense<0.000000e+00> : vector<64x64xf32>
    %dot_general3A_1284 = tpu.matmul %get3A_573, %get3A_578, %dot_general3A_1283 {dimension_numbers = #tpu.dot_dimension_numbers<[1], [0], [0], [1], [0, 0, 1, 1], [], []>, transpose_lhs_hint = false} : vector<64x64xf32>, vector<64x64xf32>, vector<64x64xf32> -> vector<64x64xf32>
    %dot_general3A_1285 = arith.constant dense<0.000000e+00> : vector<64x64xf32>
    %dot_general3A_1286 = tpu.matmul %get3A_583, %get3A_588, %dot_general3A_1285 {dimension_numbers = #tpu.dot_dimension_numbers<[1], [0], [0], [1], [0, 0, 1, 1], [], []>, transpose_lhs_hint = false} : vector<64x64xf32>, vector<64x64xf32>, vector<64x64xf32> -> vector<64x64xf32>
    %dot_general3A_1287 = arith.constant dense<0.000000e+00> : vector<64x64xf32>
    %dot_general3A_1288 = tpu.matmul %get3A_593, %get3A_598, %dot_general3A_1287 {dimension_numbers = #tpu.dot_dimension_numbers<[1], [0], [0], [1], [0, 0, 1, 1], [], []>, transpose_lhs_hint = false} : vector<64x64xf32>, vector<64x64xf32>, vector<64x64xf32> -> vector<64x64xf32>
    %dot_general3A_1289 = arith.constant dense<0.000000e+00> : vector<64x64xf32>
    %dot_general3A_1290 = tpu.matmul %get3A_603, %get3A_608, %dot_general3A_1289 {dimension_numbers = #tpu.dot_dimension_numbers<[1], [0], [0], [1], [0, 0, 1, 1], [], []>, transpose_lhs_hint = false} : vector<64x64xf32>, vector<64x64xf32>, vector<64x64xf32> -> vector<64x64xf32>
    %dot_general3A_1291 = arith.constant dense<0.000000e+00> : vector<64x64xf32>
    %dot_general3A_1292 = tpu.matmul %get3A_613, %get3A_618, %dot_general3A_1291 {dimension_numbers = #tpu.dot_dimension_numbers<[1], [0], [0], [1], [0, 0, 1, 1], [], []>, transpose_lhs_hint = false} : vector<64x64xf32>, vector<64x64xf32>, vector<64x64xf32> -> vector<64x64xf32>
    %dot_general3A_1293 = arith.constant dense<0.000000e+00> : vector<64x64xf32>
    %dot_general3A_1294 = tpu.matmul %get3A_623, %get3A_628, %dot_general3A_1293 {dimension_numbers = #tpu.dot_dimension_numbers<[1], [0], [0], [1], [0, 0, 1, 1], [], []>, transpose_lhs_hint = false} : vector<64x64xf32>, vector<64x64xf32>, vector<64x64xf32> -> vector<64x64xf32>
    %dot_general3A_1295 = arith.constant dense<0.000000e+00> : vector<64x64xf32>
    %dot_general3A_1296 = tpu.matmul %get3A_633, %get3A_638, %dot_general3A_1295 {dimension_numbers = #tpu.dot_dimension_numbers<[1], [0], [0], [1], [0, 0, 1, 1], [], []>, transpose_lhs_hint = false} : vector<64x64xf32>, vector<64x64xf32>, vector<64x64xf32> -> vector<64x64xf32>
    %dot_general3A_1297 = arith.constant dense<0.000000e+00> : vector<64x64xf32>
    %dot_general3A_1298 = tpu.matmul %get3A_643, %get3A_648, %dot_general3A_1297 {dimension_numbers = #tpu.dot_dimension_numbers<[1], [0], [0], [1], [0, 0, 1, 1], [], []>, transpose_lhs_hint = false} : vector<64x64xf32>, vector<64x64xf32>, vector<64x64xf32> -> vector<64x64xf32>
    %dot_general3A_1299 = arith.constant dense<0.000000e+00> : vector<64x64xf32>
    %dot_general3A_1300 = tpu.matmul %get3A_653, %get3A_658, %dot_general3A_1299 {dimension_numbers = #tpu.dot_dimension_numbers<[1], [0], [0], [1], [0, 0, 1, 1], [], []>, transpose_lhs_hint = false} : vector<64x64xf32>, vector<64x64xf32>, vector<64x64xf32> -> vector<64x64xf32>
    %dot_general3A_1301 = arith.constant dense<0.000000e+00> : vector<64x64xf32>
    %dot_general3A_1302 = tpu.matmul %get3A_663, %get3A_668, %dot_general3A_1301 {dimension_numbers = #tpu.dot_dimension_numbers<[1], [0], [0], [1], [0, 0, 1, 1], [], []>, transpose_lhs_hint = false} : vector<64x64xf32>, vector<64x64xf32>, vector<64x64xf32> -> vector<64x64xf32>
    %dot_general3A_1303 = arith.constant dense<0.000000e+00> : vector<64x64xf32>
    %dot_general3A_1304 = tpu.matmul %get3A_673, %get3A_678, %dot_general3A_1303 {dimension_numbers = #tpu.dot_dimension_numbers<[1], [0], [0], [1], [0, 0, 1, 1], [], []>, transpose_lhs_hint = false} : vector<64x64xf32>, vector<64x64xf32>, vector<64x64xf32> -> vector<64x64xf32>
    %dot_general3A_1305 = arith.constant dense<0.000000e+00> : vector<64x64xf32>
    %dot_general3A_1306 = tpu.matmul %get3A_683, %get3A_688, %dot_general3A_1305 {dimension_numbers = #tpu.dot_dimension_numbers<[1], [0], [0], [1], [0, 0, 1, 1], [], []>, transpose_lhs_hint = false} : vector<64x64xf32>, vector<64x64xf32>, vector<64x64xf32> -> vector<64x64xf32>
    %dot_general3A_1307 = arith.constant dense<0.000000e+00> : vector<64x64xf32>
    %dot_general3A_1308 = tpu.matmul %get3A_693, %get3A_698, %dot_general3A_1307 {dimension_numbers = #tpu.dot_dimension_numbers<[1], [0], [0], [1], [0, 0, 1, 1], [], []>, transpose_lhs_hint = false} : vector<64x64xf32>, vector<64x64xf32>, vector<64x64xf32> -> vector<64x64xf32>
    %dot_general3A_1309 = arith.constant dense<0.000000e+00> : vector<64x64xf32>
    %dot_general3A_1310 = tpu.matmul %get3A_703, %get3A_708, %dot_general3A_1309 {dimension_numbers = #tpu.dot_dimension_numbers<[1], [0], [0], [1], [0, 0, 1, 1], [], []>, transpose_lhs_hint = false} : vector<64x64xf32>, vector<64x64xf32>, vector<64x64xf32> -> vector<64x64xf32>
    %dot_general3A_1311 = arith.constant dense<0.000000e+00> : vector<64x64xf32>
    %dot_general3A_1312 = tpu.matmul %get3A_713, %get3A_718, %dot_general3A_1311 {dimension_numbers = #tpu.dot_dimension_numbers<[1], [0], [0], [1], [0, 0, 1, 1], [], []>, transpose_lhs_hint = false} : vector<64x64xf32>, vector<64x64xf32>, vector<64x64xf32> -> vector<64x64xf32>
    %dot_general3A_1313 = arith.constant dense<0.000000e+00> : vector<64x64xf32>
    %dot_general3A_1314 = tpu.matmul %get3A_723, %get3A_728, %dot_general3A_1313 {dimension_numbers = #tpu.dot_dimension_numbers<[1], [0], [0], [1], [0, 0, 1, 1], [], []>, transpose_lhs_hint = false} : vector<64x64xf32>, vector<64x64xf32>, vector<64x64xf32> -> vector<64x64xf32>
    %dot_general3A_1315 = arith.constant dense<0.000000e+00> : vector<64x64xf32>
    %dot_general3A_1316 = tpu.matmul %get3A_733, %get3A_738, %dot_general3A_1315 {dimension_numbers = #tpu.dot_dimension_numbers<[1], [0], [0], [1], [0, 0, 1, 1], [], []>, transpose_lhs_hint = false} : vector<64x64xf32>, vector<64x64xf32>, vector<64x64xf32> -> vector<64x64xf32>
    %dot_general3A_1317 = arith.constant dense<0.000000e+00> : vector<64x64xf32>
    %dot_general3A_1318 = tpu.matmul %get3A_743, %get3A_748, %dot_general3A_1317 {dimension_numbers = #tpu.dot_dimension_numbers<[1], [0], [0], [1], [0, 0, 1, 1], [], []>, transpose_lhs_hint = false} : vector<64x64xf32>, vector<64x64xf32>, vector<64x64xf32> -> vector<64x64xf32>
    %dot_general3A_1319 = arith.constant dense<0.000000e+00> : vector<64x64xf32>
    %dot_general3A_1320 = tpu.matmul %get3A_753, %get3A_758, %dot_general3A_1319 {dimension_numbers = #tpu.dot_dimension_numbers<[1], [0], [0], [1], [0, 0, 1, 1], [], []>, transpose_lhs_hint = false} : vector<64x64xf32>, vector<64x64xf32>, vector<64x64xf32> -> vector<64x64xf32>
    %dot_general3A_1321 = arith.constant dense<0.000000e+00> : vector<64x64xf32>
    %dot_general3A_1322 = tpu.matmul %get3A_763, %get3A_768, %dot_general3A_1321 {dimension_numbers = #tpu.dot_dimension_numbers<[1], [0], [0], [1], [0, 0, 1, 1], [], []>, transpose_lhs_hint = false} : vector<64x64xf32>, vector<64x64xf32>, vector<64x64xf32> -> vector<64x64xf32>
    %dot_general3A_1323 = arith.constant dense<0.000000e+00> : vector<64x64xf32>
    %dot_general3A_1324 = tpu.matmul %get3A_773, %get3A_778, %dot_general3A_1323 {dimension_numbers = #tpu.dot_dimension_numbers<[1], [0], [0], [1], [0, 0, 1, 1], [], []>, transpose_lhs_hint = false} : vector<64x64xf32>, vector<64x64xf32>, vector<64x64xf32> -> vector<64x64xf32>
    %dot_general3A_1325 = arith.constant dense<0.000000e+00> : vector<64x64xf32>
    %dot_general3A_1326 = tpu.matmul %get3A_783, %get3A_788, %dot_general3A_1325 {dimension_numbers = #tpu.dot_dimension_numbers<[1], [0], [0], [1], [0, 0, 1, 1], [], []>, transpose_lhs_hint = false} : vector<64x64xf32>, vector<64x64xf32>, vector<64x64xf32> -> vector<64x64xf32>
    %dot_general3A_1327 = arith.constant dense<0.000000e+00> : vector<64x64xf32>
    %dot_general3A_1328 = tpu.matmul %get3A_793, %get3A_798, %dot_general3A_1327 {dimension_numbers = #tpu.dot_dimension_numbers<[1], [0], [0], [1], [0, 0, 1, 1], [], []>, transpose_lhs_hint = false} : vector<64x64xf32>, vector<64x64xf32>, vector<64x64xf32> -> vector<64x64xf32>
    %dot_general3A_1329 = arith.constant dense<0.000000e+00> : vector<64x64xf32>
    %dot_general3A_1330 = tpu.matmul %get3A_803, %get3A_808, %dot_general3A_1329 {dimension_numbers = #tpu.dot_dimension_numbers<[1], [0], [0], [1], [0, 0, 1, 1], [], []>, transpose_lhs_hint = false} : vector<64x64xf32>, vector<64x64xf32>, vector<64x64xf32> -> vector<64x64xf32>
    %dot_general3A_1331 = arith.constant dense<0.000000e+00> : vector<64x64xf32>
    %dot_general3A_1332 = tpu.matmul %get3A_813, %get3A_818, %dot_general3A_1331 {dimension_numbers = #tpu.dot_dimension_numbers<[1], [0], [0], [1], [0, 0, 1, 1], [], []>, transpose_lhs_hint = false} : vector<64x64xf32>, vector<64x64xf32>, vector<64x64xf32> -> vector<64x64xf32>
    %dot_general3A_1333 = arith.constant dense<0.000000e+00> : vector<64x64xf32>
    %dot_general3A_1334 = tpu.matmul %get3A_823, %get3A_828, %dot_general3A_1333 {dimension_numbers = #tpu.dot_dimension_numbers<[1], [0], [0], [1], [0, 0, 1, 1], [], []>, transpose_lhs_hint = false} : vector<64x64xf32>, vector<64x64xf32>, vector<64x64xf32> -> vector<64x64xf32>
    %dot_general3A_1335 = arith.constant dense<0.000000e+00> : vector<64x64xf32>
    %dot_general3A_1336 = tpu.matmul %get3A_833, %get3A_838, %dot_general3A_1335 {dimension_numbers = #tpu.dot_dimension_numbers<[1], [0], [0], [1], [0, 0, 1, 1], [], []>, transpose_lhs_hint = false} : vector<64x64xf32>, vector<64x64xf32>, vector<64x64xf32> -> vector<64x64xf32>
    %dot_general3A_1337 = arith.constant dense<0.000000e+00> : vector<64x64xf32>
    %dot_general3A_1338 = tpu.matmul %get3A_843, %get3A_848, %dot_general3A_1337 {dimension_numbers = #tpu.dot_dimension_numbers<[1], [0], [0], [1], [0, 0, 1, 1], [], []>, transpose_lhs_hint = false} : vector<64x64xf32>, vector<64x64xf32>, vector<64x64xf32> -> vector<64x64xf32>
    %dot_general3A_1339 = arith.constant dense<0.000000e+00> : vector<64x64xf32>
    %dot_general3A_1340 = tpu.matmul %get3A_853, %get3A_858, %dot_general3A_1339 {dimension_numbers = #tpu.dot_dimension_numbers<[1], [0], [0], [1], [0, 0, 1, 1], [], []>, transpose_lhs_hint = false} : vector<64x64xf32>, vector<64x64xf32>, vector<64x64xf32> -> vector<64x64xf32>
    %dot_general3A_1341 = arith.constant dense<0.000000e+00> : vector<64x64xf32>
    %dot_general3A_1342 = tpu.matmul %get3A_863, %get3A_868, %dot_general3A_1341 {dimension_numbers = #tpu.dot_dimension_numbers<[1], [0], [0], [1], [0, 0, 1, 1], [], []>, transpose_lhs_hint = false} : vector<64x64xf32>, vector<64x64xf32>, vector<64x64xf32> -> vector<64x64xf32>
    %dot_general3A_1343 = arith.constant dense<0.000000e+00> : vector<64x64xf32>
    %dot_general3A_1344 = tpu.matmul %get3A_873, %get3A_878, %dot_general3A_1343 {dimension_numbers = #tpu.dot_dimension_numbers<[1], [0], [0], [1], [0, 0, 1, 1], [], []>, transpose_lhs_hint = false} : vector<64x64xf32>, vector<64x64xf32>, vector<64x64xf32> -> vector<64x64xf32>
    %dot_general3A_1345 = arith.constant dense<0.000000e+00> : vector<64x64xf32>
    %dot_general3A_1346 = tpu.matmul %get3A_883, %get3A_888, %dot_general3A_1345 {dimension_numbers = #tpu.dot_dimension_numbers<[1], [0], [0], [1], [0, 0, 1, 1], [], []>, transpose_lhs_hint = false} : vector<64x64xf32>, vector<64x64xf32>, vector<64x64xf32> -> vector<64x64xf32>
    %dot_general3A_1347 = arith.constant dense<0.000000e+00> : vector<64x64xf32>
    %dot_general3A_1348 = tpu.matmul %get3A_893, %get3A_898, %dot_general3A_1347 {dimension_numbers = #tpu.dot_dimension_numbers<[1], [0], [0], [1], [0, 0, 1, 1], [], []>, transpose_lhs_hint = false} : vector<64x64xf32>, vector<64x64xf32>, vector<64x64xf32> -> vector<64x64xf32>
    %dot_general3A_1349 = arith.constant dense<0.000000e+00> : vector<64x64xf32>
    %dot_general3A_1350 = tpu.matmul %get3A_903, %get3A_908, %dot_general3A_1349 {dimension_numbers = #tpu.dot_dimension_numbers<[1], [0], [0], [1], [0, 0, 1, 1], [], []>, transpose_lhs_hint = false} : vector<64x64xf32>, vector<64x64xf32>, vector<64x64xf32> -> vector<64x64xf32>
    %dot_general3A_1351 = arith.constant dense<0.000000e+00> : vector<64x64xf32>
    %dot_general3A_1352 = tpu.matmul %get3A_913, %get3A_918, %dot_general3A_1351 {dimension_numbers = #tpu.dot_dimension_numbers<[1], [0], [0], [1], [0, 0, 1, 1], [], []>, transpose_lhs_hint = false} : vector<64x64xf32>, vector<64x64xf32>, vector<64x64xf32> -> vector<64x64xf32>
    %dot_general3A_1353 = arith.constant dense<0.000000e+00> : vector<64x64xf32>
    %dot_general3A_1354 = tpu.matmul %get3A_923, %get3A_928, %dot_general3A_1353 {dimension_numbers = #tpu.dot_dimension_numbers<[1], [0], [0], [1], [0, 0, 1, 1], [], []>, transpose_lhs_hint = false} : vector<64x64xf32>, vector<64x64xf32>, vector<64x64xf32> -> vector<64x64xf32>
    %dot_general3A_1355 = arith.constant dense<0.000000e+00> : vector<64x64xf32>
    %dot_general3A_1356 = tpu.matmul %get3A_933, %get3A_938, %dot_general3A_1355 {dimension_numbers = #tpu.dot_dimension_numbers<[1], [0], [0], [1], [0, 0, 1, 1], [], []>, transpose_lhs_hint = false} : vector<64x64xf32>, vector<64x64xf32>, vector<64x64xf32> -> vector<64x64xf32>
    %dot_general3A_1357 = arith.constant dense<0.000000e+00> : vector<64x64xf32>
    %dot_general3A_1358 = tpu.matmul %get3A_943, %get3A_948, %dot_general3A_1357 {dimension_numbers = #tpu.dot_dimension_numbers<[1], [0], [0], [1], [0, 0, 1, 1], [], []>, transpose_lhs_hint = false} : vector<64x64xf32>, vector<64x64xf32>, vector<64x64xf32> -> vector<64x64xf32>
    %dot_general3A_1359 = arith.constant dense<0.000000e+00> : vector<64x64xf32>
    %dot_general3A_1360 = tpu.matmul %get3A_953, %get3A_958, %dot_general3A_1359 {dimension_numbers = #tpu.dot_dimension_numbers<[1], [0], [0], [1], [0, 0, 1, 1], [], []>, transpose_lhs_hint = false} : vector<64x64xf32>, vector<64x64xf32>, vector<64x64xf32> -> vector<64x64xf32>
    %dot_general3A_1361 = arith.constant dense<0.000000e+00> : vector<64x64xf32>
    %dot_general3A_1362 = tpu.matmul %get3A_963, %get3A_968, %dot_general3A_1361 {dimension_numbers = #tpu.dot_dimension_numbers<[1], [0], [0], [1], [0, 0, 1, 1], [], []>, transpose_lhs_hint = false} : vector<64x64xf32>, vector<64x64xf32>, vector<64x64xf32> -> vector<64x64xf32>
    %dot_general3A_1363 = arith.constant dense<0.000000e+00> : vector<64x64xf32>
    %dot_general3A_1364 = tpu.matmul %get3A_973, %get3A_978, %dot_general3A_1363 {dimension_numbers = #tpu.dot_dimension_numbers<[1], [0], [0], [1], [0, 0, 1, 1], [], []>, transpose_lhs_hint = false} : vector<64x64xf32>, vector<64x64xf32>, vector<64x64xf32> -> vector<64x64xf32>
    %dot_general3A_1365 = arith.constant dense<0.000000e+00> : vector<64x64xf32>
    %dot_general3A_1366 = tpu.matmul %get3A_983, %get3A_988, %dot_general3A_1365 {dimension_numbers = #tpu.dot_dimension_numbers<[1], [0], [0], [1], [0, 0, 1, 1], [], []>, transpose_lhs_hint = false} : vector<64x64xf32>, vector<64x64xf32>, vector<64x64xf32> -> vector<64x64xf32>
    %dot_general3A_1367 = arith.constant dense<0.000000e+00> : vector<64x64xf32>
    %dot_general3A_1368 = tpu.matmul %get3A_993, %get3A_998, %dot_general3A_1367 {dimension_numbers = #tpu.dot_dimension_numbers<[1], [0], [0], [1], [0, 0, 1, 1], [], []>, transpose_lhs_hint = false} : vector<64x64xf32>, vector<64x64xf32>, vector<64x64xf32> -> vector<64x64xf32>
    %dot_general3A_1369 = arith.constant dense<0.000000e+00> : vector<64x64xf32>
    %dot_general3A_1370 = tpu.matmul %get3A_1003, %get3A_1008, %dot_general3A_1369 {dimension_numbers = #tpu.dot_dimension_numbers<[1], [0], [0], [1], [0, 0, 1, 1], [], []>, transpose_lhs_hint = false} : vector<64x64xf32>, vector<64x64xf32>, vector<64x64xf32> -> vector<64x64xf32>
    %dot_general3A_1371 = arith.constant dense<0.000000e+00> : vector<64x64xf32>
    %dot_general3A_1372 = tpu.matmul %get3A_1013, %get3A_1018, %dot_general3A_1371 {dimension_numbers = #tpu.dot_dimension_numbers<[1], [0], [0], [1], [0, 0, 1, 1], [], []>, transpose_lhs_hint = false} : vector<64x64xf32>, vector<64x64xf32>, vector<64x64xf32> -> vector<64x64xf32>
    %dot_general3A_1373 = arith.constant dense<0.000000e+00> : vector<64x64xf32>
    %dot_general3A_1374 = tpu.matmul %get3A_1023, %get3A_1028, %dot_general3A_1373 {dimension_numbers = #tpu.dot_dimension_numbers<[1], [0], [0], [1], [0, 0, 1, 1], [], []>, transpose_lhs_hint = false} : vector<64x64xf32>, vector<64x64xf32>, vector<64x64xf32> -> vector<64x64xf32>
    %dot_general3A_1375 = arith.constant dense<0.000000e+00> : vector<64x64xf32>
    %dot_general3A_1376 = tpu.matmul %get3A_1033, %get3A_1038, %dot_general3A_1375 {dimension_numbers = #tpu.dot_dimension_numbers<[1], [0], [0], [1], [0, 0, 1, 1], [], []>, transpose_lhs_hint = false} : vector<64x64xf32>, vector<64x64xf32>, vector<64x64xf32> -> vector<64x64xf32>
    %dot_general3A_1377 = arith.constant dense<0.000000e+00> : vector<64x64xf32>
    %dot_general3A_1378 = tpu.matmul %get3A_1043, %get3A_1048, %dot_general3A_1377 {dimension_numbers = #tpu.dot_dimension_numbers<[1], [0], [0], [1], [0, 0, 1, 1], [], []>, transpose_lhs_hint = false} : vector<64x64xf32>, vector<64x64xf32>, vector<64x64xf32> -> vector<64x64xf32>
    %dot_general3A_1379 = arith.constant dense<0.000000e+00> : vector<64x64xf32>
    %dot_general3A_1380 = tpu.matmul %get3A_1053, %get3A_1058, %dot_general3A_1379 {dimension_numbers = #tpu.dot_dimension_numbers<[1], [0], [0], [1], [0, 0, 1, 1], [], []>, transpose_lhs_hint = false} : vector<64x64xf32>, vector<64x64xf32>, vector<64x64xf32> -> vector<64x64xf32>
    %dot_general3A_1381 = arith.constant dense<0.000000e+00> : vector<64x64xf32>
    %dot_general3A_1382 = tpu.matmul %get3A_1063, %get3A_1068, %dot_general3A_1381 {dimension_numbers = #tpu.dot_dimension_numbers<[1], [0], [0], [1], [0, 0, 1, 1], [], []>, transpose_lhs_hint = false} : vector<64x64xf32>, vector<64x64xf32>, vector<64x64xf32> -> vector<64x64xf32>
    %dot_general3A_1383 = arith.constant dense<0.000000e+00> : vector<64x64xf32>
    %dot_general3A_1384 = tpu.matmul %get3A_1073, %get3A_1078, %dot_general3A_1383 {dimension_numbers = #tpu.dot_dimension_numbers<[1], [0], [0], [1], [0, 0, 1, 1], [], []>, transpose_lhs_hint = false} : vector<64x64xf32>, vector<64x64xf32>, vector<64x64xf32> -> vector<64x64xf32>
    %dot_general3A_1385 = arith.constant dense<0.000000e+00> : vector<64x64xf32>
    %dot_general3A_1386 = tpu.matmul %get3A_1083, %get3A_1088, %dot_general3A_1385 {dimension_numbers = #tpu.dot_dimension_numbers<[1], [0], [0], [1], [0, 0, 1, 1], [], []>, transpose_lhs_hint = false} : vector<64x64xf32>, vector<64x64xf32>, vector<64x64xf32> -> vector<64x64xf32>
    %dot_general3A_1387 = arith.constant dense<0.000000e+00> : vector<64x64xf32>
    %dot_general3A_1388 = tpu.matmul %get3A_1093, %get3A_1098, %dot_general3A_1387 {dimension_numbers = #tpu.dot_dimension_numbers<[1], [0], [0], [1], [0, 0, 1, 1], [], []>, transpose_lhs_hint = false} : vector<64x64xf32>, vector<64x64xf32>, vector<64x64xf32> -> vector<64x64xf32>
    %dot_general3A_1389 = arith.constant dense<0.000000e+00> : vector<64x64xf32>
    %dot_general3A_1390 = tpu.matmul %get3A_1103, %get3A_1108, %dot_general3A_1389 {dimension_numbers = #tpu.dot_dimension_numbers<[1], [0], [0], [1], [0, 0, 1, 1], [], []>, transpose_lhs_hint = false} : vector<64x64xf32>, vector<64x64xf32>, vector<64x64xf32> -> vector<64x64xf32>
    %dot_general3A_1391 = arith.constant dense<0.000000e+00> : vector<64x64xf32>
    %dot_general3A_1392 = tpu.matmul %get3A_1113, %get3A_1118, %dot_general3A_1391 {dimension_numbers = #tpu.dot_dimension_numbers<[1], [0], [0], [1], [0, 0, 1, 1], [], []>, transpose_lhs_hint = false} : vector<64x64xf32>, vector<64x64xf32>, vector<64x64xf32> -> vector<64x64xf32>
    %dot_general3A_1393 = arith.constant dense<0.000000e+00> : vector<64x64xf32>
    %dot_general3A_1394 = tpu.matmul %get3A_1123, %get3A_1128, %dot_general3A_1393 {dimension_numbers = #tpu.dot_dimension_numbers<[1], [0], [0], [1], [0, 0, 1, 1], [], []>, transpose_lhs_hint = false} : vector<64x64xf32>, vector<64x64xf32>, vector<64x64xf32> -> vector<64x64xf32>
    %dot_general3A_1395 = arith.constant dense<0.000000e+00> : vector<64x64xf32>
    %dot_general3A_1396 = tpu.matmul %get3A_1133, %get3A_1138, %dot_general3A_1395 {dimension_numbers = #tpu.dot_dimension_numbers<[1], [0], [0], [1], [0, 0, 1, 1], [], []>, transpose_lhs_hint = false} : vector<64x64xf32>, vector<64x64xf32>, vector<64x64xf32> -> vector<64x64xf32>
    %dot_general3A_1397 = arith.constant dense<0.000000e+00> : vector<64x64xf32>
    %dot_general3A_1398 = tpu.matmul %get3A_1143, %get3A_1148, %dot_general3A_1397 {dimension_numbers = #tpu.dot_dimension_numbers<[1], [0], [0], [1], [0, 0, 1, 1], [], []>, transpose_lhs_hint = false} : vector<64x64xf32>, vector<64x64xf32>, vector<64x64xf32> -> vector<64x64xf32>
    %dot_general3A_1399 = arith.constant dense<0.000000e+00> : vector<64x64xf32>
    %dot_general3A_1400 = tpu.matmul %get3A_1153, %get3A_1158, %dot_general3A_1399 {dimension_numbers = #tpu.dot_dimension_numbers<[1], [0], [0], [1], [0, 0, 1, 1], [], []>, transpose_lhs_hint = false} : vector<64x64xf32>, vector<64x64xf32>, vector<64x64xf32> -> vector<64x64xf32>
    %dot_general3A_1401 = arith.constant dense<0.000000e+00> : vector<64x64xf32>
    %dot_general3A_1402 = tpu.matmul %get3A_1163, %get3A_1168, %dot_general3A_1401 {dimension_numbers = #tpu.dot_dimension_numbers<[1], [0], [0], [1], [0, 0, 1, 1], [], []>, transpose_lhs_hint = false} : vector<64x64xf32>, vector<64x64xf32>, vector<64x64xf32> -> vector<64x64xf32>
    %dot_general3A_1403 = arith.constant dense<0.000000e+00> : vector<64x64xf32>
    %dot_general3A_1404 = tpu.matmul %get3A_1173, %get3A_1178, %dot_general3A_1403 {dimension_numbers = #tpu.dot_dimension_numbers<[1], [0], [0], [1], [0, 0, 1, 1], [], []>, transpose_lhs_hint = false} : vector<64x64xf32>, vector<64x64xf32>, vector<64x64xf32> -> vector<64x64xf32>
    %dot_general3A_1405 = arith.constant dense<0.000000e+00> : vector<64x64xf32>
    %dot_general3A_1406 = tpu.matmul %get3A_1183, %get3A_1188, %dot_general3A_1405 {dimension_numbers = #tpu.dot_dimension_numbers<[1], [0], [0], [1], [0, 0, 1, 1], [], []>, transpose_lhs_hint = false} : vector<64x64xf32>, vector<64x64xf32>, vector<64x64xf32> -> vector<64x64xf32>
    %dot_general3A_1407 = arith.constant dense<0.000000e+00> : vector<64x64xf32>
    %dot_general3A_1408 = tpu.matmul %get3A_1193, %get3A_1198, %dot_general3A_1407 {dimension_numbers = #tpu.dot_dimension_numbers<[1], [0], [0], [1], [0, 0, 1, 1], [], []>, transpose_lhs_hint = false} : vector<64x64xf32>, vector<64x64xf32>, vector<64x64xf32> -> vector<64x64xf32>
    %dot_general3A_1409 = arith.constant dense<0.000000e+00> : vector<64x64xf32>
    %dot_general3A_1410 = tpu.matmul %get3A_1203, %get3A_1208, %dot_general3A_1409 {dimension_numbers = #tpu.dot_dimension_numbers<[1], [0], [0], [1], [0, 0, 1, 1], [], []>, transpose_lhs_hint = false} : vector<64x64xf32>, vector<64x64xf32>, vector<64x64xf32> -> vector<64x64xf32>
    %dot_general3A_1411 = arith.constant dense<0.000000e+00> : vector<64x64xf32>
    %dot_general3A_1412 = tpu.matmul %dot_general3A_1214, %dot_general3A_1216, %dot_general3A_1411 {dimension_numbers = #tpu.dot_dimension_numbers<[1], [0], [0], [1], [0, 0, 1, 1], [], []>, transpose_lhs_hint = false} : vector<64x64xf32>, vector<64x64xf32>, vector<64x64xf32> -> vector<64x64xf32>
    %dot_general3A_1413 = arith.constant dense<0.000000e+00> : vector<64x64xf32>
    %dot_general3A_1414 = tpu.matmul %dot_general3A_1218, %dot_general3A_1220, %dot_general3A_1413 {dimension_numbers = #tpu.dot_dimension_numbers<[1], [0], [0], [1], [0, 0, 1, 1], [], []>, transpose_lhs_hint = false} : vector<64x64xf32>, vector<64x64xf32>, vector<64x64xf32> -> vector<64x64xf32>
    %dot_general3A_1415 = arith.constant dense<0.000000e+00> : vector<64x64xf32>
    %dot_general3A_1416 = tpu.matmul %dot_general3A_1222, %dot_general3A_1224, %dot_general3A_1415 {dimension_numbers = #tpu.dot_dimension_numbers<[1], [0], [0], [1], [0, 0, 1, 1], [], []>, transpose_lhs_hint = false} : vector<64x64xf32>, vector<64x64xf32>, vector<64x64xf32> -> vector<64x64xf32>
    %dot_general3A_1417 = arith.constant dense<0.000000e+00> : vector<64x64xf32>
    %dot_general3A_1418 = tpu.matmul %dot_general3A_1226, %dot_general3A_1228, %dot_general3A_1417 {dimension_numbers = #tpu.dot_dimension_numbers<[1], [0], [0], [1], [0, 0, 1, 1], [], []>, transpose_lhs_hint = false} : vector<64x64xf32>, vector<64x64xf32>, vector<64x64xf32> -> vector<64x64xf32>
    %dot_general3A_1419 = arith.constant dense<0.000000e+00> : vector<64x64xf32>
    %dot_general3A_1420 = tpu.matmul %dot_general3A_1230, %dot_general3A_1232, %dot_general3A_1419 {dimension_numbers = #tpu.dot_dimension_numbers<[1], [0], [0], [1], [0, 0, 1, 1], [], []>, transpose_lhs_hint = false} : vector<64x64xf32>, vector<64x64xf32>, vector<64x64xf32> -> vector<64x64xf32>
    %dot_general3A_1421 = arith.constant dense<0.000000e+00> : vector<64x64xf32>
    %dot_general3A_1422 = tpu.matmul %dot_general3A_1234, %dot_general3A_1236, %dot_general3A_1421 {dimension_numbers = #tpu.dot_dimension_numbers<[1], [0], [0], [1], [0, 0, 1, 1], [], []>, transpose_lhs_hint = false} : vector<64x64xf32>, vector<64x64xf32>, vector<64x64xf32> -> vector<64x64xf32>
    %dot_general3A_1423 = arith.constant dense<0.000000e+00> : vector<64x64xf32>
    %dot_general3A_1424 = tpu.matmul %dot_general3A_1238, %dot_general3A_1240, %dot_general3A_1423 {dimension_numbers = #tpu.dot_dimension_numbers<[1], [0], [0], [1], [0, 0, 1, 1], [], []>, transpose_lhs_hint = false} : vector<64x64xf32>, vector<64x64xf32>, vector<64x64xf32> -> vector<64x64xf32>
    %dot_general3A_1425 = arith.constant dense<0.000000e+00> : vector<64x64xf32>
    %dot_general3A_1426 = tpu.matmul %dot_general3A_1242, %dot_general3A_1244, %dot_general3A_1425 {dimension_numbers = #tpu.dot_dimension_numbers<[1], [0], [0], [1], [0, 0, 1, 1], [], []>, transpose_lhs_hint = false} : vector<64x64xf32>, vector<64x64xf32>, vector<64x64xf32> -> vector<64x64xf32>
    %dot_general3A_1427 = arith.constant dense<0.000000e+00> : vector<64x64xf32>
    %dot_general3A_1428 = tpu.matmul %dot_general3A_1246, %dot_general3A_1248, %dot_general3A_1427 {dimension_numbers = #tpu.dot_dimension_numbers<[1], [0], [0], [1], [0, 0, 1, 1], [], []>, transpose_lhs_hint = false} : vector<64x64xf32>, vector<64x64xf32>, vector<64x64xf32> -> vector<64x64xf32>
    %dot_general3A_1429 = arith.constant dense<0.000000e+00> : vector<64x64xf32>
    %dot_general3A_1430 = tpu.matmul %dot_general3A_1250, %dot_general3A_1252, %dot_general3A_1429 {dimension_numbers = #tpu.dot_dimension_numbers<[1], [0], [0], [1], [0, 0, 1, 1], [], []>, transpose_lhs_hint = false} : vector<64x64xf32>, vector<64x64xf32>, vector<64x64xf32> -> vector<64x64xf32>
    %dot_general3A_1431 = arith.constant dense<0.000000e+00> : vector<64x64xf32>
    %dot_general3A_1432 = tpu.matmul %dot_general3A_1254, %dot_general3A_1256, %dot_general3A_1431 {dimension_numbers = #tpu.dot_dimension_numbers<[1], [0], [0], [1], [0, 0, 1, 1], [], []>, transpose_lhs_hint = false} : vector<64x64xf32>, vector<64x64xf32>, vector<64x64xf32> -> vector<64x64xf32>
    %dot_general3A_1433 = arith.constant dense<0.000000e+00> : vector<64x64xf32>
    %dot_general3A_1434 = tpu.matmul %dot_general3A_1258, %dot_general3A_1260, %dot_general3A_1433 {dimension_numbers = #tpu.dot_dimension_numbers<[1], [0], [0], [1], [0, 0, 1, 1], [], []>, transpose_lhs_hint = false} : vector<64x64xf32>, vector<64x64xf32>, vector<64x64xf32> -> vector<64x64xf32>
    %dot_general3A_1435 = arith.constant dense<0.000000e+00> : vector<64x64xf32>
    %dot_general3A_1436 = tpu.matmul %dot_general3A_1262, %dot_general3A_1264, %dot_general3A_1435 {dimension_numbers = #tpu.dot_dimension_numbers<[1], [0], [0], [1], [0, 0, 1, 1], [], []>, transpose_lhs_hint = false} : vector<64x64xf32>, vector<64x64xf32>, vector<64x64xf32> -> vector<64x64xf32>
    %dot_general3A_1437 = arith.constant dense<0.000000e+00> : vector<64x64xf32>
    %dot_general3A_1438 = tpu.matmul %dot_general3A_1266, %dot_general3A_1268, %dot_general3A_1437 {dimension_numbers = #tpu.dot_dimension_numbers<[1], [0], [0], [1], [0, 0, 1, 1], [], []>, transpose_lhs_hint = false} : vector<64x64xf32>, vector<64x64xf32>, vector<64x64xf32> -> vector<64x64xf32>
    %dot_general3A_1439 = arith.constant dense<0.000000e+00> : vector<64x64xf32>
    %dot_general3A_1440 = tpu.matmul %dot_general3A_1270, %dot_general3A_1272, %dot_general3A_1439 {dimension_numbers = #tpu.dot_dimension_numbers<[1], [0], [0], [1], [0, 0, 1, 1], [], []>, transpose_lhs_hint = false} : vector<64x64xf32>, vector<64x64xf32>, vector<64x64xf32> -> vector<64x64xf32>
    %dot_general3A_1441 = arith.constant dense<0.000000e+00> : vector<64x64xf32>
    %dot_general3A_1442 = tpu.matmul %dot_general3A_1274, %dot_general3A_1276, %dot_general3A_1441 {dimension_numbers = #tpu.dot_dimension_numbers<[1], [0], [0], [1], [0, 0, 1, 1], [], []>, transpose_lhs_hint = false} : vector<64x64xf32>, vector<64x64xf32>, vector<64x64xf32> -> vector<64x64xf32>
    %dot_general3A_1443 = arith.constant dense<0.000000e+00> : vector<64x64xf32>
    %dot_general3A_1444 = tpu.matmul %dot_general3A_1278, %dot_general3A_1280, %dot_general3A_1443 {dimension_numbers = #tpu.dot_dimension_numbers<[1], [0], [0], [1], [0, 0, 1, 1], [], []>, transpose_lhs_hint = false} : vector<64x64xf32>, vector<64x64xf32>, vector<64x64xf32> -> vector<64x64xf32>
    %dot_general3A_1445 = arith.constant dense<0.000000e+00> : vector<64x64xf32>
    %dot_general3A_1446 = tpu.matmul %dot_general3A_1282, %dot_general3A_1284, %dot_general3A_1445 {dimension_numbers = #tpu.dot_dimension_numbers<[1], [0], [0], [1], [0, 0, 1, 1], [], []>, transpose_lhs_hint = false} : vector<64x64xf32>, vector<64x64xf32>, vector<64x64xf32> -> vector<64x64xf32>
    %dot_general3A_1447 = arith.constant dense<0.000000e+00> : vector<64x64xf32>
    %dot_general3A_1448 = tpu.matmul %dot_general3A_1286, %dot_general3A_1288, %dot_general3A_1447 {dimension_numbers = #tpu.dot_dimension_numbers<[1], [0], [0], [1], [0, 0, 1, 1], [], []>, transpose_lhs_hint = false} : vector<64x64xf32>, vector<64x64xf32>, vector<64x64xf32> -> vector<64x64xf32>
    %dot_general3A_1449 = arith.constant dense<0.000000e+00> : vector<64x64xf32>
    %dot_general3A_1450 = tpu.matmul %dot_general3A_1290, %dot_general3A_1292, %dot_general3A_1449 {dimension_numbers = #tpu.dot_dimension_numbers<[1], [0], [0], [1], [0, 0, 1, 1], [], []>, transpose_lhs_hint = false} : vector<64x64xf32>, vector<64x64xf32>, vector<64x64xf32> -> vector<64x64xf32>
    %dot_general3A_1451 = arith.constant dense<0.000000e+00> : vector<64x64xf32>
    %dot_general3A_1452 = tpu.matmul %dot_general3A_1294, %dot_general3A_1296, %dot_general3A_1451 {dimension_numbers = #tpu.dot_dimension_numbers<[1], [0], [0], [1], [0, 0, 1, 1], [], []>, transpose_lhs_hint = false} : vector<64x64xf32>, vector<64x64xf32>, vector<64x64xf32> -> vector<64x64xf32>
    %dot_general3A_1453 = arith.constant dense<0.000000e+00> : vector<64x64xf32>
    %dot_general3A_1454 = tpu.matmul %dot_general3A_1298, %dot_general3A_1300, %dot_general3A_1453 {dimension_numbers = #tpu.dot_dimension_numbers<[1], [0], [0], [1], [0, 0, 1, 1], [], []>, transpose_lhs_hint = false} : vector<64x64xf32>, vector<64x64xf32>, vector<64x64xf32> -> vector<64x64xf32>
    %dot_general3A_1455 = arith.constant dense<0.000000e+00> : vector<64x64xf32>
    %dot_general3A_1456 = tpu.matmul %dot_general3A_1302, %dot_general3A_1304, %dot_general3A_1455 {dimension_numbers = #tpu.dot_dimension_numbers<[1], [0], [0], [1], [0, 0, 1, 1], [], []>, transpose_lhs_hint = false} : vector<64x64xf32>, vector<64x64xf32>, vector<64x64xf32> -> vector<64x64xf32>
    %dot_general3A_1457 = arith.constant dense<0.000000e+00> : vector<64x64xf32>
    %dot_general3A_1458 = tpu.matmul %dot_general3A_1306, %dot_general3A_1308, %dot_general3A_1457 {dimension_numbers = #tpu.dot_dimension_numbers<[1], [0], [0], [1], [0, 0, 1, 1], [], []>, transpose_lhs_hint = false} : vector<64x64xf32>, vector<64x64xf32>, vector<64x64xf32> -> vector<64x64xf32>
    %dot_general3A_1459 = arith.constant dense<0.000000e+00> : vector<64x64xf32>
    %dot_general3A_1460 = tpu.matmul %dot_general3A_1310, %dot_general3A_1312, %dot_general3A_1459 {dimension_numbers = #tpu.dot_dimension_numbers<[1], [0], [0], [1], [0, 0, 1, 1], [], []>, transpose_lhs_hint = false} : vector<64x64xf32>, vector<64x64xf32>, vector<64x64xf32> -> vector<64x64xf32>
    %dot_general3A_1461 = arith.constant dense<0.000000e+00> : vector<64x64xf32>
    %dot_general3A_1462 = tpu.matmul %dot_general3A_1314, %dot_general3A_1316, %dot_general3A_1461 {dimension_numbers = #tpu.dot_dimension_numbers<[1], [0], [0], [1], [0, 0, 1, 1], [], []>, transpose_lhs_hint = false} : vector<64x64xf32>, vector<64x64xf32>, vector<64x64xf32> -> vector<64x64xf32>
    %dot_general3A_1463 = arith.constant dense<0.000000e+00> : vector<64x64xf32>
    %dot_general3A_1464 = tpu.matmul %dot_general3A_1318, %dot_general3A_1320, %dot_general3A_1463 {dimension_numbers = #tpu.dot_dimension_numbers<[1], [0], [0], [1], [0, 0, 1, 1], [], []>, transpose_lhs_hint = false} : vector<64x64xf32>, vector<64x64xf32>, vector<64x64xf32> -> vector<64x64xf32>
    %dot_general3A_1465 = arith.constant dense<0.000000e+00> : vector<64x64xf32>
    %dot_general3A_1466 = tpu.matmul %dot_general3A_1322, %dot_general3A_1324, %dot_general3A_1465 {dimension_numbers = #tpu.dot_dimension_numbers<[1], [0], [0], [1], [0, 0, 1, 1], [], []>, transpose_lhs_hint = false} : vector<64x64xf32>, vector<64x64xf32>, vector<64x64xf32> -> vector<64x64xf32>
    %dot_general3A_1467 = arith.constant dense<0.000000e+00> : vector<64x64xf32>
    %dot_general3A_1468 = tpu.matmul %dot_general3A_1326, %dot_general3A_1328, %dot_general3A_1467 {dimension_numbers = #tpu.dot_dimension_numbers<[1], [0], [0], [1], [0, 0, 1, 1], [], []>, transpose_lhs_hint = false} : vector<64x64xf32>, vector<64x64xf32>, vector<64x64xf32> -> vector<64x64xf32>
    %dot_general3A_1469 = arith.constant dense<0.000000e+00> : vector<64x64xf32>
    %dot_general3A_1470 = tpu.matmul %dot_general3A_1330, %dot_general3A_1332, %dot_general3A_1469 {dimension_numbers = #tpu.dot_dimension_numbers<[1], [0], [0], [1], [0, 0, 1, 1], [], []>, transpose_lhs_hint = false} : vector<64x64xf32>, vector<64x64xf32>, vector<64x64xf32> -> vector<64x64xf32>
    %dot_general3A_1471 = arith.constant dense<0.000000e+00> : vector<64x64xf32>
    %dot_general3A_1472 = tpu.matmul %dot_general3A_1334, %dot_general3A_1336, %dot_general3A_1471 {dimension_numbers = #tpu.dot_dimension_numbers<[1], [0], [0], [1], [0, 0, 1, 1], [], []>, transpose_lhs_hint = false} : vector<64x64xf32>, vector<64x64xf32>, vector<64x64xf32> -> vector<64x64xf32>
    %dot_general3A_1473 = arith.constant dense<0.000000e+00> : vector<64x64xf32>
    %dot_general3A_1474 = tpu.matmul %dot_general3A_1338, %dot_general3A_1340, %dot_general3A_1473 {dimension_numbers = #tpu.dot_dimension_numbers<[1], [0], [0], [1], [0, 0, 1, 1], [], []>, transpose_lhs_hint = false} : vector<64x64xf32>, vector<64x64xf32>, vector<64x64xf32> -> vector<64x64xf32>
    %dot_general3A_1475 = arith.constant dense<0.000000e+00> : vector<64x64xf32>
    %dot_general3A_1476 = tpu.matmul %dot_general3A_1342, %dot_general3A_1344, %dot_general3A_1475 {dimension_numbers = #tpu.dot_dimension_numbers<[1], [0], [0], [1], [0, 0, 1, 1], [], []>, transpose_lhs_hint = false} : vector<64x64xf32>, vector<64x64xf32>, vector<64x64xf32> -> vector<64x64xf32>
    %dot_general3A_1477 = arith.constant dense<0.000000e+00> : vector<64x64xf32>
    %dot_general3A_1478 = tpu.matmul %dot_general3A_1346, %dot_general3A_1348, %dot_general3A_1477 {dimension_numbers = #tpu.dot_dimension_numbers<[1], [0], [0], [1], [0, 0, 1, 1], [], []>, transpose_lhs_hint = false} : vector<64x64xf32>, vector<64x64xf32>, vector<64x64xf32> -> vector<64x64xf32>
    %dot_general3A_1479 = arith.constant dense<0.000000e+00> : vector<64x64xf32>
    %dot_general3A_1480 = tpu.matmul %dot_general3A_1350, %dot_general3A_1352, %dot_general3A_1479 {dimension_numbers = #tpu.dot_dimension_numbers<[1], [0], [0], [1], [0, 0, 1, 1], [], []>, transpose_lhs_hint = false} : vector<64x64xf32>, vector<64x64xf32>, vector<64x64xf32> -> vector<64x64xf32>
    %dot_general3A_1481 = arith.constant dense<0.000000e+00> : vector<64x64xf32>
    %dot_general3A_1482 = tpu.matmul %dot_general3A_1354, %dot_general3A_1356, %dot_general3A_1481 {dimension_numbers = #tpu.dot_dimension_numbers<[1], [0], [0], [1], [0, 0, 1, 1], [], []>, transpose_lhs_hint = false} : vector<64x64xf32>, vector<64x64xf32>, vector<64x64xf32> -> vector<64x64xf32>
    %dot_general3A_1483 = arith.constant dense<0.000000e+00> : vector<64x64xf32>
    %dot_general3A_1484 = tpu.matmul %dot_general3A_1358, %dot_general3A_1360, %dot_general3A_1483 {dimension_numbers = #tpu.dot_dimension_numbers<[1], [0], [0], [1], [0, 0, 1, 1], [], []>, transpose_lhs_hint = false} : vector<64x64xf32>, vector<64x64xf32>, vector<64x64xf32> -> vector<64x64xf32>
    %dot_general3A_1485 = arith.constant dense<0.000000e+00> : vector<64x64xf32>
    %dot_general3A_1486 = tpu.matmul %dot_general3A_1362, %dot_general3A_1364, %dot_general3A_1485 {dimension_numbers = #tpu.dot_dimension_numbers<[1], [0], [0], [1], [0, 0, 1, 1], [], []>, transpose_lhs_hint = false} : vector<64x64xf32>, vector<64x64xf32>, vector<64x64xf32> -> vector<64x64xf32>
    %dot_general3A_1487 = arith.constant dense<0.000000e+00> : vector<64x64xf32>
    %dot_general3A_1488 = tpu.matmul %dot_general3A_1366, %dot_general3A_1368, %dot_general3A_1487 {dimension_numbers = #tpu.dot_dimension_numbers<[1], [0], [0], [1], [0, 0, 1, 1], [], []>, transpose_lhs_hint = false} : vector<64x64xf32>, vector<64x64xf32>, vector<64x64xf32> -> vector<64x64xf32>
    %dot_general3A_1489 = arith.constant dense<0.000000e+00> : vector<64x64xf32>
    %dot_general3A_1490 = tpu.matmul %dot_general3A_1370, %dot_general3A_1372, %dot_general3A_1489 {dimension_numbers = #tpu.dot_dimension_numbers<[1], [0], [0], [1], [0, 0, 1, 1], [], []>, transpose_lhs_hint = false} : vector<64x64xf32>, vector<64x64xf32>, vector<64x64xf32> -> vector<64x64xf32>
    %dot_general3A_1491 = arith.constant dense<0.000000e+00> : vector<64x64xf32>
    %dot_general3A_1492 = tpu.matmul %dot_general3A_1374, %dot_general3A_1376, %dot_general3A_1491 {dimension_numbers = #tpu.dot_dimension_numbers<[1], [0], [0], [1], [0, 0, 1, 1], [], []>, transpose_lhs_hint = false} : vector<64x64xf32>, vector<64x64xf32>, vector<64x64xf32> -> vector<64x64xf32>
    %dot_general3A_1493 = arith.constant dense<0.000000e+00> : vector<64x64xf32>
    %dot_general3A_1494 = tpu.matmul %dot_general3A_1378, %dot_general3A_1380, %dot_general3A_1493 {dimension_numbers = #tpu.dot_dimension_numbers<[1], [0], [0], [1], [0, 0, 1, 1], [], []>, transpose_lhs_hint = false} : vector<64x64xf32>, vector<64x64xf32>, vector<64x64xf32> -> vector<64x64xf32>
    %dot_general3A_1495 = arith.constant dense<0.000000e+00> : vector<64x64xf32>
    %dot_general3A_1496 = tpu.matmul %dot_general3A_1382, %dot_general3A_1384, %dot_general3A_1495 {dimension_numbers = #tpu.dot_dimension_numbers<[1], [0], [0], [1], [0, 0, 1, 1], [], []>, transpose_lhs_hint = false} : vector<64x64xf32>, vector<64x64xf32>, vector<64x64xf32> -> vector<64x64xf32>
    %dot_general3A_1497 = arith.constant dense<0.000000e+00> : vector<64x64xf32>
    %dot_general3A_1498 = tpu.matmul %dot_general3A_1386, %dot_general3A_1388, %dot_general3A_1497 {dimension_numbers = #tpu.dot_dimension_numbers<[1], [0], [0], [1], [0, 0, 1, 1], [], []>, transpose_lhs_hint = false} : vector<64x64xf32>, vector<64x64xf32>, vector<64x64xf32> -> vector<64x64xf32>
    %dot_general3A_1499 = arith.constant dense<0.000000e+00> : vector<64x64xf32>
    %dot_general3A_1500 = tpu.matmul %dot_general3A_1390, %dot_general3A_1392, %dot_general3A_1499 {dimension_numbers = #tpu.dot_dimension_numbers<[1], [0], [0], [1], [0, 0, 1, 1], [], []>, transpose_lhs_hint = false} : vector<64x64xf32>, vector<64x64xf32>, vector<64x64xf32> -> vector<64x64xf32>
    %dot_general3A_1501 = arith.constant dense<0.000000e+00> : vector<64x64xf32>
    %dot_general3A_1502 = tpu.matmul %dot_general3A_1394, %dot_general3A_1396, %dot_general3A_1501 {dimension_numbers = #tpu.dot_dimension_numbers<[1], [0], [0], [1], [0, 0, 1, 1], [], []>, transpose_lhs_hint = false} : vector<64x64xf32>, vector<64x64xf32>, vector<64x64xf32> -> vector<64x64xf32>
    %dot_general3A_1503 = arith.constant dense<0.000000e+00> : vector<64x64xf32>
    %dot_general3A_1504 = tpu.matmul %dot_general3A_1398, %dot_general3A_1400, %dot_general3A_1503 {dimension_numbers = #tpu.dot_dimension_numbers<[1], [0], [0], [1], [0, 0, 1, 1], [], []>, transpose_lhs_hint = false} : vector<64x64xf32>, vector<64x64xf32>, vector<64x64xf32> -> vector<64x64xf32>
    %dot_general3A_1505 = arith.constant dense<0.000000e+00> : vector<64x64xf32>
    %dot_general3A_1506 = tpu.matmul %dot_general3A_1402, %dot_general3A_1404, %dot_general3A_1505 {dimension_numbers = #tpu.dot_dimension_numbers<[1], [0], [0], [1], [0, 0, 1, 1], [], []>, transpose_lhs_hint = false} : vector<64x64xf32>, vector<64x64xf32>, vector<64x64xf32> -> vector<64x64xf32>
    %dot_general3A_1507 = arith.constant dense<0.000000e+00> : vector<64x64xf32>
    %dot_general3A_1508 = tpu.matmul %dot_general3A_1406, %dot_general3A_1408, %dot_general3A_1507 {dimension_numbers = #tpu.dot_dimension_numbers<[1], [0], [0], [1], [0, 0, 1, 1], [], []>, transpose_lhs_hint = false} : vector<64x64xf32>, vector<64x64xf32>, vector<64x64xf32> -> vector<64x64xf32>
    %dot_general3A_1509 = arith.constant dense<0.000000e+00> : vector<64x64xf32>
    %dot_general3A_1510 = tpu.matmul %dot_general3A_1410, %get3A_1213, %dot_general3A_1509 {dimension_numbers = #tpu.dot_dimension_numbers<[1], [0], [0], [1], [0, 0, 1, 1], [], []>, transpose_lhs_hint = false} : vector<64x64xf32>, vector<64x64xf32>, vector<64x64xf32> -> vector<64x64xf32>
    %dot_general3A_1511 = arith.constant dense<0.000000e+00> : vector<64x64xf32>
    %dot_general3A_1512 = tpu.matmul %dot_general3A_1412, %dot_general3A_1414, %dot_general3A_1511 {dimension_numbers = #tpu.dot_dimension_numbers<[1], [0], [0], [1], [0, 0, 1, 1], [], []>, transpose_lhs_hint = false} : vector<64x64xf32>, vector<64x64xf32>, vector<64x64xf32> -> vector<64x64xf32>
    %reduce_max3A = vector.shape_cast %dot_general3A_1512 : vector<64x64xf32> to vector<1x64x64xf32>
    %reduce_max3A_1513 = arith.constant dense<0xFF800000> : vector<1xf32>
    %reduce_max3A_1514 = vector.multi_reduction <maximumf>, %reduce_max3A, %reduce_max3A_1513 [1, 2] : vector<1x64x64xf32> to vector<1xf32>
    %reduce_max3A_1515 = vector.shape_cast %reduce_max3A_1514 : vector<1xf32> to vector<1x1x1xf32>
    %reduce_max3A_1516 = vector.extract %reduce_max3A_1515[0, 0, 0] : f32 from vector<1x1x1xf32>
    %broadcast_in_dim3A_1517 = vector.broadcast %reduce_max3A_1516 : f32 to vector<1x1xf32>
    %log3A = math.log %broadcast_in_dim3A_1517 : vector<1x1xf32>
    %div3A = arith.constant 1.000000e+00 : f32
    %div3A_1518 = vector.broadcast %div3A : f32 to vector<1x1xf32>
    %div3A_1519 = arith.divf %div3A_1518, %broadcast_in_dim3A_1517 : vector<1x1xf32>
    %mul3A_1520 = vector.broadcast %div3A_1519 : vector<1x1xf32> to vector<64x64xf32>
    %mul3A_1521 = arith.mulf %dot_general3A_1512, %mul3A_1520 : vector<64x64xf32>
    %dot_general3A_1522 = arith.constant dense<0.000000e+00> : vector<64x64xf32>
    %dot_general3A_1523 = tpu.matmul %dot_general3A_1416, %dot_general3A_1418, %dot_general3A_1522 {dimension_numbers = #tpu.dot_dimension_numbers<[1], [0], [0], [1], [0, 0, 1, 1], [], []>, transpose_lhs_hint = false} : vector<64x64xf32>, vector<64x64xf32>, vector<64x64xf32> -> vector<64x64xf32>
    %reduce_max3A_1524 = vector.shape_cast %dot_general3A_1523 : vector<64x64xf32> to vector<1x64x64xf32>
    %reduce_max3A_1525 = arith.constant dense<0xFF800000> : vector<1xf32>
    %reduce_max3A_1526 = vector.multi_reduction <maximumf>, %reduce_max3A_1524, %reduce_max3A_1525 [1, 2] : vector<1x64x64xf32> to vector<1xf32>
    %reduce_max3A_1527 = vector.shape_cast %reduce_max3A_1526 : vector<1xf32> to vector<1x1x1xf32>
    %reduce_max3A_1528 = vector.extract %reduce_max3A_1527[0, 0, 0] : f32 from vector<1x1x1xf32>
    %broadcast_in_dim3A_1529 = vector.broadcast %reduce_max3A_1528 : f32 to vector<1x1xf32>
    %log3A_1530 = math.log %broadcast_in_dim3A_1529 : vector<1x1xf32>
    %div3A_1531 = arith.constant 1.000000e+00 : f32
    %div3A_1532 = vector.broadcast %div3A_1531 : f32 to vector<1x1xf32>
    %div3A_1533 = arith.divf %div3A_1532, %broadcast_in_dim3A_1529 : vector<1x1xf32>
    %mul3A_1534 = vector.broadcast %div3A_1533 : vector<1x1xf32> to vector<64x64xf32>
    %mul3A_1535 = arith.mulf %dot_general3A_1523, %mul3A_1534 : vector<64x64xf32>
    %dot_general3A_1536 = arith.constant dense<0.000000e+00> : vector<64x64xf32>
    %dot_general3A_1537 = tpu.matmul %dot_general3A_1420, %dot_general3A_1422, %dot_general3A_1536 {dimension_numbers = #tpu.dot_dimension_numbers<[1], [0], [0], [1], [0, 0, 1, 1], [], []>, transpose_lhs_hint = false} : vector<64x64xf32>, vector<64x64xf32>, vector<64x64xf32> -> vector<64x64xf32>
    %reduce_max3A_1538 = vector.shape_cast %dot_general3A_1537 : vector<64x64xf32> to vector<1x64x64xf32>
    %reduce_max3A_1539 = arith.constant dense<0xFF800000> : vector<1xf32>
    %reduce_max3A_1540 = vector.multi_reduction <maximumf>, %reduce_max3A_1538, %reduce_max3A_1539 [1, 2] : vector<1x64x64xf32> to vector<1xf32>
    %reduce_max3A_1541 = vector.shape_cast %reduce_max3A_1540 : vector<1xf32> to vector<1x1x1xf32>
    %reduce_max3A_1542 = vector.extract %reduce_max3A_1541[0, 0, 0] : f32 from vector<1x1x1xf32>
    %broadcast_in_dim3A_1543 = vector.broadcast %reduce_max3A_1542 : f32 to vector<1x1xf32>
    %log3A_1544 = math.log %broadcast_in_dim3A_1543 : vector<1x1xf32>
    %div3A_1545 = arith.constant 1.000000e+00 : f32
    %div3A_1546 = vector.broadcast %div3A_1545 : f32 to vector<1x1xf32>
    %div3A_1547 = arith.divf %div3A_1546, %broadcast_in_dim3A_1543 : vector<1x1xf32>
    %mul3A_1548 = vector.broadcast %div3A_1547 : vector<1x1xf32> to vector<64x64xf32>
    %mul3A_1549 = arith.mulf %dot_general3A_1537, %mul3A_1548 : vector<64x64xf32>
    %dot_general3A_1550 = arith.constant dense<0.000000e+00> : vector<64x64xf32>
    %dot_general3A_1551 = tpu.matmul %dot_general3A_1424, %dot_general3A_1426, %dot_general3A_1550 {dimension_numbers = #tpu.dot_dimension_numbers<[1], [0], [0], [1], [0, 0, 1, 1], [], []>, transpose_lhs_hint = false} : vector<64x64xf32>, vector<64x64xf32>, vector<64x64xf32> -> vector<64x64xf32>
    %reduce_max3A_1552 = vector.shape_cast %dot_general3A_1551 : vector<64x64xf32> to vector<1x64x64xf32>
    %reduce_max3A_1553 = arith.constant dense<0xFF800000> : vector<1xf32>
    %reduce_max3A_1554 = vector.multi_reduction <maximumf>, %reduce_max3A_1552, %reduce_max3A_1553 [1, 2] : vector<1x64x64xf32> to vector<1xf32>
    %reduce_max3A_1555 = vector.shape_cast %reduce_max3A_1554 : vector<1xf32> to vector<1x1x1xf32>
    %reduce_max3A_1556 = vector.extract %reduce_max3A_1555[0, 0, 0] : f32 from vector<1x1x1xf32>
    %broadcast_in_dim3A_1557 = vector.broadcast %reduce_max3A_1556 : f32 to vector<1x1xf32>
    %log3A_1558 = math.log %broadcast_in_dim3A_1557 : vector<1x1xf32>
    %div3A_1559 = arith.constant 1.000000e+00 : f32
    %div3A_1560 = vector.broadcast %div3A_1559 : f32 to vector<1x1xf32>
    %div3A_1561 = arith.divf %div3A_1560, %broadcast_in_dim3A_1557 : vector<1x1xf32>
    %mul3A_1562 = vector.broadcast %div3A_1561 : vector<1x1xf32> to vector<64x64xf32>
    %mul3A_1563 = arith.mulf %dot_general3A_1551, %mul3A_1562 : vector<64x64xf32>
    %dot_general3A_1564 = arith.constant dense<0.000000e+00> : vector<64x64xf32>
    %dot_general3A_1565 = tpu.matmul %dot_general3A_1428, %dot_general3A_1430, %dot_general3A_1564 {dimension_numbers = #tpu.dot_dimension_numbers<[1], [0], [0], [1], [0, 0, 1, 1], [], []>, transpose_lhs_hint = false} : vector<64x64xf32>, vector<64x64xf32>, vector<64x64xf32> -> vector<64x64xf32>
    %reduce_max3A_1566 = vector.shape_cast %dot_general3A_1565 : vector<64x64xf32> to vector<1x64x64xf32>
    %reduce_max3A_1567 = arith.constant dense<0xFF800000> : vector<1xf32>
    %reduce_max3A_1568 = vector.multi_reduction <maximumf>, %reduce_max3A_1566, %reduce_max3A_1567 [1, 2] : vector<1x64x64xf32> to vector<1xf32>
    %reduce_max3A_1569 = vector.shape_cast %reduce_max3A_1568 : vector<1xf32> to vector<1x1x1xf32>
    %reduce_max3A_1570 = vector.extract %reduce_max3A_1569[0, 0, 0] : f32 from vector<1x1x1xf32>
    %broadcast_in_dim3A_1571 = vector.broadcast %reduce_max3A_1570 : f32 to vector<1x1xf32>
    %log3A_1572 = math.log %broadcast_in_dim3A_1571 : vector<1x1xf32>
    %div3A_1573 = arith.constant 1.000000e+00 : f32
    %div3A_1574 = vector.broadcast %div3A_1573 : f32 to vector<1x1xf32>
    %div3A_1575 = arith.divf %div3A_1574, %broadcast_in_dim3A_1571 : vector<1x1xf32>
    %mul3A_1576 = vector.broadcast %div3A_1575 : vector<1x1xf32> to vector<64x64xf32>
    %mul3A_1577 = arith.mulf %dot_general3A_1565, %mul3A_1576 : vector<64x64xf32>
    %dot_general3A_1578 = arith.constant dense<0.000000e+00> : vector<64x64xf32>
    %dot_general3A_1579 = tpu.matmul %dot_general3A_1432, %dot_general3A_1434, %dot_general3A_1578 {dimension_numbers = #tpu.dot_dimension_numbers<[1], [0], [0], [1], [0, 0, 1, 1], [], []>, transpose_lhs_hint = false} : vector<64x64xf32>, vector<64x64xf32>, vector<64x64xf32> -> vector<64x64xf32>
    %reduce_max3A_1580 = vector.shape_cast %dot_general3A_1579 : vector<64x64xf32> to vector<1x64x64xf32>
    %reduce_max3A_1581 = arith.constant dense<0xFF800000> : vector<1xf32>
    %reduce_max3A_1582 = vector.multi_reduction <maximumf>, %reduce_max3A_1580, %reduce_max3A_1581 [1, 2] : vector<1x64x64xf32> to vector<1xf32>
    %reduce_max3A_1583 = vector.shape_cast %reduce_max3A_1582 : vector<1xf32> to vector<1x1x1xf32>
    %reduce_max3A_1584 = vector.extract %reduce_max3A_1583[0, 0, 0] : f32 from vector<1x1x1xf32>
    %broadcast_in_dim3A_1585 = vector.broadcast %reduce_max3A_1584 : f32 to vector<1x1xf32>
    %log3A_1586 = math.log %broadcast_in_dim3A_1585 : vector<1x1xf32>
    %div3A_1587 = arith.constant 1.000000e+00 : f32
    %div3A_1588 = vector.broadcast %div3A_1587 : f32 to vector<1x1xf32>
    %div3A_1589 = arith.divf %div3A_1588, %broadcast_in_dim3A_1585 : vector<1x1xf32>
    %mul3A_1590 = vector.broadcast %div3A_1589 : vector<1x1xf32> to vector<64x64xf32>
    %mul3A_1591 = arith.mulf %dot_general3A_1579, %mul3A_1590 : vector<64x64xf32>
    %dot_general3A_1592 = arith.constant dense<0.000000e+00> : vector<64x64xf32>
    %dot_general3A_1593 = tpu.matmul %dot_general3A_1436, %dot_general3A_1438, %dot_general3A_1592 {dimension_numbers = #tpu.dot_dimension_numbers<[1], [0], [0], [1], [0, 0, 1, 1], [], []>, transpose_lhs_hint = false} : vector<64x64xf32>, vector<64x64xf32>, vector<64x64xf32> -> vector<64x64xf32>
    %reduce_max3A_1594 = vector.shape_cast %dot_general3A_1593 : vector<64x64xf32> to vector<1x64x64xf32>
    %reduce_max3A_1595 = arith.constant dense<0xFF800000> : vector<1xf32>
    %reduce_max3A_1596 = vector.multi_reduction <maximumf>, %reduce_max3A_1594, %reduce_max3A_1595 [1, 2] : vector<1x64x64xf32> to vector<1xf32>
    %reduce_max3A_1597 = vector.shape_cast %reduce_max3A_1596 : vector<1xf32> to vector<1x1x1xf32>
    %reduce_max3A_1598 = vector.extract %reduce_max3A_1597[0, 0, 0] : f32 from vector<1x1x1xf32>
    %broadcast_in_dim3A_1599 = vector.broadcast %reduce_max3A_1598 : f32 to vector<1x1xf32>
    %log3A_1600 = math.log %broadcast_in_dim3A_1599 : vector<1x1xf32>
    %div3A_1601 = arith.constant 1.000000e+00 : f32
    %div3A_1602 = vector.broadcast %div3A_1601 : f32 to vector<1x1xf32>
    %div3A_1603 = arith.divf %div3A_1602, %broadcast_in_dim3A_1599 : vector<1x1xf32>
    %mul3A_1604 = vector.broadcast %div3A_1603 : vector<1x1xf32> to vector<64x64xf32>
    %mul3A_1605 = arith.mulf %dot_general3A_1593, %mul3A_1604 : vector<64x64xf32>
    %dot_general3A_1606 = arith.constant dense<0.000000e+00> : vector<64x64xf32>
    %dot_general3A_1607 = tpu.matmul %dot_general3A_1440, %dot_general3A_1442, %dot_general3A_1606 {dimension_numbers = #tpu.dot_dimension_numbers<[1], [0], [0], [1], [0, 0, 1, 1], [], []>, transpose_lhs_hint = false} : vector<64x64xf32>, vector<64x64xf32>, vector<64x64xf32> -> vector<64x64xf32>
    %reduce_max3A_1608 = vector.shape_cast %dot_general3A_1607 : vector<64x64xf32> to vector<1x64x64xf32>
    %reduce_max3A_1609 = arith.constant dense<0xFF800000> : vector<1xf32>
    %reduce_max3A_1610 = vector.multi_reduction <maximumf>, %reduce_max3A_1608, %reduce_max3A_1609 [1, 2] : vector<1x64x64xf32> to vector<1xf32>
    %reduce_max3A_1611 = vector.shape_cast %reduce_max3A_1610 : vector<1xf32> to vector<1x1x1xf32>
    %reduce_max3A_1612 = vector.extract %reduce_max3A_1611[0, 0, 0] : f32 from vector<1x1x1xf32>
    %broadcast_in_dim3A_1613 = vector.broadcast %reduce_max3A_1612 : f32 to vector<1x1xf32>
    %log3A_1614 = math.log %broadcast_in_dim3A_1613 : vector<1x1xf32>
    %div3A_1615 = arith.constant 1.000000e+00 : f32
    %div3A_1616 = vector.broadcast %div3A_1615 : f32 to vector<1x1xf32>
    %div3A_1617 = arith.divf %div3A_1616, %broadcast_in_dim3A_1613 : vector<1x1xf32>
    %mul3A_1618 = vector.broadcast %div3A_1617 : vector<1x1xf32> to vector<64x64xf32>
    %mul3A_1619 = arith.mulf %dot_general3A_1607, %mul3A_1618 : vector<64x64xf32>
    %dot_general3A_1620 = arith.constant dense<0.000000e+00> : vector<64x64xf32>
    %dot_general3A_1621 = tpu.matmul %dot_general3A_1444, %dot_general3A_1446, %dot_general3A_1620 {dimension_numbers = #tpu.dot_dimension_numbers<[1], [0], [0], [1], [0, 0, 1, 1], [], []>, transpose_lhs_hint = false} : vector<64x64xf32>, vector<64x64xf32>, vector<64x64xf32> -> vector<64x64xf32>
    %reduce_max3A_1622 = vector.shape_cast %dot_general3A_1621 : vector<64x64xf32> to vector<1x64x64xf32>
    %reduce_max3A_1623 = arith.constant dense<0xFF800000> : vector<1xf32>
    %reduce_max3A_1624 = vector.multi_reduction <maximumf>, %reduce_max3A_1622, %reduce_max3A_1623 [1, 2] : vector<1x64x64xf32> to vector<1xf32>
    %reduce_max3A_1625 = vector.shape_cast %reduce_max3A_1624 : vector<1xf32> to vector<1x1x1xf32>
    %reduce_max3A_1626 = vector.extract %reduce_max3A_1625[0, 0, 0] : f32 from vector<1x1x1xf32>
    %broadcast_in_dim3A_1627 = vector.broadcast %reduce_max3A_1626 : f32 to vector<1x1xf32>
    %log3A_1628 = math.log %broadcast_in_dim3A_1627 : vector<1x1xf32>
    %div3A_1629 = arith.constant 1.000000e+00 : f32
    %div3A_1630 = vector.broadcast %div3A_1629 : f32 to vector<1x1xf32>
    %div3A_1631 = arith.divf %div3A_1630, %broadcast_in_dim3A_1627 : vector<1x1xf32>
    %mul3A_1632 = vector.broadcast %div3A_1631 : vector<1x1xf32> to vector<64x64xf32>
    %mul3A_1633 = arith.mulf %dot_general3A_1621, %mul3A_1632 : vector<64x64xf32>
    %dot_general3A_1634 = arith.constant dense<0.000000e+00> : vector<64x64xf32>
    %dot_general3A_1635 = tpu.matmul %dot_general3A_1448, %dot_general3A_1450, %dot_general3A_1634 {dimension_numbers = #tpu.dot_dimension_numbers<[1], [0], [0], [1], [0, 0, 1, 1], [], []>, transpose_lhs_hint = false} : vector<64x64xf32>, vector<64x64xf32>, vector<64x64xf32> -> vector<64x64xf32>
    %reduce_max3A_1636 = vector.shape_cast %dot_general3A_1635 : vector<64x64xf32> to vector<1x64x64xf32>
    %reduce_max3A_1637 = arith.constant dense<0xFF800000> : vector<1xf32>
    %reduce_max3A_1638 = vector.multi_reduction <maximumf>, %reduce_max3A_1636, %reduce_max3A_1637 [1, 2] : vector<1x64x64xf32> to vector<1xf32>
    %reduce_max3A_1639 = vector.shape_cast %reduce_max3A_1638 : vector<1xf32> to vector<1x1x1xf32>
    %reduce_max3A_1640 = vector.extract %reduce_max3A_1639[0, 0, 0] : f32 from vector<1x1x1xf32>
    %broadcast_in_dim3A_1641 = vector.broadcast %reduce_max3A_1640 : f32 to vector<1x1xf32>
    %log3A_1642 = math.log %broadcast_in_dim3A_1641 : vector<1x1xf32>
    %div3A_1643 = arith.constant 1.000000e+00 : f32
    %div3A_1644 = vector.broadcast %div3A_1643 : f32 to vector<1x1xf32>
    %div3A_1645 = arith.divf %div3A_1644, %broadcast_in_dim3A_1641 : vector<1x1xf32>
    %mul3A_1646 = vector.broadcast %div3A_1645 : vector<1x1xf32> to vector<64x64xf32>
    %mul3A_1647 = arith.mulf %dot_general3A_1635, %mul3A_1646 : vector<64x64xf32>
    %dot_general3A_1648 = arith.constant dense<0.000000e+00> : vector<64x64xf32>
    %dot_general3A_1649 = tpu.matmul %dot_general3A_1452, %dot_general3A_1454, %dot_general3A_1648 {dimension_numbers = #tpu.dot_dimension_numbers<[1], [0], [0], [1], [0, 0, 1, 1], [], []>, transpose_lhs_hint = false} : vector<64x64xf32>, vector<64x64xf32>, vector<64x64xf32> -> vector<64x64xf32>
    %reduce_max3A_1650 = vector.shape_cast %dot_general3A_1649 : vector<64x64xf32> to vector<1x64x64xf32>
    %reduce_max3A_1651 = arith.constant dense<0xFF800000> : vector<1xf32>
    %reduce_max3A_1652 = vector.multi_reduction <maximumf>, %reduce_max3A_1650, %reduce_max3A_1651 [1, 2] : vector<1x64x64xf32> to vector<1xf32>
    %reduce_max3A_1653 = vector.shape_cast %reduce_max3A_1652 : vector<1xf32> to vector<1x1x1xf32>
    %reduce_max3A_1654 = vector.extract %reduce_max3A_1653[0, 0, 0] : f32 from vector<1x1x1xf32>
    %broadcast_in_dim3A_1655 = vector.broadcast %reduce_max3A_1654 : f32 to vector<1x1xf32>
    %log3A_1656 = math.log %broadcast_in_dim3A_1655 : vector<1x1xf32>
    %div3A_1657 = arith.constant 1.000000e+00 : f32
    %div3A_1658 = vector.broadcast %div3A_1657 : f32 to vector<1x1xf32>
    %div3A_1659 = arith.divf %div3A_1658, %broadcast_in_dim3A_1655 : vector<1x1xf32>
    %mul3A_1660 = vector.broadcast %div3A_1659 : vector<1x1xf32> to vector<64x64xf32>
    %mul3A_1661 = arith.mulf %dot_general3A_1649, %mul3A_1660 : vector<64x64xf32>
    %dot_general3A_1662 = arith.constant dense<0.000000e+00> : vector<64x64xf32>
    %dot_general3A_1663 = tpu.matmul %dot_general3A_1456, %dot_general3A_1458, %dot_general3A_1662 {dimension_numbers = #tpu.dot_dimension_numbers<[1], [0], [0], [1], [0, 0, 1, 1], [], []>, transpose_lhs_hint = false} : vector<64x64xf32>, vector<64x64xf32>, vector<64x64xf32> -> vector<64x64xf32>
    %reduce_max3A_1664 = vector.shape_cast %dot_general3A_1663 : vector<64x64xf32> to vector<1x64x64xf32>
    %reduce_max3A_1665 = arith.constant dense<0xFF800000> : vector<1xf32>
    %reduce_max3A_1666 = vector.multi_reduction <maximumf>, %reduce_max3A_1664, %reduce_max3A_1665 [1, 2] : vector<1x64x64xf32> to vector<1xf32>
    %reduce_max3A_1667 = vector.shape_cast %reduce_max3A_1666 : vector<1xf32> to vector<1x1x1xf32>
    %reduce_max3A_1668 = vector.extract %reduce_max3A_1667[0, 0, 0] : f32 from vector<1x1x1xf32>
    %broadcast_in_dim3A_1669 = vector.broadcast %reduce_max3A_1668 : f32 to vector<1x1xf32>
    %log3A_1670 = math.log %broadcast_in_dim3A_1669 : vector<1x1xf32>
    %div3A_1671 = arith.constant 1.000000e+00 : f32
    %div3A_1672 = vector.broadcast %div3A_1671 : f32 to vector<1x1xf32>
    %div3A_1673 = arith.divf %div3A_1672, %broadcast_in_dim3A_1669 : vector<1x1xf32>
    %mul3A_1674 = vector.broadcast %div3A_1673 : vector<1x1xf32> to vector<64x64xf32>
    %mul3A_1675 = arith.mulf %dot_general3A_1663, %mul3A_1674 : vector<64x64xf32>
    %dot_general3A_1676 = arith.constant dense<0.000000e+00> : vector<64x64xf32>
    %dot_general3A_1677 = tpu.matmul %dot_general3A_1460, %dot_general3A_1462, %dot_general3A_1676 {dimension_numbers = #tpu.dot_dimension_numbers<[1], [0], [0], [1], [0, 0, 1, 1], [], []>, transpose_lhs_hint = false} : vector<64x64xf32>, vector<64x64xf32>, vector<64x64xf32> -> vector<64x64xf32>
    %reduce_max3A_1678 = vector.shape_cast %dot_general3A_1677 : vector<64x64xf32> to vector<1x64x64xf32>
    %reduce_max3A_1679 = arith.constant dense<0xFF800000> : vector<1xf32>
    %reduce_max3A_1680 = vector.multi_reduction <maximumf>, %reduce_max3A_1678, %reduce_max3A_1679 [1, 2] : vector<1x64x64xf32> to vector<1xf32>
    %reduce_max3A_1681 = vector.shape_cast %reduce_max3A_1680 : vector<1xf32> to vector<1x1x1xf32>
    %reduce_max3A_1682 = vector.extract %reduce_max3A_1681[0, 0, 0] : f32 from vector<1x1x1xf32>
    %broadcast_in_dim3A_1683 = vector.broadcast %reduce_max3A_1682 : f32 to vector<1x1xf32>
    %log3A_1684 = math.log %broadcast_in_dim3A_1683 : vector<1x1xf32>
    %div3A_1685 = arith.constant 1.000000e+00 : f32
    %div3A_1686 = vector.broadcast %div3A_1685 : f32 to vector<1x1xf32>
    %div3A_1687 = arith.divf %div3A_1686, %broadcast_in_dim3A_1683 : vector<1x1xf32>
    %mul3A_1688 = vector.broadcast %div3A_1687 : vector<1x1xf32> to vector<64x64xf32>
    %mul3A_1689 = arith.mulf %dot_general3A_1677, %mul3A_1688 : vector<64x64xf32>
    %dot_general3A_1690 = arith.constant dense<0.000000e+00> : vector<64x64xf32>
    %dot_general3A_1691 = tpu.matmul %dot_general3A_1464, %dot_general3A_1466, %dot_general3A_1690 {dimension_numbers = #tpu.dot_dimension_numbers<[1], [0], [0], [1], [0, 0, 1, 1], [], []>, transpose_lhs_hint = false} : vector<64x64xf32>, vector<64x64xf32>, vector<64x64xf32> -> vector<64x64xf32>
    %reduce_max3A_1692 = vector.shape_cast %dot_general3A_1691 : vector<64x64xf32> to vector<1x64x64xf32>
    %reduce_max3A_1693 = arith.constant dense<0xFF800000> : vector<1xf32>
    %reduce_max3A_1694 = vector.multi_reduction <maximumf>, %reduce_max3A_1692, %reduce_max3A_1693 [1, 2] : vector<1x64x64xf32> to vector<1xf32>
    %reduce_max3A_1695 = vector.shape_cast %reduce_max3A_1694 : vector<1xf32> to vector<1x1x1xf32>
    %reduce_max3A_1696 = vector.extract %reduce_max3A_1695[0, 0, 0] : f32 from vector<1x1x1xf32>
    %broadcast_in_dim3A_1697 = vector.broadcast %reduce_max3A_1696 : f32 to vector<1x1xf32>
    %log3A_1698 = math.log %broadcast_in_dim3A_1697 : vector<1x1xf32>
    %div3A_1699 = arith.constant 1.000000e+00 : f32
    %div3A_1700 = vector.broadcast %div3A_1699 : f32 to vector<1x1xf32>
    %div3A_1701 = arith.divf %div3A_1700, %broadcast_in_dim3A_1697 : vector<1x1xf32>
    %mul3A_1702 = vector.broadcast %div3A_1701 : vector<1x1xf32> to vector<64x64xf32>
    %mul3A_1703 = arith.mulf %dot_general3A_1691, %mul3A_1702 : vector<64x64xf32>
    %dot_general3A_1704 = arith.constant dense<0.000000e+00> : vector<64x64xf32>
    %dot_general3A_1705 = tpu.matmul %dot_general3A_1468, %dot_general3A_1470, %dot_general3A_1704 {dimension_numbers = #tpu.dot_dimension_numbers<[1], [0], [0], [1], [0, 0, 1, 1], [], []>, transpose_lhs_hint = false} : vector<64x64xf32>, vector<64x64xf32>, vector<64x64xf32> -> vector<64x64xf32>
    %reduce_max3A_1706 = vector.shape_cast %dot_general3A_1705 : vector<64x64xf32> to vector<1x64x64xf32>
    %reduce_max3A_1707 = arith.constant dense<0xFF800000> : vector<1xf32>
    %reduce_max3A_1708 = vector.multi_reduction <maximumf>, %reduce_max3A_1706, %reduce_max3A_1707 [1, 2] : vector<1x64x64xf32> to vector<1xf32>
    %reduce_max3A_1709 = vector.shape_cast %reduce_max3A_1708 : vector<1xf32> to vector<1x1x1xf32>
    %reduce_max3A_1710 = vector.extract %reduce_max3A_1709[0, 0, 0] : f32 from vector<1x1x1xf32>
    %broadcast_in_dim3A_1711 = vector.broadcast %reduce_max3A_1710 : f32 to vector<1x1xf32>
    %log3A_1712 = math.log %broadcast_in_dim3A_1711 : vector<1x1xf32>
    %div3A_1713 = arith.constant 1.000000e+00 : f32
    %div3A_1714 = vector.broadcast %div3A_1713 : f32 to vector<1x1xf32>
    %div3A_1715 = arith.divf %div3A_1714, %broadcast_in_dim3A_1711 : vector<1x1xf32>
    %mul3A_1716 = vector.broadcast %div3A_1715 : vector<1x1xf32> to vector<64x64xf32>
    %mul3A_1717 = arith.mulf %dot_general3A_1705, %mul3A_1716 : vector<64x64xf32>
    %dot_general3A_1718 = arith.constant dense<0.000000e+00> : vector<64x64xf32>
    %dot_general3A_1719 = tpu.matmul %dot_general3A_1472, %dot_general3A_1474, %dot_general3A_1718 {dimension_numbers = #tpu.dot_dimension_numbers<[1], [0], [0], [1], [0, 0, 1, 1], [], []>, transpose_lhs_hint = false} : vector<64x64xf32>, vector<64x64xf32>, vector<64x64xf32> -> vector<64x64xf32>
    %reduce_max3A_1720 = vector.shape_cast %dot_general3A_1719 : vector<64x64xf32> to vector<1x64x64xf32>
    %reduce_max3A_1721 = arith.constant dense<0xFF800000> : vector<1xf32>
    %reduce_max3A_1722 = vector.multi_reduction <maximumf>, %reduce_max3A_1720, %reduce_max3A_1721 [1, 2] : vector<1x64x64xf32> to vector<1xf32>
    %reduce_max3A_1723 = vector.shape_cast %reduce_max3A_1722 : vector<1xf32> to vector<1x1x1xf32>
    %reduce_max3A_1724 = vector.extract %reduce_max3A_1723[0, 0, 0] : f32 from vector<1x1x1xf32>
    %broadcast_in_dim3A_1725 = vector.broadcast %reduce_max3A_1724 : f32 to vector<1x1xf32>
    %log3A_1726 = math.log %broadcast_in_dim3A_1725 : vector<1x1xf32>
    %div3A_1727 = arith.constant 1.000000e+00 : f32
    %div3A_1728 = vector.broadcast %div3A_1727 : f32 to vector<1x1xf32>
    %div3A_1729 = arith.divf %div3A_1728, %broadcast_in_dim3A_1725 : vector<1x1xf32>
    %mul3A_1730 = vector.broadcast %div3A_1729 : vector<1x1xf32> to vector<64x64xf32>
    %mul3A_1731 = arith.mulf %dot_general3A_1719, %mul3A_1730 : vector<64x64xf32>
    %dot_general3A_1732 = arith.constant dense<0.000000e+00> : vector<64x64xf32>
    %dot_general3A_1733 = tpu.matmul %dot_general3A_1476, %dot_general3A_1478, %dot_general3A_1732 {dimension_numbers = #tpu.dot_dimension_numbers<[1], [0], [0], [1], [0, 0, 1, 1], [], []>, transpose_lhs_hint = false} : vector<64x64xf32>, vector<64x64xf32>, vector<64x64xf32> -> vector<64x64xf32>
    %reduce_max3A_1734 = vector.shape_cast %dot_general3A_1733 : vector<64x64xf32> to vector<1x64x64xf32>
    %reduce_max3A_1735 = arith.constant dense<0xFF800000> : vector<1xf32>
    %reduce_max3A_1736 = vector.multi_reduction <maximumf>, %reduce_max3A_1734, %reduce_max3A_1735 [1, 2] : vector<1x64x64xf32> to vector<1xf32>
    %reduce_max3A_1737 = vector.shape_cast %reduce_max3A_1736 : vector<1xf32> to vector<1x1x1xf32>
    %reduce_max3A_1738 = vector.extract %reduce_max3A_1737[0, 0, 0] : f32 from vector<1x1x1xf32>
    %broadcast_in_dim3A_1739 = vector.broadcast %reduce_max3A_1738 : f32 to vector<1x1xf32>
    %log3A_1740 = math.log %broadcast_in_dim3A_1739 : vector<1x1xf32>
    %div3A_1741 = arith.constant 1.000000e+00 : f32
    %div3A_1742 = vector.broadcast %div3A_1741 : f32 to vector<1x1xf32>
    %div3A_1743 = arith.divf %div3A_1742, %broadcast_in_dim3A_1739 : vector<1x1xf32>
    %mul3A_1744 = vector.broadcast %div3A_1743 : vector<1x1xf32> to vector<64x64xf32>
    %mul3A_1745 = arith.mulf %dot_general3A_1733, %mul3A_1744 : vector<64x64xf32>
    %dot_general3A_1746 = arith.constant dense<0.000000e+00> : vector<64x64xf32>
    %dot_general3A_1747 = tpu.matmul %dot_general3A_1480, %dot_general3A_1482, %dot_general3A_1746 {dimension_numbers = #tpu.dot_dimension_numbers<[1], [0], [0], [1], [0, 0, 1, 1], [], []>, transpose_lhs_hint = false} : vector<64x64xf32>, vector<64x64xf32>, vector<64x64xf32> -> vector<64x64xf32>
    %reduce_max3A_1748 = vector.shape_cast %dot_general3A_1747 : vector<64x64xf32> to vector<1x64x64xf32>
    %reduce_max3A_1749 = arith.constant dense<0xFF800000> : vector<1xf32>
    %reduce_max3A_1750 = vector.multi_reduction <maximumf>, %reduce_max3A_1748, %reduce_max3A_1749 [1, 2] : vector<1x64x64xf32> to vector<1xf32>
    %reduce_max3A_1751 = vector.shape_cast %reduce_max3A_1750 : vector<1xf32> to vector<1x1x1xf32>
    %reduce_max3A_1752 = vector.extract %reduce_max3A_1751[0, 0, 0] : f32 from vector<1x1x1xf32>
    %broadcast_in_dim3A_1753 = vector.broadcast %reduce_max3A_1752 : f32 to vector<1x1xf32>
    %log3A_1754 = math.log %broadcast_in_dim3A_1753 : vector<1x1xf32>
    %div3A_1755 = arith.constant 1.000000e+00 : f32
    %div3A_1756 = vector.broadcast %div3A_1755 : f32 to vector<1x1xf32>
    %div3A_1757 = arith.divf %div3A_1756, %broadcast_in_dim3A_1753 : vector<1x1xf32>
    %mul3A_1758 = vector.broadcast %div3A_1757 : vector<1x1xf32> to vector<64x64xf32>
    %mul3A_1759 = arith.mulf %dot_general3A_1747, %mul3A_1758 : vector<64x64xf32>
    %dot_general3A_1760 = arith.constant dense<0.000000e+00> : vector<64x64xf32>
    %dot_general3A_1761 = tpu.matmul %dot_general3A_1484, %dot_general3A_1486, %dot_general3A_1760 {dimension_numbers = #tpu.dot_dimension_numbers<[1], [0], [0], [1], [0, 0, 1, 1], [], []>, transpose_lhs_hint = false} : vector<64x64xf32>, vector<64x64xf32>, vector<64x64xf32> -> vector<64x64xf32>
    %reduce_max3A_1762 = vector.shape_cast %dot_general3A_1761 : vector<64x64xf32> to vector<1x64x64xf32>
    %reduce_max3A_1763 = arith.constant dense<0xFF800000> : vector<1xf32>
    %reduce_max3A_1764 = vector.multi_reduction <maximumf>, %reduce_max3A_1762, %reduce_max3A_1763 [1, 2] : vector<1x64x64xf32> to vector<1xf32>
    %reduce_max3A_1765 = vector.shape_cast %reduce_max3A_1764 : vector<1xf32> to vector<1x1x1xf32>
    %reduce_max3A_1766 = vector.extract %reduce_max3A_1765[0, 0, 0] : f32 from vector<1x1x1xf32>
    %broadcast_in_dim3A_1767 = vector.broadcast %reduce_max3A_1766 : f32 to vector<1x1xf32>
    %log3A_1768 = math.log %broadcast_in_dim3A_1767 : vector<1x1xf32>
    %div3A_1769 = arith.constant 1.000000e+00 : f32
    %div3A_1770 = vector.broadcast %div3A_1769 : f32 to vector<1x1xf32>
    %div3A_1771 = arith.divf %div3A_1770, %broadcast_in_dim3A_1767 : vector<1x1xf32>
    %mul3A_1772 = vector.broadcast %div3A_1771 : vector<1x1xf32> to vector<64x64xf32>
    %mul3A_1773 = arith.mulf %dot_general3A_1761, %mul3A_1772 : vector<64x64xf32>
    %dot_general3A_1774 = arith.constant dense<0.000000e+00> : vector<64x64xf32>
    %dot_general3A_1775 = tpu.matmul %dot_general3A_1488, %dot_general3A_1490, %dot_general3A_1774 {dimension_numbers = #tpu.dot_dimension_numbers<[1], [0], [0], [1], [0, 0, 1, 1], [], []>, transpose_lhs_hint = false} : vector<64x64xf32>, vector<64x64xf32>, vector<64x64xf32> -> vector<64x64xf32>
    %reduce_max3A_1776 = vector.shape_cast %dot_general3A_1775 : vector<64x64xf32> to vector<1x64x64xf32>
    %reduce_max3A_1777 = arith.constant dense<0xFF800000> : vector<1xf32>
    %reduce_max3A_1778 = vector.multi_reduction <maximumf>, %reduce_max3A_1776, %reduce_max3A_1777 [1, 2] : vector<1x64x64xf32> to vector<1xf32>
    %reduce_max3A_1779 = vector.shape_cast %reduce_max3A_1778 : vector<1xf32> to vector<1x1x1xf32>
    %reduce_max3A_1780 = vector.extract %reduce_max3A_1779[0, 0, 0] : f32 from vector<1x1x1xf32>
    %broadcast_in_dim3A_1781 = vector.broadcast %reduce_max3A_1780 : f32 to vector<1x1xf32>
    %log3A_1782 = math.log %broadcast_in_dim3A_1781 : vector<1x1xf32>
    %div3A_1783 = arith.constant 1.000000e+00 : f32
    %div3A_1784 = vector.broadcast %div3A_1783 : f32 to vector<1x1xf32>
    %div3A_1785 = arith.divf %div3A_1784, %broadcast_in_dim3A_1781 : vector<1x1xf32>
    %mul3A_1786 = vector.broadcast %div3A_1785 : vector<1x1xf32> to vector<64x64xf32>
    %mul3A_1787 = arith.mulf %dot_general3A_1775, %mul3A_1786 : vector<64x64xf32>
    %dot_general3A_1788 = arith.constant dense<0.000000e+00> : vector<64x64xf32>
    %dot_general3A_1789 = tpu.matmul %dot_general3A_1492, %dot_general3A_1494, %dot_general3A_1788 {dimension_numbers = #tpu.dot_dimension_numbers<[1], [0], [0], [1], [0, 0, 1, 1], [], []>, transpose_lhs_hint = false} : vector<64x64xf32>, vector<64x64xf32>, vector<64x64xf32> -> vector<64x64xf32>
    %reduce_max3A_1790 = vector.shape_cast %dot_general3A_1789 : vector<64x64xf32> to vector<1x64x64xf32>
    %reduce_max3A_1791 = arith.constant dense<0xFF800000> : vector<1xf32>
    %reduce_max3A_1792 = vector.multi_reduction <maximumf>, %reduce_max3A_1790, %reduce_max3A_1791 [1, 2] : vector<1x64x64xf32> to vector<1xf32>
    %reduce_max3A_1793 = vector.shape_cast %reduce_max3A_1792 : vector<1xf32> to vector<1x1x1xf32>
    %reduce_max3A_1794 = vector.extract %reduce_max3A_1793[0, 0, 0] : f32 from vector<1x1x1xf32>
    %broadcast_in_dim3A_1795 = vector.broadcast %reduce_max3A_1794 : f32 to vector<1x1xf32>
    %log3A_1796 = math.log %broadcast_in_dim3A_1795 : vector<1x1xf32>
    %div3A_1797 = arith.constant 1.000000e+00 : f32
    %div3A_1798 = vector.broadcast %div3A_1797 : f32 to vector<1x1xf32>
    %div3A_1799 = arith.divf %div3A_1798, %broadcast_in_dim3A_1795 : vector<1x1xf32>
    %mul3A_1800 = vector.broadcast %div3A_1799 : vector<1x1xf32> to vector<64x64xf32>
    %mul3A_1801 = arith.mulf %dot_general3A_1789, %mul3A_1800 : vector<64x64xf32>
    %dot_general3A_1802 = arith.constant dense<0.000000e+00> : vector<64x64xf32>
    %dot_general3A_1803 = tpu.matmul %dot_general3A_1496, %dot_general3A_1498, %dot_general3A_1802 {dimension_numbers = #tpu.dot_dimension_numbers<[1], [0], [0], [1], [0, 0, 1, 1], [], []>, transpose_lhs_hint = false} : vector<64x64xf32>, vector<64x64xf32>, vector<64x64xf32> -> vector<64x64xf32>
    %reduce_max3A_1804 = vector.shape_cast %dot_general3A_1803 : vector<64x64xf32> to vector<1x64x64xf32>
    %reduce_max3A_1805 = arith.constant dense<0xFF800000> : vector<1xf32>
    %reduce_max3A_1806 = vector.multi_reduction <maximumf>, %reduce_max3A_1804, %reduce_max3A_1805 [1, 2] : vector<1x64x64xf32> to vector<1xf32>
    %reduce_max3A_1807 = vector.shape_cast %reduce_max3A_1806 : vector<1xf32> to vector<1x1x1xf32>
    %reduce_max3A_1808 = vector.extract %reduce_max3A_1807[0, 0, 0] : f32 from vector<1x1x1xf32>
    %broadcast_in_dim3A_1809 = vector.broadcast %reduce_max3A_1808 : f32 to vector<1x1xf32>
    %log3A_1810 = math.log %broadcast_in_dim3A_1809 : vector<1x1xf32>
    %div3A_1811 = arith.constant 1.000000e+00 : f32
    %div3A_1812 = vector.broadcast %div3A_1811 : f32 to vector<1x1xf32>
    %div3A_1813 = arith.divf %div3A_1812, %broadcast_in_dim3A_1809 : vector<1x1xf32>
    %mul3A_1814 = vector.broadcast %div3A_1813 : vector<1x1xf32> to vector<64x64xf32>
    %mul3A_1815 = arith.mulf %dot_general3A_1803, %mul3A_1814 : vector<64x64xf32>
    %dot_general3A_1816 = arith.constant dense<0.000000e+00> : vector<64x64xf32>
    %dot_general3A_1817 = tpu.matmul %dot_general3A_1500, %dot_general3A_1502, %dot_general3A_1816 {dimension_numbers = #tpu.dot_dimension_numbers<[1], [0], [0], [1], [0, 0, 1, 1], [], []>, transpose_lhs_hint = false} : vector<64x64xf32>, vector<64x64xf32>, vector<64x64xf32> -> vector<64x64xf32>
    %reduce_max3A_1818 = vector.shape_cast %dot_general3A_1817 : vector<64x64xf32> to vector<1x64x64xf32>
    %reduce_max3A_1819 = arith.constant dense<0xFF800000> : vector<1xf32>
    %reduce_max3A_1820 = vector.multi_reduction <maximumf>, %reduce_max3A_1818, %reduce_max3A_1819 [1, 2] : vector<1x64x64xf32> to vector<1xf32>
    %reduce_max3A_1821 = vector.shape_cast %reduce_max3A_1820 : vector<1xf32> to vector<1x1x1xf32>
    %reduce_max3A_1822 = vector.extract %reduce_max3A_1821[0, 0, 0] : f32 from vector<1x1x1xf32>
    %broadcast_in_dim3A_1823 = vector.broadcast %reduce_max3A_1822 : f32 to vector<1x1xf32>
    %log3A_1824 = math.log %broadcast_in_dim3A_1823 : vector<1x1xf32>
    %div3A_1825 = arith.constant 1.000000e+00 : f32
    %div3A_1826 = vector.broadcast %div3A_1825 : f32 to vector<1x1xf32>
    %div3A_1827 = arith.divf %div3A_1826, %broadcast_in_dim3A_1823 : vector<1x1xf32>
    %mul3A_1828 = vector.broadcast %div3A_1827 : vector<1x1xf32> to vector<64x64xf32>
    %mul3A_1829 = arith.mulf %dot_general3A_1817, %mul3A_1828 : vector<64x64xf32>
    %dot_general3A_1830 = arith.constant dense<0.000000e+00> : vector<64x64xf32>
    %dot_general3A_1831 = tpu.matmul %dot_general3A_1504, %dot_general3A_1506, %dot_general3A_1830 {dimension_numbers = #tpu.dot_dimension_numbers<[1], [0], [0], [1], [0, 0, 1, 1], [], []>, transpose_lhs_hint = false} : vector<64x64xf32>, vector<64x64xf32>, vector<64x64xf32> -> vector<64x64xf32>
    %reduce_max3A_1832 = vector.shape_cast %dot_general3A_1831 : vector<64x64xf32> to vector<1x64x64xf32>
    %reduce_max3A_1833 = arith.constant dense<0xFF800000> : vector<1xf32>
    %reduce_max3A_1834 = vector.multi_reduction <maximumf>, %reduce_max3A_1832, %reduce_max3A_1833 [1, 2] : vector<1x64x64xf32> to vector<1xf32>
    %reduce_max3A_1835 = vector.shape_cast %reduce_max3A_1834 : vector<1xf32> to vector<1x1x1xf32>
    %reduce_max3A_1836 = vector.extract %reduce_max3A_1835[0, 0, 0] : f32 from vector<1x1x1xf32>
    %broadcast_in_dim3A_1837 = vector.broadcast %reduce_max3A_1836 : f32 to vector<1x1xf32>
    %log3A_1838 = math.log %broadcast_in_dim3A_1837 : vector<1x1xf32>
    %div3A_1839 = arith.constant 1.000000e+00 : f32
    %div3A_1840 = vector.broadcast %div3A_1839 : f32 to vector<1x1xf32>
    %div3A_1841 = arith.divf %div3A_1840, %broadcast_in_dim3A_1837 : vector<1x1xf32>
    %mul3A_1842 = vector.broadcast %div3A_1841 : vector<1x1xf32> to vector<64x64xf32>
    %mul3A_1843 = arith.mulf %dot_general3A_1831, %mul3A_1842 : vector<64x64xf32>
    %dot_general3A_1844 = arith.constant dense<0.000000e+00> : vector<64x64xf32>
    %dot_general3A_1845 = tpu.matmul %dot_general3A_1508, %dot_general3A_1510, %dot_general3A_1844 {dimension_numbers = #tpu.dot_dimension_numbers<[1], [0], [0], [1], [0, 0, 1, 1], [], []>, transpose_lhs_hint = false} : vector<64x64xf32>, vector<64x64xf32>, vector<64x64xf32> -> vector<64x64xf32>
    %reduce_max3A_1846 = vector.shape_cast %dot_general3A_1845 : vector<64x64xf32> to vector<1x64x64xf32>
    %reduce_max3A_1847 = arith.constant dense<0xFF800000> : vector<1xf32>
    %reduce_max3A_1848 = vector.multi_reduction <maximumf>, %reduce_max3A_1846, %reduce_max3A_1847 [1, 2] : vector<1x64x64xf32> to vector<1xf32>
    %reduce_max3A_1849 = vector.shape_cast %reduce_max3A_1848 : vector<1xf32> to vector<1x1x1xf32>
    %reduce_max3A_1850 = vector.extract %reduce_max3A_1849[0, 0, 0] : f32 from vector<1x1x1xf32>
    %broadcast_in_dim3A_1851 = vector.broadcast %reduce_max3A_1850 : f32 to vector<1x1xf32>
    %log3A_1852 = math.log %broadcast_in_dim3A_1851 : vector<1x1xf32>
    %div3A_1853 = arith.constant 1.000000e+00 : f32
    %div3A_1854 = vector.broadcast %div3A_1853 : f32 to vector<1x1xf32>
    %div3A_1855 = arith.divf %div3A_1854, %broadcast_in_dim3A_1851 : vector<1x1xf32>
    %mul3A_1856 = vector.broadcast %div3A_1855 : vector<1x1xf32> to vector<64x64xf32>
    %mul3A_1857 = arith.mulf %dot_general3A_1845, %mul3A_1856 : vector<64x64xf32>
    %dot_general3A_1858 = arith.constant dense<0.000000e+00> : vector<64x64xf32>
    %dot_general3A_1859 = tpu.matmul %mul3A_1521, %mul3A_1535, %dot_general3A_1858 {dimension_numbers = #tpu.dot_dimension_numbers<[1], [0], [0], [1], [0, 0, 1, 1], [], []>, transpose_lhs_hint = false} : vector<64x64xf32>, vector<64x64xf32>, vector<64x64xf32> -> vector<64x64xf32>
    %dot_general3A_1860 = arith.constant dense<0.000000e+00> : vector<64x64xf32>
    %dot_general3A_1861 = tpu.matmul %mul3A_1549, %mul3A_1563, %dot_general3A_1860 {dimension_numbers = #tpu.dot_dimension_numbers<[1], [0], [0], [1], [0, 0, 1, 1], [], []>, transpose_lhs_hint = false} : vector<64x64xf32>, vector<64x64xf32>, vector<64x64xf32> -> vector<64x64xf32>
    %dot_general3A_1862 = arith.constant dense<0.000000e+00> : vector<64x64xf32>
    %dot_general3A_1863 = tpu.matmul %mul3A_1577, %mul3A_1591, %dot_general3A_1862 {dimension_numbers = #tpu.dot_dimension_numbers<[1], [0], [0], [1], [0, 0, 1, 1], [], []>, transpose_lhs_hint = false} : vector<64x64xf32>, vector<64x64xf32>, vector<64x64xf32> -> vector<64x64xf32>
    %dot_general3A_1864 = arith.constant dense<0.000000e+00> : vector<64x64xf32>
    %dot_general3A_1865 = tpu.matmul %mul3A_1605, %mul3A_1619, %dot_general3A_1864 {dimension_numbers = #tpu.dot_dimension_numbers<[1], [0], [0], [1], [0, 0, 1, 1], [], []>, transpose_lhs_hint = false} : vector<64x64xf32>, vector<64x64xf32>, vector<64x64xf32> -> vector<64x64xf32>
    %dot_general3A_1866 = arith.constant dense<0.000000e+00> : vector<64x64xf32>
    %dot_general3A_1867 = tpu.matmul %mul3A_1633, %mul3A_1647, %dot_general3A_1866 {dimension_numbers = #tpu.dot_dimension_numbers<[1], [0], [0], [1], [0, 0, 1, 1], [], []>, transpose_lhs_hint = false} : vector<64x64xf32>, vector<64x64xf32>, vector<64x64xf32> -> vector<64x64xf32>
    %dot_general3A_1868 = arith.constant dense<0.000000e+00> : vector<64x64xf32>
    %dot_general3A_1869 = tpu.matmul %mul3A_1661, %mul3A_1675, %dot_general3A_1868 {dimension_numbers = #tpu.dot_dimension_numbers<[1], [0], [0], [1], [0, 0, 1, 1], [], []>, transpose_lhs_hint = false} : vector<64x64xf32>, vector<64x64xf32>, vector<64x64xf32> -> vector<64x64xf32>
    %dot_general3A_1870 = arith.constant dense<0.000000e+00> : vector<64x64xf32>
    %dot_general3A_1871 = tpu.matmul %mul3A_1689, %mul3A_1703, %dot_general3A_1870 {dimension_numbers = #tpu.dot_dimension_numbers<[1], [0], [0], [1], [0, 0, 1, 1], [], []>, transpose_lhs_hint = false} : vector<64x64xf32>, vector<64x64xf32>, vector<64x64xf32> -> vector<64x64xf32>
    %dot_general3A_1872 = arith.constant dense<0.000000e+00> : vector<64x64xf32>
    %dot_general3A_1873 = tpu.matmul %mul3A_1717, %mul3A_1731, %dot_general3A_1872 {dimension_numbers = #tpu.dot_dimension_numbers<[1], [0], [0], [1], [0, 0, 1, 1], [], []>, transpose_lhs_hint = false} : vector<64x64xf32>, vector<64x64xf32>, vector<64x64xf32> -> vector<64x64xf32>
    %dot_general3A_1874 = arith.constant dense<0.000000e+00> : vector<64x64xf32>
    %dot_general3A_1875 = tpu.matmul %mul3A_1745, %mul3A_1759, %dot_general3A_1874 {dimension_numbers = #tpu.dot_dimension_numbers<[1], [0], [0], [1], [0, 0, 1, 1], [], []>, transpose_lhs_hint = false} : vector<64x64xf32>, vector<64x64xf32>, vector<64x64xf32> -> vector<64x64xf32>
    %dot_general3A_1876 = arith.constant dense<0.000000e+00> : vector<64x64xf32>
    %dot_general3A_1877 = tpu.matmul %mul3A_1773, %mul3A_1787, %dot_general3A_1876 {dimension_numbers = #tpu.dot_dimension_numbers<[1], [0], [0], [1], [0, 0, 1, 1], [], []>, transpose_lhs_hint = false} : vector<64x64xf32>, vector<64x64xf32>, vector<64x64xf32> -> vector<64x64xf32>
    %dot_general3A_1878 = arith.constant dense<0.000000e+00> : vector<64x64xf32>
    %dot_general3A_1879 = tpu.matmul %mul3A_1801, %mul3A_1815, %dot_general3A_1878 {dimension_numbers = #tpu.dot_dimension_numbers<[1], [0], [0], [1], [0, 0, 1, 1], [], []>, transpose_lhs_hint = false} : vector<64x64xf32>, vector<64x64xf32>, vector<64x64xf32> -> vector<64x64xf32>
    %dot_general3A_1880 = arith.constant dense<0.000000e+00> : vector<64x64xf32>
    %dot_general3A_1881 = tpu.matmul %mul3A_1829, %mul3A_1843, %dot_general3A_1880 {dimension_numbers = #tpu.dot_dimension_numbers<[1], [0], [0], [1], [0, 0, 1, 1], [], []>, transpose_lhs_hint = false} : vector<64x64xf32>, vector<64x64xf32>, vector<64x64xf32> -> vector<64x64xf32>
    %dot_general3A_1882 = arith.constant dense<0.000000e+00> : vector<64x64xf32>
    %dot_general3A_1883 = tpu.matmul %dot_general3A_1859, %dot_general3A_1861, %dot_general3A_1882 {dimension_numbers = #tpu.dot_dimension_numbers<[1], [0], [0], [1], [0, 0, 1, 1], [], []>, transpose_lhs_hint = false} : vector<64x64xf32>, vector<64x64xf32>, vector<64x64xf32> -> vector<64x64xf32>
    %dot_general3A_1884 = arith.constant dense<0.000000e+00> : vector<64x64xf32>
    %dot_general3A_1885 = tpu.matmul %dot_general3A_1863, %dot_general3A_1865, %dot_general3A_1884 {dimension_numbers = #tpu.dot_dimension_numbers<[1], [0], [0], [1], [0, 0, 1, 1], [], []>, transpose_lhs_hint = false} : vector<64x64xf32>, vector<64x64xf32>, vector<64x64xf32> -> vector<64x64xf32>
    %dot_general3A_1886 = arith.constant dense<0.000000e+00> : vector<64x64xf32>
    %dot_general3A_1887 = tpu.matmul %dot_general3A_1867, %dot_general3A_1869, %dot_general3A_1886 {dimension_numbers = #tpu.dot_dimension_numbers<[1], [0], [0], [1], [0, 0, 1, 1], [], []>, transpose_lhs_hint = false} : vector<64x64xf32>, vector<64x64xf32>, vector<64x64xf32> -> vector<64x64xf32>
    %dot_general3A_1888 = arith.constant dense<0.000000e+00> : vector<64x64xf32>
    %dot_general3A_1889 = tpu.matmul %dot_general3A_1871, %dot_general3A_1873, %dot_general3A_1888 {dimension_numbers = #tpu.dot_dimension_numbers<[1], [0], [0], [1], [0, 0, 1, 1], [], []>, transpose_lhs_hint = false} : vector<64x64xf32>, vector<64x64xf32>, vector<64x64xf32> -> vector<64x64xf32>
    %dot_general3A_1890 = arith.constant dense<0.000000e+00> : vector<64x64xf32>
    %dot_general3A_1891 = tpu.matmul %dot_general3A_1875, %dot_general3A_1877, %dot_general3A_1890 {dimension_numbers = #tpu.dot_dimension_numbers<[1], [0], [0], [1], [0, 0, 1, 1], [], []>, transpose_lhs_hint = false} : vector<64x64xf32>, vector<64x64xf32>, vector<64x64xf32> -> vector<64x64xf32>
    %dot_general3A_1892 = arith.constant dense<0.000000e+00> : vector<64x64xf32>
    %dot_general3A_1893 = tpu.matmul %dot_general3A_1879, %dot_general3A_1881, %dot_general3A_1892 {dimension_numbers = #tpu.dot_dimension_numbers<[1], [0], [0], [1], [0, 0, 1, 1], [], []>, transpose_lhs_hint = false} : vector<64x64xf32>, vector<64x64xf32>, vector<64x64xf32> -> vector<64x64xf32>
    %dot_general3A_1894 = arith.constant dense<0.000000e+00> : vector<64x64xf32>
    %dot_general3A_1895 = tpu.matmul %dot_general3A_1883, %dot_general3A_1885, %dot_general3A_1894 {dimension_numbers = #tpu.dot_dimension_numbers<[1], [0], [0], [1], [0, 0, 1, 1], [], []>, transpose_lhs_hint = false} : vector<64x64xf32>, vector<64x64xf32>, vector<64x64xf32> -> vector<64x64xf32>
    %reduce_max3A_1896 = vector.shape_cast %dot_general3A_1895 : vector<64x64xf32> to vector<1x64x64xf32>
    %reduce_max3A_1897 = arith.constant dense<0xFF800000> : vector<1xf32>
    %reduce_max3A_1898 = vector.multi_reduction <maximumf>, %reduce_max3A_1896, %reduce_max3A_1897 [1, 2] : vector<1x64x64xf32> to vector<1xf32>
    %reduce_max3A_1899 = vector.shape_cast %reduce_max3A_1898 : vector<1xf32> to vector<1x1x1xf32>
    %reduce_max3A_1900 = vector.extract %reduce_max3A_1899[0, 0, 0] : f32 from vector<1x1x1xf32>
    %broadcast_in_dim3A_1901 = vector.broadcast %reduce_max3A_1900 : f32 to vector<1x1xf32>
    %log3A_1902 = math.log %broadcast_in_dim3A_1901 : vector<1x1xf32>
    %div3A_1903 = arith.constant 1.000000e+00 : f32
    %div3A_1904 = vector.broadcast %div3A_1903 : f32 to vector<1x1xf32>
    %div3A_1905 = arith.divf %div3A_1904, %broadcast_in_dim3A_1901 : vector<1x1xf32>
    %mul3A_1906 = vector.broadcast %div3A_1905 : vector<1x1xf32> to vector<64x64xf32>
    %mul3A_1907 = arith.mulf %dot_general3A_1895, %mul3A_1906 : vector<64x64xf32>
    %dot_general3A_1908 = arith.constant dense<0.000000e+00> : vector<64x64xf32>
    %dot_general3A_1909 = tpu.matmul %dot_general3A_1887, %dot_general3A_1889, %dot_general3A_1908 {dimension_numbers = #tpu.dot_dimension_numbers<[1], [0], [0], [1], [0, 0, 1, 1], [], []>, transpose_lhs_hint = false} : vector<64x64xf32>, vector<64x64xf32>, vector<64x64xf32> -> vector<64x64xf32>
    %reduce_max3A_1910 = vector.shape_cast %dot_general3A_1909 : vector<64x64xf32> to vector<1x64x64xf32>
    %reduce_max3A_1911 = arith.constant dense<0xFF800000> : vector<1xf32>
    %reduce_max3A_1912 = vector.multi_reduction <maximumf>, %reduce_max3A_1910, %reduce_max3A_1911 [1, 2] : vector<1x64x64xf32> to vector<1xf32>
    %reduce_max3A_1913 = vector.shape_cast %reduce_max3A_1912 : vector<1xf32> to vector<1x1x1xf32>
    %reduce_max3A_1914 = vector.extract %reduce_max3A_1913[0, 0, 0] : f32 from vector<1x1x1xf32>
    %broadcast_in_dim3A_1915 = vector.broadcast %reduce_max3A_1914 : f32 to vector<1x1xf32>
    %log3A_1916 = math.log %broadcast_in_dim3A_1915 : vector<1x1xf32>
    %div3A_1917 = arith.constant 1.000000e+00 : f32
    %div3A_1918 = vector.broadcast %div3A_1917 : f32 to vector<1x1xf32>
    %div3A_1919 = arith.divf %div3A_1918, %broadcast_in_dim3A_1915 : vector<1x1xf32>
    %mul3A_1920 = vector.broadcast %div3A_1919 : vector<1x1xf32> to vector<64x64xf32>
    %mul3A_1921 = arith.mulf %dot_general3A_1909, %mul3A_1920 : vector<64x64xf32>
    %dot_general3A_1922 = arith.constant dense<0.000000e+00> : vector<64x64xf32>
    %dot_general3A_1923 = tpu.matmul %dot_general3A_1891, %dot_general3A_1893, %dot_general3A_1922 {dimension_numbers = #tpu.dot_dimension_numbers<[1], [0], [0], [1], [0, 0, 1, 1], [], []>, transpose_lhs_hint = false} : vector<64x64xf32>, vector<64x64xf32>, vector<64x64xf32> -> vector<64x64xf32>
    %reduce_max3A_1924 = vector.shape_cast %dot_general3A_1923 : vector<64x64xf32> to vector<1x64x64xf32>
    %reduce_max3A_1925 = arith.constant dense<0xFF800000> : vector<1xf32>
    %reduce_max3A_1926 = vector.multi_reduction <maximumf>, %reduce_max3A_1924, %reduce_max3A_1925 [1, 2] : vector<1x64x64xf32> to vector<1xf32>
    %reduce_max3A_1927 = vector.shape_cast %reduce_max3A_1926 : vector<1xf32> to vector<1x1x1xf32>
    %reduce_max3A_1928 = vector.extract %reduce_max3A_1927[0, 0, 0] : f32 from vector<1x1x1xf32>
    %broadcast_in_dim3A_1929 = vector.broadcast %reduce_max3A_1928 : f32 to vector<1x1xf32>
    %log3A_1930 = math.log %broadcast_in_dim3A_1929 : vector<1x1xf32>
    %div3A_1931 = arith.constant 1.000000e+00 : f32
    %div3A_1932 = vector.broadcast %div3A_1931 : f32 to vector<1x1xf32>
    %div3A_1933 = arith.divf %div3A_1932, %broadcast_in_dim3A_1929 : vector<1x1xf32>
    %mul3A_1934 = vector.broadcast %div3A_1933 : vector<1x1xf32> to vector<64x64xf32>
    %mul3A_1935 = arith.mulf %dot_general3A_1923, %mul3A_1934 : vector<64x64xf32>
    %reduce_max3A_1936 = vector.shape_cast %mul3A_1857 : vector<64x64xf32> to vector<1x64x64xf32>
    %reduce_max3A_1937 = arith.constant dense<0xFF800000> : vector<1xf32>
    %reduce_max3A_1938 = vector.multi_reduction <maximumf>, %reduce_max3A_1936, %reduce_max3A_1937 [1, 2] : vector<1x64x64xf32> to vector<1xf32>
    %reduce_max3A_1939 = vector.shape_cast %reduce_max3A_1938 : vector<1xf32> to vector<1x1x1xf32>
    %reduce_max3A_1940 = vector.extract %reduce_max3A_1939[0, 0, 0] : f32 from vector<1x1x1xf32>
    %broadcast_in_dim3A_1941 = vector.broadcast %reduce_max3A_1940 : f32 to vector<1x1xf32>
    %log3A_1942 = math.log %broadcast_in_dim3A_1941 : vector<1x1xf32>
    %div3A_1943 = arith.constant 1.000000e+00 : f32
    %div3A_1944 = vector.broadcast %div3A_1943 : f32 to vector<1x1xf32>
    %div3A_1945 = arith.divf %div3A_1944, %broadcast_in_dim3A_1941 : vector<1x1xf32>
    %mul3A_1946 = vector.broadcast %div3A_1945 : vector<1x1xf32> to vector<64x64xf32>
    %mul3A_1947 = arith.mulf %mul3A_1857, %mul3A_1946 : vector<64x64xf32>
    %dot_general3A_1948 = arith.constant dense<0.000000e+00> : vector<64x64xf32>
    %dot_general3A_1949 = tpu.matmul %mul3A_1907, %mul3A_1921, %dot_general3A_1948 {dimension_numbers = #tpu.dot_dimension_numbers<[1], [0], [0], [1], [0, 0, 1, 1], [], []>, transpose_lhs_hint = false} : vector<64x64xf32>, vector<64x64xf32>, vector<64x64xf32> -> vector<64x64xf32>
    %dot_general3A_1950 = arith.constant dense<0.000000e+00> : vector<64x64xf32>
    %dot_general3A_1951 = tpu.matmul %mul3A_1935, %mul3A_1947, %dot_general3A_1950 {dimension_numbers = #tpu.dot_dimension_numbers<[1], [0], [0], [1], [0, 0, 1, 1], [], []>, transpose_lhs_hint = false} : vector<64x64xf32>, vector<64x64xf32>, vector<64x64xf32> -> vector<64x64xf32>
    %dot_general3A_1952 = arith.constant dense<0.000000e+00> : vector<64x64xf32>
    %dot_general3A_1953 = tpu.matmul %dot_general3A_1949, %dot_general3A_1951, %dot_general3A_1952 {dimension_numbers = #tpu.dot_dimension_numbers<[1], [0], [0], [1], [0, 0, 1, 1], [], []>, transpose_lhs_hint = false} : vector<64x64xf32>, vector<64x64xf32>, vector<64x64xf32> -> vector<64x64xf32>
    %dot_general3A_1954 = arith.constant dense<0.000000e+00> : vector<1x64xf32>
    %dot_general3A_1955 = tpu.matmul %exp3A_218, %dot_general3A_1953, %dot_general3A_1954 {dimension_numbers = #tpu.dot_dimension_numbers<[1], [0], [0], [1], [0, 0, 1, 1], [], []>, transpose_lhs_hint = false} : vector<1x64xf32>, vector<64x64xf32>, vector<1x64xf32> -> vector<1x64xf32>
    %add3A_1956 = arith.addf %log3A, %log3A_1530 : vector<1x1xf32>
    %add3A_1957 = arith.addf %add3A_1956, %log3A_1544 : vector<1x1xf32>
    %add3A_1958 = arith.addf %add3A_1957, %log3A_1558 : vector<1x1xf32>
    %add3A_1959 = arith.addf %add3A_1958, %log3A_1572 : vector<1x1xf32>
    %add3A_1960 = arith.addf %add3A_1959, %log3A_1586 : vector<1x1xf32>
    %add3A_1961 = arith.addf %add3A_1960, %log3A_1600 : vector<1x1xf32>
    %add3A_1962 = arith.addf %add3A_1961, %log3A_1614 : vector<1x1xf32>
    %add3A_1963 = arith.addf %add3A_1962, %log3A_1628 : vector<1x1xf32>
    %add3A_1964 = arith.addf %add3A_1963, %log3A_1642 : vector<1x1xf32>
    %add3A_1965 = arith.addf %add3A_1964, %log3A_1656 : vector<1x1xf32>
    %add3A_1966 = arith.addf %add3A_1965, %log3A_1670 : vector<1x1xf32>
    %add3A_1967 = arith.addf %add3A_1966, %log3A_1684 : vector<1x1xf32>
    %add3A_1968 = arith.addf %add3A_1967, %log3A_1698 : vector<1x1xf32>
    %add3A_1969 = arith.addf %add3A_1968, %log3A_1712 : vector<1x1xf32>
    %add3A_1970 = arith.addf %add3A_1969, %log3A_1726 : vector<1x1xf32>
    %add3A_1971 = arith.addf %add3A_1970, %log3A_1740 : vector<1x1xf32>
    %add3A_1972 = arith.addf %add3A_1971, %log3A_1754 : vector<1x1xf32>
    %add3A_1973 = arith.addf %add3A_1972, %log3A_1768 : vector<1x1xf32>
    %add3A_1974 = arith.addf %add3A_1973, %log3A_1782 : vector<1x1xf32>
    %add3A_1975 = arith.addf %add3A_1974, %log3A_1796 : vector<1x1xf32>
    %add3A_1976 = arith.addf %add3A_1975, %log3A_1810 : vector<1x1xf32>
    %add3A_1977 = arith.addf %add3A_1976, %log3A_1824 : vector<1x1xf32>
    %add3A_1978 = arith.addf %add3A_1977, %log3A_1838 : vector<1x1xf32>
    %add3A_1979 = arith.addf %add3A_1978, %log3A_1852 : vector<1x1xf32>
    %add3A_1980 = arith.addf %add3A_1979, %log3A_1902 : vector<1x1xf32>
    %add3A_1981 = arith.addf %add3A_1980, %log3A_1916 : vector<1x1xf32>
    %add3A_1982 = arith.addf %add3A_1981, %log3A_1930 : vector<1x1xf32>
    %add3A_1983 = arith.addf %add3A_1982, %log3A_1942 : vector<1x1xf32>
    %reduce_sum3A_1984 = arith.constant dense<0.000000e+00> : vector<1xf32>
    %reduce_sum3A_1985 = vector.multi_reduction <add>, %dot_general3A_1955, %reduce_sum3A_1984 [1] : vector<1x64xf32> to vector<1xf32>
    %broadcast_in_dim3A_1986 = vector.shape_cast %reduce_sum3A_1985 : vector<1xf32> to vector<1x1xf32>
    %log3A_1987 = math.log %broadcast_in_dim3A_1986 : vector<1x1xf32>
    %add3A_1988 = arith.addf %add3A_1983, %log3A_1987 : vector<1x1xf32>
    %add3A_1989 = vector.broadcast %add3A_121 : f32 to vector<200x1xf32>
    %add3A_1990 = arith.addf %add3A_1989, %broadcast_in_dim3A_169 : vector<200x1xf32>
    %add3A_1991 = arith.addf %add3A_1990, %broadcast_in_dim3A_151 : vector<200x1xf32>
    %logistic3A_1992 = arith.negf %add3A_1991 : vector<200x1xf32>
    %logistic3A_1993 = math.exp %logistic3A_1992 : vector<200x1xf32>
    %logistic3A_1994 = arith.constant 1.000000e+00 : f32
    %logistic3A_1995 = vector.broadcast %logistic3A_1994 : f32 to vector<200x1xf32>
    %logistic3A_1996 = arith.addf %logistic3A_1995, %logistic3A_1993 : vector<200x1xf32>
    %logistic3A_1997 = arith.divf %logistic3A_1995, %logistic3A_1996 : vector<200x1xf32>
    %slice3A_1998 = vector.extract_strided_slice %broadcast_in_dim3A_157 {offsets = [1, 0], sizes = [199, 1], strides = [1, 1]} : vector<200x1xf32> to vector<199x1xf32>
    %add3A_1999 = vector.broadcast %add3A_110 : f32 to vector<199x1xf32>
    %add3A_2000 = arith.addf %add3A_1999, %slice3A_1998 : vector<199x1xf32>
    %slice3A_2001 = vector.extract_strided_slice %broadcast_in_dim3A_163 {offsets = [0, 0], sizes = [199, 1], strides = [1, 1]} : vector<200x1xf32> to vector<199x1xf32>
    %add3A_2002 = arith.addf %add3A_2000, %slice3A_2001 : vector<199x1xf32>
    %logistic3A_2003 = arith.negf %add3A_2002 : vector<199x1xf32>
    %logistic3A_2004 = math.exp %logistic3A_2003 : vector<199x1xf32>
    %logistic3A_2005 = arith.constant 1.000000e+00 : f32
    %logistic3A_2006 = vector.broadcast %logistic3A_2005 : f32 to vector<199x1xf32>
    %logistic3A_2007 = arith.addf %logistic3A_2006, %logistic3A_2004 : vector<199x1xf32>
    %logistic3A_2008 = arith.divf %logistic3A_2006, %logistic3A_2007 : vector<199x1xf32>
    %reduce_sum3A_2009 = arith.constant dense<0.000000e+00> : vector<1xf32>
    %reduce_sum3A_2010 = vector.multi_reduction <add>, %logistic3A_1997, %reduce_sum3A_2009 [0] : vector<200x1xf32> to vector<1xf32>
    %broadcast_in_dim3A_2011 = vector.shape_cast %reduce_sum3A_2010 : vector<1xf32> to vector<1x1xf32>
    %reduce_sum3A_2012 = arith.constant dense<0.000000e+00> : vector<1xf32>
    %reduce_sum3A_2013 = vector.multi_reduction <add>, %logistic3A_2008, %reduce_sum3A_2012 [0] : vector<199x1xf32> to vector<1xf32>
    %broadcast_in_dim3A_2014 = vector.shape_cast %reduce_sum3A_2013 : vector<1xf32> to vector<1x1xf32>
    %add3A_2015 = arith.addf %broadcast_in_dim3A_2011, %broadcast_in_dim3A_2014 : vector<1x1xf32>
    %sub3A = arith.subf %add3A_1988, %add3A_2015 : vector<1x1xf32>
    %swap3A_2016 = arith.constant 0 : index
    %swap3A_2017 = arith.constant 0 : index
    %swap3A_2018 = vector.load %arg9[%swap3A_2016, %swap3A_2017] : memref<1x1xf32, #tpu.memory_space<vmem>>, vector<1x1xf32>
    tpu.vector_store %arg9[%swap3A_2016, %swap3A_2017], %sub3A {strides = array<i32>} : memref<1x1xf32, #tpu.memory_space<vmem>>, vector<1x1xf32>,
    return
  }
}

</mosaic_0001>

<sc_bundles>
// kernel: kernel.4.cloned.1.call-start
scs
__scs_entry_jumppad:
0x0: {  	(pc) =	sbr.rel $0x88, $3  }
0x1: {  	(tag) =	ssettag $0x0;
	lr =	simm.s32 $0x1  }
0x2: {  	[smem:$0x3F95] =	sst lr;
	_ =	strace $0xD0000000  }
0x3: {  	_ = 	snop  }
0x4: {  	_ = 	snop  }
0x5: {  	_ = 	snop  }
0x6: {  	_ = 	snop  }
0x7: {  	_ = 	snop  }
__scs_overlays_trampoline_lowered:
0x8: {  	[smem:$0x3FA4] =	sst s0  }
0x9: {  	[smem:$0x3FA5] =	sst s1  }
0xa: {  	[smem:$0x3FA6] =	sst s2  }
0xb: {  	[smem:$0x3FA7] =	sst s3  }
0xc: {  	[smem:$0x3FA8] =	sst s4  }
0xd: {  	[smem:$0x3FA9] =	sst s5  }
0xe: {  	[smem:$0x3FAA] =	sst s6  }
0xf: {  	[smem:$0x3FAB] =	sst s7  }
0x10: {  	[smem:$0x3FAC] =	sst s8  }
0x11: {  	[smem:$0x3FAD] =	sst s9;
	s0 =	simm.s32 @!p0 $0x0  }
0x12: {  	s1 =	sld [smem:$0x3F93];
	s0 =	simm.s32 @p0 $0x1  }
0x13: {  	[smem:$0x3FAE] =	sst s0;
	s0 =	simm.s32 @!p1 $0x0  }
0x14: {  	s2 =	sld [smem:$0x3F92];
	s0 =	simm.s32 @p1 $0x1  }
0x15: {  	[smem:$0x3FAF] =	sst s0;
	s0 =	simm.s32 @!p2 $0x0  }
0x16: {  	s3 =	sld [smem:$0x3FDB];
	s0 =	simm.s32 @p2 $0x1  }
0x17: {  	s4 =	simm.s32 $0x1BF5;
	[smem:$0x3FB1] =	sst s0  }
0x18: {  	s0 =	sld [smem:$0x3F94];
	_ =	swait.ge [sflag:s4], $0x0  }
0x19: {  	s7 =	sld [smem:$0x3F95]  }
0x1a: {  	s8 =	sadd.s32 $0xFFFFE003, lr  }
0x1b: {  	s9 =	sadd.s32 $0xFFFFFEF7, lr;
	s5 =	simm.s32 $0xFFFFFFFF;
	p2 =	slt.u32 s8, $0xFFFFF086  }
0x1c: {  	p1 =	slt.u32 s9, $0xF7A;
	s5 =	simm.s32 @!p2 $0x0  }
0x1d: {  	s5 =	simm.s32 @p1 $0x1;
	p0 =	seq.s32 s7, s2  }
0x1e: {  	s7 =	smul.u32 @!p0 $0xF7A, s2;
	p2 =	seq.s32 @!p0 s5, $0x0  }
0x1f: {  	s9 =	smul.u32 $0xF7A, s1;
	s8 =	simm.s32 @!p0 $0x1BF5;
	p2 =	por !p2, p0  }
0x20: {  	[sflag:s8] =	ssyncset.s32 @!p0 $0xFFFFF086;
	s6 =	sadd.s32 @!p0 s3, s7;
	s7 =	simm.s32 @!p0 $0x108  }
0x21: {  	s3 =	sadd.s32 s3, s9;
	s6 =	sadd.s32 @!p0 $0x88, s6;
	s7 =	simm.s32 @p2 $0x1082  }
0x22: {  	[simem:s7], [sflag:s8] =	dma.local @!p0 [hbm:s6], $0xF7A  }
0x23: {  	s9 =	sor.u32 $0xD0000000, s2;
	s6 =	simm.s32 $0x108;
	_ =	swait.ge @!p0 [sflag:s8], $0x0  }
0x24: {  	s3 =	sadd.s32 $0x88, s3;
	s6 =	simm.s32 @!p1 $0x1082;
	[sflag:s4] =	ssyncset.s32 $0xFFFFF086  }
0x25: {  	[simem:s6], [sflag:s4] =	dma.local [hbm:s3], $0xF7A  }
0x26: {  	[smem:$0x3F95] =	sst s1;
	(tag) =	ssettag s2;
	_ =	strace s9  }
0x27: {  	s1 =	sld [smem:$0x3FA5]  }
0x28: {  	s2 =	sld [smem:$0x3FA6]  }
0x29: {  	s4 =	sld [smem:$0x3FA8]  }
0x2a: {  	p0 =	seq.s32 s5, $0x0;
	s5 =	sld [smem:$0x3FA9]  }
0x2b: {  	s6 =	sld [smem:$0x3FAA]  }
0x2c: {  	s7 =	sld [smem:$0x3FAB]  }
0x2d: {  	s3 =	simm.s32 $0x108;
	s8 =	sld [smem:$0x3FAC]  }
0x2e: {  	s3 =	simm.s32 @!p0 $0x1082;
	s9 =	sld [smem:$0x3FAD]  }
0x2f: {  	lr =	sadd.s32 s0, s3;
	s0 =	sld [smem:$0x3FA4]  }
0x30: {  	s3 =	sld [smem:$0x3FA7]  }
0x31: {  	[smem:$0x3FB0] =	sst s10  }
0x32: {  	s10 =	sld [smem:$0x3FAE];
	_ =	sdelay $0x3  }
0x33: {  	p0 =	seq.s32 s10, $0x1;
	s10 =	sld [smem:$0x3FB0];
	_ =	sdelay $0x3  }
0x34: {  	[smem:$0x3FB0] =	sst s10  }
0x35: {  	s10 =	sld [smem:$0x3FAF];
	_ =	sdelay $0x3  }
0x36: {  	p1 =	seq.s32 s10, $0x1;
	s10 =	sld [smem:$0x3FB0];
	_ =	sdelay $0x3  }
0x37: {  	[smem:$0x3FB0] =	sst s10  }
0x38: {  	s10 =	sld [smem:$0x3FB1]  }
0x39: {  	_ = 	snop;
	(pc) =	sbr.ind lr, $3  }
0x3a: {  	_ = 	snop  }
0x3b: {  	_ = 	snop  }
0x3c: {  	p2 =	seq.s32 s10, $0x1;
	s10 =	sld [smem:$0x3FB0]  }
0x3d: {  	_ =	shalt  }
0x3e: {  	_ =	shalt  }
0x3f: {  	_ =	shalt  }
0x40: {  	_ =	shalt  }
0x41: {  	_ =	shalt  }
0x42: {  	_ =	shalt  }
0x43: {  	_ =	shalt  }
0x44: {  	_ =	shalt  }
0x45: {  	_ =	shalt  }
0x46: {  	_ =	shalt  }
0x47: {  	_ =	shalt  }
0x48: {  	_ =	shalt  }
0x49: {  	_ =	shalt  }
0x4a: {  	_ =	shalt  }
0x4b: {  	_ =	shalt  }
0x4c: {  	_ =	shalt  }
0x4d: {  	_ =	shalt  }
0x4e: {  	_ =	shalt  }
0x4f: {  	_ =	shalt  }
0x50: {  	_ =	shalt  }
0x51: {  	_ =	shalt  }
0x52: {  	_ =	shalt  }
0x53: {  	_ =	shalt  }
0x54: {  	_ =	shalt  }
0x55: {  	_ =	shalt  }
0x56: {  	_ =	shalt  }
0x57: {  	_ =	shalt  }
0x58: {  	_ =	shalt  }
0x59: {  	_ =	shalt  }
0x5a: {  	_ =	shalt  }
0x5b: {  	_ =	shalt  }
0x5c: {  	_ =	shalt  }
0x5d: {  	_ =	shalt  }
0x5e: {  	_ =	shalt  }
0x5f: {  	_ =	shalt  }
0x60: {  	_ =	shalt  }
0x61: {  	_ =	shalt  }
0x62: {  	_ =	shalt  }
0x63: {  	_ =	shalt  }
0x64: {  	_ =	shalt  }
0x65: {  	_ =	shalt  }
0x66: {  	_ =	shalt  }
0x67: {  	_ =	shalt  }
0x68: {  	_ =	shalt  }
0x69: {  	_ =	shalt  }
0x6a: {  	_ =	shalt  }
0x6b: {  	_ =	shalt  }
0x6c: {  	_ =	shalt  }
0x6d: {  	_ =	shalt  }
0x6e: {  	_ =	shalt  }
0x6f: {  	_ =	shalt  }
0x70: {  	_ =	shalt  }
0x71: {  	_ =	shalt  }
0x72: {  	_ =	shalt  }
0x73: {  	_ =	shalt  }
0x74: {  	_ =	shalt  }
0x75: {  	_ =	shalt  }
0x76: {  	_ =	shalt  }
0x77: {  	_ =	shalt  }
0x78: {  	_ =	shalt  }
0x79: {  	_ =	shalt  }
0x7a: {  	_ =	shalt  }
0x7b: {  	_ =	shalt  }
0x7c: {  	_ =	shalt  }
0x7d: {  	_ =	shalt  }
0x7e: {  	_ =	shalt  }
0x7f: {  	_ =	shalt  }
0x80: {  	_ =	shalt  }
0x81: {  	_ =	shalt  }
0x82: {  	_ =	shalt  }
0x83: {  	_ =	shalt  }
0x84: {  	_ =	shalt  }
0x85: {  	_ =	shalt  }
0x86: {  	_ =	shalt  }
0x87: {  	_ =	shalt  }
.Lfunc_end0:
.L_simem_size_0:
called_computation_lowered:
.L_overlay_start_0:
0x88: {  	s2 =	sld [smem:$0x3FD9]  }
0x89: {  	s3 =	sld [smem:$0x3FFE];
	_ =	sdelay $0x1  }
0x8a: {  	s1 =	srdreg.scid  }
0x8b: {  	s0 =	sand.u32 $0x1, s1  }
0x8c: {  	s17 =	sshll.u32 s0, $0xA;
	s2 =	sadd.s32 s3, s2  }
0x8d: {  	s2 =	sadd.s32 s2, s17  }
0x8e: {  	[smem:$0x3FBC] =	sst s2  }
0x8f: {  	_ = 	snop  }
0x90: {  	s2 =	sld [smem:$0x3FC9];
	(tm) =	ssettm $0x1  }
0x91: {  	s18 =	sld [smem:$0x3FFB];
	_ =	sdelay $0x3  }
0x92: {  	_ =	strace s18  }
0x93: {  	s3 =	sld [smem:$0x3FFC];
	_ =	sdelay $0x3  }
0x94: {  	_ =	strace s3  }
0x95: {  	s3 =	sld [smem:$0x3FFD];
	_ =	sdelay $0x3  }
0x96: {  	_ =	strace s3  }
0x97: {  	_ =	strace $0x8FFFFFFF  }
0x98: {  	s19 =	sld [smem:$0x3FDB];
	_ =	sdelay $0x1  }
0x99: {  	s4 =	simm.s32 $_scs_section_size  }
0x9a: {  	s5 =	simm.s32 $_size__tile_overlayer_lowered;
	s6 =	simm.s32 $_tile_overlayer_lowered  }
0x9b: {  	s22 =	simm.s32 $0x1BFF;
	s21 =	sshll.u32 s6, $0x1;
	s3 =	sadd.s32 s4, s19  }
0x9c: {  	s7 =	simm.s32 $0x0;
	s20 =	sshll.u32 s5, $0x1;
	s5 =	sadd.s32 s21, s3  }
0x9d: {  	[timem:s7], [sflag:s22] =	dma.local [hbm:s5], s20  }
0x9e: {  	_ =	swait.ge [sflag:s22], s20  }
0x9f: {  	s4 =	ssub.s32 $0x0, s20;
	[sflag:s22] =	ssyncset.done $0x0  }
0xa0: {  	[sflag:s22] =	ssyncadd.s32 s4;
	_ =	sdelay $0x1  }
0xa1: {  	s23 =	simm.s32 $0x1B8B  }
0xa2: {  	_ =	swait.ge [sflag:s23], $0x1  }
0xa3: {  	[sflag:s23] =	ssyncset.done $0x0  }
0xa4: {  	s25 =	simm.s32 $0x1B8E;
	s24 =	sld [smem:$0x3FFE];
	[sflag:s23] =	ssyncadd.s32 $0xFFFFFFFF  }
0xa5: {  	s26 =	simm.s32 $execute0_lowered;
	[smem:$0x3FD2] =	sst s25  }
0xa6: {  	s5 =	sshll.u32 s26, $0x1;
	_ =	strace $0x80000046;
	[dreg:$0x1] =	wrdreg $0xFFFFFFFF  }
0xa7: {  	s28 =	simm.s32 $_size_execute0_lowered;
	s3 =	sadd.s32 s3, s5;
	[dreg:$0x0] =	wrdreg $0x0  }
0xa8: {  	s5 =	sshll.u32 s28, $0x1;
	[dreg:$0x2] =	wrdreg s3  }
0xa9: {  	[dreg:$0x3] =	wrdreg s5  }
0xaa: {  	[dreg:$0x4] =	wrdreg $0xC0  }
0xab: {  	_ =	task [dreg:s7], $0x5FFFF  }
0xac: {  	[dreg:$0x1] =	wrdreg $0xFFFFFFFF  }
0xad: {  	[dreg:$0x0] =	wrdreg $0x60  }
0xae: {  	[dreg:$0x2] =	wrdreg s2  }
0xaf: {  	[dreg:$0x3] =	wrdreg s24  }
0xb0: {  	[dreg:$0x4] =	wrdreg $0x9  }
0xb1: {  	_ =	task.clear_ibuf [dreg:s7], $0x5FFFF;
	_ =	strace $0x90000046  }
0xb2: {  	s29 =	simm.s32 $0x9;
	_ =	strace $0x80000048  }
0xb3: {  	_ =	swait.ge [sflag:s29], $0x1  }
0xb4: {  	[sflag:s29] =	ssyncadd.s32 $0xFFFFFFFF  }
0xb5: {  	_ =	strace $0x90000048  }
0xb6: {  	_ =	sfence  }
0xb7: {  	s30 =	sld [smem:$0x0];
	_ =	sdelay $0x2  }
0xb8: {  	s31 =	sshll.u32 s1, $0xD;
	s1 =	sshrl.u32 s1, $0x2  }
0xb9: {  	s3 =	sand.u32 $0x4000, s31;
	s1 =	sadd.s32 s1, s30  }
0xba: {  	s0 =	sor.u32 s3, s0;
	s1 =	sshll.u32 s1, $0x11  }
0xbb: {  	s0 =	sor.u32 s1, s0  }
0xbc: {  	s0 =	sadd.s32 $0x8F2B, s0  }
0xbd: {  	[sflag:s0] =	ssyncadd.remote.s32 $0x1  }
0xbe: {  	_ =	sfence.sel $0xFFFF  }
0xbf: {  	[dreg:$0x0] =	wrdreg $0xFFFFFFFF;
	(pc) =	sbr.abs _section_cstart, $3  }
0xc0: {  	[dreg:$0x1] =	wrdreg $0xFFFFFFFF  }
0xc1: {  	_ =	task.clear_ibuf [dreg:s7], $0x2FFFF;
	_ =	strace $0x9FFFFFFF  }
0xc2: {  	(tm) =	ssettm $0x7FFFFFFF  }
0xc3: {  	_ =	shalt  }
tec
execute0_lowered:
.L_overlay_start_1:
0x0: {  	(tag) =	ssettag $0x1  }
0x1: {  	s1 =	srdreg.scid;
	s0 =	stileid.u32  }
0x2: {  	s16 =	sand.u32 $0x1, s1;
	s29 =	sshll.u32 s0, $0x1  }
0x3: {  	s2 =	rddreg [dreg:$0x0];
	s17 =	sor.u32 s16, s29  }
0x4: {  	s18 =	rddreg [dreg:$0x1];
	s4 =	smul.u32 $0x4B, s17  }
0x5: {  	s3 =	simm.s32 $0x0;
	s1 =	rddreg [dreg:$0x2]  }
0x6: {  	[smem:$0x7FF] =	sst s3;
	s4 =	sadd.s32 s4, s18  }
0x7: {  	_ =	strace $0x80000047;
	s5 =	sadd.s32 $0xE00, s4;
	s4 =	simm.s32 $0x2  }
0x8: {  	[tilespmem:s3], [sflag:$0x2] =	stream.linear.gather [hbm4b:s5+s3], $0x258, $0x38;
	[tilespmem:$0x12E80] =	vst v63  }
0x9: {  	_ =	swait.ge [sflag:s4], $0x258  }
0xa: {  	[sflag:s4] =	ssyncset.done $0x0  }
0xb: {  	s6 =	simm.s32 $0x78;
	s7 =	simm.s32 $0x280;
	[sflag:s4] =	ssyncadd.s32 $0xFFFFFDA8  }
0xc: {  	[tilespmem:s7], [sflag:$0x1] =	stream.indirect.gather [hbm4b:s2+s6], $0x80, s3, s6, $0xb8;
	[tilespmem:$0x12E80] =	vst v63  }
0xd: {  	s8 =	simm.s32 $0x3E80  }
0xe: {  	[tilespmem:s8], [sflag:$0x1] =	stream.indirect.gather [hbm4b:s2+s6], $0x80, s6, s6, $0xb8;
	[tilespmem:$0x12E80] =	vst v63  }
0xf: {  	s9 =	simm.s32 $0xF0;
	s10 =	simm.s32 $0x7A80  }
0x10: {  	[tilespmem:s10], [sflag:$0x1] =	stream.indirect.gather [hbm4b:s2+s6], $0x80, s9, s6, $0xb8;
	[tilespmem:$0x12E80] =	vst v63  }
0x11: {  	s11 =	simm.s32 $0x168;
	s12 =	simm.s32 $0xB680  }
0x12: {  	[tilespmem:s12], [sflag:$0x1] =	stream.indirect.gather [hbm4b:s2+s6], $0x80, s11, s6, $0xb8;
	[tilespmem:$0x12E80] =	vst v63  }
0x13: {  	s13 =	simm.s32 $0x1E0;
	s14 =	simm.s32 $0xF280;
	s15 =	simm.s32 $0x1  }
0x14: {  	[tilespmem:s14], [sflag:$0x1] =	stream.indirect.gather [hbm4b:s2+s6], $0x80, s13, s6, $0xb8;
	[tilespmem:$0x12E80] =	vst v63  }
0x15: {  	_ =	swait.ge [sflag:s15], $0x3C00  }
0x16: {  	[sflag:s15] =	ssyncset.done $0x0  }
0x17: {  	[sflag:s15] =	ssyncadd.s32 $0xFFFFC400  }
0x18: {  	_ =	swait.ge [sflag:s15], $0x3C00  }
0x19: {  	[sflag:s15] =	ssyncset.done $0x0  }
0x1a: {  	[sflag:s15] =	ssyncadd.s32 $0xFFFFC400  }
0x1b: {  	_ =	swait.ge [sflag:s15], $0x3C00  }
0x1c: {  	[sflag:s15] =	ssyncset.done $0x0  }
0x1d: {  	s16 =	ssub.s32 $0x2, s16;
	[sflag:s15] =	ssyncadd.s32 $0xFFFFC400  }
0x1e: {  	s19 =	sshrl.u32 s16, $0x1;
	_ =	swait.ge [sflag:s15], $0x3C00  }
0x1f: {  	s30 =	ssub.s32 s16, s19;
	[sflag:s15] =	ssyncset.done $0x0  }
0x20: {  	s17 =	smul.u32 $0x2580, s17;
	s31 =	smax.u32 s30, $0x1;
	[sflag:s15] =	ssyncadd.s32 $0xFFFFC400  }
0x21: {  	p0 =	sne.s32 s31, $0x1;
	_ =	swait.ge [sflag:s15], $0x3C00  }
.Ltmp0:
0x22: {  	s17 =	sadd.s32 s17, s18;
	[sflag:s15] =	ssyncset.done $0x0;
	(pc) =	sbr.rel @!p0 .LBB2_2-.Ltmp0, $4  }
0x23: {  	s16 =	sadd.s32 $0x1800, s17;
	[sflag:s15] =	ssyncadd.s32 $0xFFFFC400  }
0x24: {  	[hbm4b:s16+s3] =	stream.linear.scatter [tilespmem:s7], [sflag:$0x2], $0x12C00, $0x38;
	[tilespmem:$0x12E80] =	vst v63  }
0x25: {  	_ =	swait.ge [sflag:s4], $0x12C00  }
0x26: {  	s17 =	sadd.s32 $0xFFFFFFFF, s31;
	[sflag:s4] =	ssyncset.done $0x0  }
.LBB2_1:
0x27: {  	p0 =	sne.s32 s17, $0x1;
	s17 =	sadd.s32 $0xFFFFFFFF, s17;
	[sflag:s4] =	ssyncadd.s32 $0xFFFED400  }
0x28: {  	[tilespmem:s3], [sflag:$0x2] =	stream.linear.gather [hbm4b:s5+s3], $0x258, $0x38;
	[tilespmem:$0x12E80] =	vst v63  }
0x29: {  	_ =	swait.ge [sflag:s4], $0x258  }
0x2a: {  	[sflag:s4] =	ssyncset.done $0x0  }
0x2b: {  	[sflag:s4] =	ssyncadd.s32 $0xFFFFFDA8  }
0x2c: {  	[tilespmem:s7], [sflag:$0x1] =	stream.indirect.gather [hbm4b:s2+s6], $0x80, s3, s6, $0xb8;
	[tilespmem:$0x12E80] =	vst v63  }
0x2d: {  	_ = 	snop  }
0x2e: {  	[tilespmem:s8], [sflag:$0x1] =	stream.indirect.gather [hbm4b:s2+s6], $0x80, s6, s6, $0xb8;
	[tilespmem:$0x12E80] =	vst v63  }
0x2f: {  	_ = 	snop  }
0x30: {  	[tilespmem:s10], [sflag:$0x1] =	stream.indirect.gather [hbm4b:s2+s6], $0x80, s9, s6, $0xb8;
	[tilespmem:$0x12E80] =	vst v63  }
0x31: {  	_ = 	snop  }
0x32: {  	[tilespmem:s12], [sflag:$0x1] =	stream.indirect.gather [hbm4b:s2+s6], $0x80, s11, s6, $0xb8;
	[tilespmem:$0x12E80] =	vst v63  }
0x33: {  	_ = 	snop  }
0x34: {  	[tilespmem:s14], [sflag:$0x1] =	stream.indirect.gather [hbm4b:s2+s6], $0x80, s13, s6, $0xb8;
	[tilespmem:$0x12E80] =	vst v63  }
0x35: {  	_ =	swait.ge [sflag:s15], $0x3C00  }
0x36: {  	[sflag:s15] =	ssyncset.done $0x0  }
0x37: {  	[sflag:s15] =	ssyncadd.s32 $0xFFFFC400  }
0x38: {  	_ =	swait.ge [sflag:s15], $0x3C00  }
0x39: {  	[sflag:s15] =	ssyncset.done $0x0  }
0x3a: {  	[sflag:s15] =	ssyncadd.s32 $0xFFFFC400  }
0x3b: {  	_ =	swait.ge [sflag:s15], $0x3C00  }
0x3c: {  	[sflag:s15] =	ssyncset.done $0x0  }
0x3d: {  	[sflag:s15] =	ssyncadd.s32 $0xFFFFC400  }
0x3e: {  	_ =	swait.ge [sflag:s15], $0x3C00  }
0x3f: {  	[sflag:s15] =	ssyncset.done $0x0  }
0x40: {  	[sflag:s15] =	ssyncadd.s32 $0xFFFFC400  }
0x41: {  	_ =	swait.ge [sflag:s15], $0x3C00  }
.Ltmp1:
0x42: {  	[sflag:s15] =	ssyncset.done $0x0;
	(pc) =	sbr.rel @p0 .LBB2_1-.Ltmp1, $4  }
0x43: {  	[sflag:s15] =	ssyncadd.s32 $0xFFFFC400  }
0x44: {  	[hbm4b:s16+s3] =	stream.linear.scatter [tilespmem:s7], [sflag:$0x2], $0x12C00, $0x38;
	[tilespmem:$0x12E80] =	vst v63  }
0x45: {  	_ =	swait.ge [sflag:s4], $0x12C00  }
0x46: {  	[sflag:s4] =	ssyncset.done $0x0  }
.LBB2_2:
0x47: {  	[sflag:s4] =	ssyncadd.s32 $0xFFFED400  }
0x48: {  	_ =	sfence.sel $0x180000  }
0x49: {  	[bflag:$0x0] =	sbarrier.arrive $0xFFFF  }
0x4a: {  	p0 =	sne.s32 s0, $0x0;
	_ =	strace $0x90000047  }
0x4b: {  	s0 =	sadd.s32 @!p0 $0x100000, s1;
	[bflag:$0x2] =	sbarrier.arrive $0xFFFF  }
0x4c: {  	[sflag:s0] =	ssyncadd.tile.s32 @!p0 $0x1;
	_ =	shalt  }
.Lfunc_end2:
_tile_overlayer_lowered:
.L_overlay_start_2:
0x4d: {  	(tag) =	ssettag $0x2  }
0x4e: {  	s0 =	rddreg [dreg:$0x0];
	s2 =	stileid.u32  }
0x4f: {  	s1 =	rddreg [dreg:$0x1];
	p0 =	sne.s32 s2, $0x0  }
0x50: {  	s3 =	rddreg [dreg:$0x2];
	[bflag:$0x3] =	sbarrier.arrive $0xFFFF;
	s2 =	simm.s32 @!p0 $0x1C02  }
0x51: {  	[timem:s3], [sflag:s2] =	dma.local @!p0 [hbm:s0], s1  }
0x52: {  	s0 =	simm.s32 @!p0 $0x2  }
0x53: {  	_ =	swait.ge @!p0 [sflag:s0], s1  }
0x54: {  	s1 =	ssub.s32 @!p0 $0x0, s1;
	[sflag:s0] =	ssyncset.done @!p0 $0x0  }
0x55: {  	[sflag:s0] =	ssyncadd.s32 @!p0 s1  }
0x56: {  	[bflag:$0x3] =	sbarrier.arrive $0xFFFF  }
0x57: {  	_ =	shalt  }

</sc_bundles>
